<compile_context>
chip_gen: v7x
topology: tpu7x:2x2x1
jax: 0.10.2.dev20260603
libtpu: 0.0.44.dev20260713+nightly
codegen_flags: <defaults>
</compile_context>

<pallas_src>
import functools

import jax
import jax.numpy as jnp
from jax.experimental import pallas as pl
from jax.experimental.pallas import tpu as pltpu
from jax.experimental.pallas import tpu_sc as plsc

B, NQ, DQ = 2, 100, 256
DKV, H, W = 192, 224, 224
HEADS, DH = 8, 32
INNER = HEADS * DH
TOPW, WS, FACTOR = 4, 8, 2
HC, WC = H // FACTOR, W // FACTOR
M, N = HC // WS, WC // WS
NWIN = M * N
WS2 = WS * WS
PATCH = DKV * FACTOR * FACTOR
BQ = B * NQ
KLEN = TOPW * WS2

_PREC = jax.lax.Precision.DEFAULT


def _dot(a, b, dims, prec=_PREC):
    return jax.lax.dot_general(a, b, (dims, ((), ())),
                               precision=prec,
                               preferred_element_type=jnp.float32)


def _dot_f(a, b, dims):
    return _dot(a, b, dims, prec=jax.lax.Precision.DEFAULT)


def _ln_rows(x, w, b, eps=1e-5):
    mu = jnp.mean(x, axis=-1, keepdims=True)
    var = jnp.mean((x - mu) ** 2, axis=-1, keepdims=True)
    return (x - mu) * jax.lax.rsqrt(var + eps) * w + b


def _softmax_one(x, axis):
    m = jnp.max(x, axis=axis, keepdims=True)
    ex = jnp.exp(x - m)
    return ex / (1.0 + jnp.sum(ex, axis=axis, keepdims=True))


WCHUNK = 8
PCHUNK = 1568


ICH = 8


def _conv_body(img_ref, wA_ref, wB_ref, bias_ref, xpix_ref):
    for r in range(ICH):
        lhs2 = jnp.concatenate(
            [img_ref[0, :, r, 0, :], img_ref[0, :, r, 1, :]], axis=0)
        f0 = _dot(lhs2, wA_ref[...], ((0,), (0,)))
        f1 = _dot(lhs2, wB_ref[...], ((0,), (0,)))
        even = (f0.reshape(WC, FACTOR, INNER)[:, 0, :]
                + f1.reshape(WC, FACTOR, INNER)[:, 1, :])
        xpix_ref[pl.ds(r * WC, WC), :] = even + bias_ref[...]


def _stage1a(image5, wA, wB, bias):
    return pl.pallas_call(
        _conv_body,
        grid=(B, HC // ICH),
        in_specs=[
            pl.BlockSpec((1, DKV, ICH, FACTOR, W),
                         lambda b, i: (b, 0, i, 0, 0)),
            pl.BlockSpec((2 * DKV, INNER), lambda b, i: (0, 0)),
            pl.BlockSpec((2 * DKV, INNER), lambda b, i: (0, 0)),
            pl.BlockSpec((1, INNER), lambda b, i: (0, 0)),
        ],
        out_specs=pl.BlockSpec((ICH * WC, INNER),
                               lambda b, i: (b * (HC // ICH) + i, 0)),
        out_shape=jax.ShapeDtypeStruct((B * HC * WC, INNER), jnp.float32),
    )(image5, wA, wB, bias)


def _stage1b_body(xwin_ref, imagew_ref):
    xw = xwin_ref[...].reshape(WCHUNK * WS2, INNER)
    scalei = DKV ** (-0.5)
    x3 = xwin_ref[...]
    cor = jax.lax.dot_general(
        x3, x3, (((2,), (2,)), ((0,), (0,))),
        precision=_PREC, preferred_element_type=jnp.float32) * scalei
    cor = _softmax_one(cor.reshape(WCHUNK * WS2, WS2), axis=-1)
    cor = jnp.sum(cor.reshape(WCHUNK, WS2, WS2), axis=1)
    cor = _softmax_one(cor, axis=-1)
    for wdx in range(WCHUNK):
        imagew_ref[wdx, :] = _dot(
            cor[wdx], xw[wdx * WS2:(wdx + 1) * WS2], ((0,), (0,)))


def _stage1b(xwin):
    nwin_total = B * NWIN
    return pl.pallas_call(
        _stage1b_body,
        grid=(nwin_total // WCHUNK,),
        in_specs=[pl.BlockSpec((WCHUNK, WS2, INNER), lambda i: (i, 0, 0))],
        out_specs=pl.BlockSpec((WCHUNK, INNER), lambda i: (i, 0)),
        out_shape=jax.ShapeDtypeStruct((nwin_total, INNER), jnp.float32),
    )(xwin)


def _stage2_body(query_ref, nw_ref, nb_ref, wq_ref, imagew_ref,
                 q_ref, gidx_ref):
    qn = _ln_rows(query_ref[...], nw_ref[...], nb_ref[...])
    q = _dot(qn, wq_ref[...], ((1,), (1,)))
    q_ref[...] = q
    scale = INNER ** (-0.5)
    ar0 = _dot(q[:NQ], imagew_ref[:NWIN], ((1,), (1,))) * scale
    ar1 = _dot(q[NQ:], imagew_ref[NWIN:], ((1,), (1,))) * scale
    ar = jnp.concatenate([ar0, ar1], axis=0)
    col = jax.lax.broadcasted_iota(jnp.int32, ar.shape, 1)
    base = jax.lax.broadcasted_iota(jnp.int32, (BQ, 1), 0)
    base = jnp.where(base >= NQ, NWIN, 0)
    for t in range(TOPW):
        m = jnp.max(ar, axis=-1, keepdims=True)
        cand = jnp.where(ar >= m, col, jnp.int32(2 ** 30))
        idx = jnp.min(cand, axis=-1, keepdims=True)
        for kq in range(4):
            gidx_ref[:, 4 * t + kq:4 * t + kq + 1] = 4 * (idx + base) + kq
        ar = jnp.where(col == idx, jnp.float32(-1e30), ar)


def _stage2(query2d, normq_w, normq_b, wq, imagew):
    return pl.pallas_call(
        _stage2_body,
        out_shape=[
            jax.ShapeDtypeStruct((BQ, INNER), jnp.float32),
            jax.ShapeDtypeStruct((BQ, 4 * TOPW), jnp.int32),
        ],
    )(query2d, normq_w, normq_b, wq, imagew)


NWORK = 32
QROW = WS2 * INNER // 4
QSLOTS = BQ * TOPW * 4
SPW = 104
QPAD = NWORK * SPW
GC = 8
NCHUNK = SPW // GC


def _sc_gather_body(table_hbm, idx_hbm, out_hbm, idx_v, b0, b1, sems):
    wid = jax.lax.axis_index("s") * 2 + jax.lax.axis_index("c")
    pltpu.sync_copy(idx_hbm.at[wid], idx_v)
    base = wid * SPW
    bufs = (b0, b1)
    gd = [None, None]
    sd = [None, None]
    for j in range(NCHUNK):
        p = j % 2
        if gd[p] is not None:
            sd[p].wait()
        src = table_hbm.at[idx_v.at[0, pl.ds(j * GC, GC)]]
        gd[p] = pltpu.async_copy(src, bufs[p], sems.at[p])
        if j > 0:
            q = (j - 1) % 2
            gd[q].wait()
            sd[q] = pltpu.async_copy(
                bufs[q], out_hbm.at[pl.ds(base + (j - 1) * GC, GC)],
                sems.at[2 + q])
    last = (NCHUNK - 1) % 2
    gd[last].wait()
    pltpu.sync_copy(bufs[last], out_hbm.at[pl.ds(base + (NCHUNK - 1) * GC, GC)])
    sd[1 - last].wait()


def _sc_gather(table, idx3):
    mesh = plsc.VectorSubcoreMesh(core_axis_name="c", subcore_axis_name="s",
                                  num_cores=2, num_subcores=16)
    return pl.kernel(
        _sc_gather_body,
        out_type=jax.ShapeDtypeStruct((QPAD, QROW), jnp.float32),
        mesh=mesh,
        scratch_types=[
            pltpu.VMEM((1, SPW), jnp.int32),
            pltpu.VMEM((GC, QROW), jnp.float32),
            pltpu.VMEM((GC, QROW), jnp.float32),
            pltpu.SemaphoreType.DMA((4,)),
        ],
    )(table, idx3)


QB = 4


def _stage3_body(p_ref, pos_ref, nw_ref, nb_ref, wk_ref, wv_ref, q_ref,
                 out_ref):
    kv = p_ref[...].reshape(QB * KLEN, INNER)
    kv = kv + jnp.concatenate([pos_ref[...]] * QB, axis=0)
    kv = _ln_rows(kv, nw_ref[...], nb_ref[...])
    k = _dot_f(kv, wk_ref[...], ((1,), (1,)))
    v = _dot_f(kv, wv_ref[...], ((1,), (1,)))
    fi = jax.lax.broadcasted_iota(jnp.int32, (INNER, HEADS), 0)
    hi = jax.lax.broadcasted_iota(jnp.int32, (INNER, HEADS), 1)
    sel = (fi // DH == hi).astype(jnp.float32)
    for qq in range(QB):
        ks = k[qq * KLEN:(qq + 1) * KLEN]
        vs = v[qq * KLEN:(qq + 1) * KLEN]
        qv = q_ref[0, qq:qq + 1, :]
        dots = _dot_f(ks * qv, sel, ((1,), (0,))) * (DH ** (-0.5))
        dots = dots - jnp.max(dots, axis=0, keepdims=True)
        ex = jnp.exp(dots)
        attn = ex / jnp.sum(ex, axis=0, keepdims=True)
        attn_e = _dot_f(attn, sel, ((1,), (1,)))
        out_ref[0, qq, :] = jnp.sum(vs * attn_e, axis=0)


def _stage3(gidx, xwin, pos, normkv_w, normkv_b, wk, wv, q3d):
    flat = gidx.reshape(QSLOTS)
    idx3 = jnp.concatenate(
        [flat, jnp.zeros((QPAD - QSLOTS,), jnp.int32)]).reshape(NWORK, 1, SPW)
    props = _sc_gather(xwin.reshape(B * NWIN * 4, QROW), idx3)
    return pl.pallas_call(
        _stage3_body,
        grid=(BQ // QB,),
        in_specs=[
            pl.BlockSpec((QB * 16, QROW), lambda i: (i, 0)),
            pl.BlockSpec((KLEN, INNER), lambda i: (0, 0)),
            pl.BlockSpec((1, INNER), lambda i: (0, 0)),
            pl.BlockSpec((1, INNER), lambda i: (0, 0)),
            pl.BlockSpec((INNER, INNER), lambda i: (0, 0)),
            pl.BlockSpec((INNER, INNER), lambda i: (0, 0)),
            pl.BlockSpec((1, QB, INNER), lambda i: (i, 0, 0)),
        ],
        out_specs=pl.BlockSpec((1, QB, INNER), lambda i: (i, 0, 0)),
        out_shape=jax.ShapeDtypeStruct((BQ // QB, QB, INNER), jnp.float32),
    )(props, pos, normkv_w, normkv_b, wk, wv,
      q3d.reshape(BQ // QB, QB, INNER))


def _stage4_body(att_ref, query_ref, wrec_ref, nw_ref, nb_ref,
                 w1_ref, b1_ref, w2_ref, b2_ref, out_ref):
    out = _dot_f(att_ref[...], wrec_ref[...], ((1,), (1,))) + query_ref[...]
    h = _ln_rows(out, nw_ref[...], nb_ref[...])
    h = jnp.maximum(_dot_f(h, w1_ref[...], ((1,), (1,))) + b1_ref[...], 0.0)
    h = _dot_f(h, w2_ref[...], ((1,), (1,))) + b2_ref[...]
    out_ref[...] = out + h


def _stage4(att2d, query2d, wrec, mlp_norm_w, mlp_norm_b,
            mlp_w1, mlp_b1, mlp_w2, mlp_b2):
    return pl.pallas_call(
        _stage4_body,
        out_shape=jax.ShapeDtypeStruct((BQ, DQ), jnp.float32),
    )(att2d, query2d, wrec, mlp_norm_w, mlp_norm_b,
      mlp_w1, mlp_b1, mlp_w2, mlp_b2)


@jax.jit
def kernel(query, image, conv_w, conv_b, key_pos_embed, normq_w, normq_b,
           normkv_w, normkv_b, Wq, Wk, Wv, Wrec, mlp_norm_w, mlp_norm_b,
           mlp_w1, mlp_b1, mlp_w2, mlp_b2):
    image5 = image.reshape(B, DKV, HC, FACTOR, W)
    wA = conv_w[:, :, :, 0].transpose(2, 1, 0).reshape(2 * DKV, INNER)
    wB = conv_w[:, :, :, 1].transpose(2, 1, 0).reshape(2 * DKV, INNER)
    xpix = _stage1a(image5, wA, wB, conv_b.reshape(1, INNER))
    xwin = xpix.reshape(B, WS, M, WS, N, INNER)
    xwin = xwin.transpose(0, 2, 4, 1, 3, 5).reshape(B * NWIN, WS2, INNER)
    imagew = _stage1b(xwin)

    q, gidx = _stage2(query.reshape(BQ, DQ), normq_w.reshape(1, DQ),
                      normq_b.reshape(1, DQ), Wq, imagew)

    att = _stage3(gidx, xwin, key_pos_embed.reshape(KLEN, INNER),
                  normkv_w.reshape(1, INNER), normkv_b.reshape(1, INNER),
                  Wk, Wv, q.reshape(BQ, 1, INNER))

    out = _stage4(att.reshape(BQ, INNER), query.reshape(BQ, DQ), Wrec,
                  mlp_norm_w.reshape(1, DQ), mlp_norm_b.reshape(1, DQ),
                  mlp_w1, mlp_b1.reshape(1, DQ), mlp_w2, mlp_b2.reshape(1, DQ))
    return out.reshape(B, NQ, DQ)

# --- scband reference (transcript-rebuilt; emitter-appended) ---
"""Pipeline reference for scband-topw-cross-attention-35107062677738 (READ-ONLY COPY).

The authoritative reference and input builder live on the scoring server;
editing this copy changes nothing except your own understanding.
"""

import jax, jax.numpy as jnp
import numpy as np

B, NQ, DQ = 2, 100, 256
DKV, H, W = 192, 224, 224
HEADS, DH = 8, 32
INNER = HEADS * DH
TOPW, WS, FACTOR = 4, 8, 2

def _ln(x, w, b, eps=1e-5):
    mu = jnp.mean(x, axis=-1, keepdims=True)
    var = jnp.mean((x - mu) ** 2, axis=-1, keepdims=True)
    return (x - mu) / jnp.sqrt(var + eps) * w + b

def softmax_one(x, axis=-1):
    x = x - jnp.max(x, axis=axis, keepdims=True)
    ex = jnp.exp(x)
    return ex / (1.0 + jnp.sum(ex, axis=axis, keepdims=True))

def setup_inputs(seed: int = 0):
    key = jax.random.key(seed)
    ks = [jax.random.fold_in(key, i) for i in range(20)]
    s = 0.02
    inp = {}
    inp['query'] = jax.random.normal(ks[0], (B, NQ, DQ), dtype=jnp.float32)
    inp['image'] = jax.random.normal(ks[1], (B, DKV, H, W), dtype=jnp.float32)
    inp['conv_w'] = jax.random.normal(ks[2], (INNER, DKV, FACTOR, FACTOR), dtype=jnp.float32) * s
    inp['conv_b'] = jnp.zeros((INNER,), dtype=jnp.float32)
    inp['key_pos_embed'] = jax.random.normal(ks[3], (1, TOPW * WS * WS, INNER), dtype=jnp.float32) * s
    inp['normq_w'] = jnp.ones((DQ,), dtype=jnp.float32)
    inp['normq_b'] = jnp.zeros((DQ,), dtype=jnp.float32)
    inp['normkv_w'] = jnp.ones((INNER,), dtype=jnp.float32)
    inp['normkv_b'] = jnp.zeros((INNER,), dtype=jnp.float32)
    inp['Wq'] = jax.random.normal(ks[4], (INNER, DQ), dtype=jnp.float32) * s
    inp['Wk'] = jax.random.normal(ks[5], (INNER, INNER), dtype=jnp.float32) * s
    inp['Wv'] = jax.random.normal(ks[6], (INNER, INNER), dtype=jnp.float32) * s
    inp['Wrec'] = jax.random.normal(ks[7], (DQ, INNER), dtype=jnp.float32) * s
    inp['mlp_norm_w'] = jnp.ones((DQ,), dtype=jnp.float32)
    inp['mlp_norm_b'] = jnp.zeros((DQ,), dtype=jnp.float32)
    inp['mlp_w1'] = jax.random.normal(ks[8], (DQ, DQ), dtype=jnp.float32) * s
    inp['mlp_b1'] = jnp.zeros((DQ,), dtype=jnp.float32)
    inp['mlp_w2'] = jax.random.normal(ks[9], (DQ, DQ), dtype=jnp.float32) * s
    inp['mlp_b2'] = jnp.zeros((DQ,), dtype=jnp.float32)
    return inp

def reference(query, image, conv_w, conv_b, key_pos_embed, normq_w, normq_b, normkv_w, normkv_b, Wq, Wk, Wv, Wrec, mlp_norm_w, mlp_norm_b, mlp_w1, mlp_b1, mlp_w2, mlp_b2):
    b = query.shape[0]
    Nq = query.shape[1]
    imagec = jax.lax.conv_general_dilated(image, conv_w, (FACTOR, FACTOR), 'VALID', dimension_numbers=('NCHW', 'OIHW', 'NCHW')) + conv_b[None, :, None, None]
    Hc, Wc = imagec.shape[2], imagec.shape[3]
    m, n = Hc // WS, Wc // WS
    # rearrange 'b c (h m) (w n) -> (b m n) (h w) c' with h=w=WS
    x = imagec.reshape(b, INNER, WS, m, WS, n)
    x = jnp.transpose(x, (0, 3, 5, 2, 4, 1)).reshape(b * m * n, WS * WS, INNER)
    scalei = DKV ** (-0.5)
    cor = jnp.einsum('bpc,bqc->bpq', x, x) * scalei
    cor = softmax_one(cor, axis=-1)
    cor = jnp.sum(cor, axis=1)
    cor = softmax_one(cor, axis=-1)[..., None]
    imagew = jnp.sum(x * cor, axis=1).reshape(b, m * n, INNER)
    q = _ln(query, normq_w, normq_b) @ Wq.T
    # window routing (detached, non-differentiable)
    attn_r = jnp.einsum('bqc,bmc->bqm', jax.lax.stop_gradient(q), jax.lax.stop_gradient(imagew)) * (INNER ** (-0.5))
    _, topw_idx = jax.lax.top_k(attn_r, TOPW)
    imgc4 = x.reshape(b, m * n, WS * WS, INNER)
    gath = jax.vmap(lambda im, ix: im[ix])(imgc4, topw_idx)  # (b, Nq, topw, ws2, c)
    props = gath.reshape(b * Nq, TOPW * WS * WS, INNER)
    props = props + key_pos_embed[:, :props.shape[1], :]
    kv = _ln(props, normkv_w, normkv_b)
    k = (kv @ Wk.T).reshape(b * Nq, -1, HEADS, DH).transpose(0, 2, 1, 3)
    v = (kv @ Wv.T).reshape(b * Nq, -1, HEADS, DH).transpose(0, 2, 1, 3)
    qh = q.reshape(b * Nq, HEADS, 1, DH)
    dots = jnp.einsum('bgac,bgnc->bgan', qh, k) * (DH ** (-0.5))
    attn = jax.nn.softmax(dots, axis=-1)
    out = jnp.einsum('bgan,bgnc->bgac', attn, v)[:, :, 0, :]
    out = out.reshape(b, Nq, INNER)
    out = out @ Wrec.T + query
    h = _ln(out, mlp_norm_w, mlp_norm_b)
    h = jax.nn.relu(h @ mlp_w1.T + mlp_b1)
    h = h @ mlp_w2.T + mlp_b2
    return out + h

if __name__ == "__main__":
    import jax
    _d = setup_inputs()
    print(jax.jit(kernel)(*tuple(_d.values())))

</pallas_src>

<mosaic_0001>
#map = affine_map<(d0, d1) -> (0, 0)>
#map1 = affine_map<(d0, d1) -> (0, 0, 0)>
module attributes {stable_mosaic.version = 14 : i64} {
  func.func @_sc_gather_body(%arg0: i32, %arg1: i32, %arg2: memref<1568x4096xf32, #tpu.memory_space<hbm>>, %arg3: memref<32x1x104xi32, #tpu.memory_space<hbm>>, %arg4: memref<3328x4096xf32, #tpu.memory_space<hbm>>, %arg5: memref<1x104xi32, #tpu.memory_space<vmem>>, %arg6: memref<8x4096xf32, #tpu.memory_space<vmem>>, %arg7: memref<8x4096xf32, #tpu.memory_space<vmem>>, %arg8: memref<4x!tpu.dma_semaphore, #tpu.memory_space<semaphore_mem>>) attributes {dimension_semantics = [#tpu.dimension_semantics<core_parallel>, #tpu.dimension_semantics<subcore_parallel>], iteration_bounds = array<i64: 2, 16>, scalar_prefetch = 0 : i64, scratch_operands = 4 : i64, tpu.core_type = #tpu.core_type<sc_vector_subcore>, window_params = [{transform_indices = #map}, {transform_indices = #map1}, {transform_indices = #map}]} {
    %mul3A = arith.constant 2 : i32
    %mul3A_0 = arith.muli %arg1, %mul3A : i32
    %add3A = arith.addi %mul3A_0, %arg0 : i32
    "tpu.region"() ({
      %run_scoped3A = tpu.sem_alloc : memref<!tpu.dma_semaphore, #tpu.memory_space<semaphore_mem>>
      %dma_start3A_455 = arith.constant 0 : i32
      %dma_start3A_456 = arith.constant 0 : i32
      %dma_start3A_457 = tpu.memref_slice %arg3[%add3A, %dma_start3A_455, %dma_start3A_456] : memref<32x1x104xi32, #tpu.memory_space<hbm>> -> memref<1x1x104xi32, #tpu.memory_space<hbm>>
      %dma_start3A_458 = tpu.memref_squeeze %dma_start3A_457 : memref<1x1x104xi32, #tpu.memory_space<hbm>> -> memref<1x104xi32, #tpu.memory_space<hbm>>
      %dma_start3A_459 = arith.constant 0 : i32
      %dma_start3A_460 = arith.constant 0 : i32
      %dma_start3A_461 = tpu.memref_slice %arg3[%add3A, %dma_start3A_459, %dma_start3A_460] : memref<32x1x104xi32, #tpu.memory_space<hbm>> -> memref<1x1x104xi32, #tpu.memory_space<hbm>>
      %dma_start3A_462 = tpu.memref_squeeze %dma_start3A_461 : memref<1x1x104xi32, #tpu.memory_space<hbm>> -> memref<1x104xi32, #tpu.memory_space<hbm>>
      tpu.enqueue_dma source(%dma_start3A_462 : memref<1x104xi32, #tpu.memory_space<hbm>>) target(%arg5 : memref<1x104xi32, #tpu.memory_space<vmem>>) target_semaphore(%run_scoped3A : memref<!tpu.dma_semaphore, #tpu.memory_space<semaphore_mem>>)
      %dma_wait3A_463 = arith.constant 0 : i32
      %dma_wait3A_464 = arith.constant 0 : i32
      %dma_wait3A_465 = tpu.memref_slice %arg3[%add3A, %dma_wait3A_463, %dma_wait3A_464] : memref<32x1x104xi32, #tpu.memory_space<hbm>> -> memref<1x1x104xi32, #tpu.memory_space<hbm>>
      %dma_wait3A_466 = tpu.memref_squeeze %dma_wait3A_465 : memref<1x1x104xi32, #tpu.memory_space<hbm>> -> memref<1x104xi32, #tpu.memory_space<hbm>>
      %dma_wait3A_467 = arith.constant 0 : i32
      %dma_wait3A_468 = arith.constant 0 : i32
      %dma_wait3A_469 = tpu.memref_slice %arg3[%add3A, %dma_wait3A_467, %dma_wait3A_468] : memref<32x1x104xi32, #tpu.memory_space<hbm>> -> memref<1x1x104xi32, #tpu.memory_space<hbm>>
      %dma_wait3A_470 = tpu.memref_squeeze %dma_wait3A_469 : memref<1x1x104xi32, #tpu.memory_space<hbm>> -> memref<1x104xi32, #tpu.memory_space<hbm>>
      tpu.wait_dma2 semaphore(%run_scoped3A : memref<!tpu.dma_semaphore, #tpu.memory_space<semaphore_mem>>) src(%dma_wait3A_470 : memref<1x104xi32, #tpu.memory_space<hbm>>) dst(%arg5 : memref<1x104xi32, #tpu.memory_space<vmem>>)
      tpu.yield
    }) : () -> ()
    %mul3A_1 = arith.constant 104 : i32
    %mul3A_2 = arith.muli %add3A, %mul3A_1 : i32
    %dma_start3A = arith.constant 0 : i32
    %dma_start3A_3 = arith.constant 0 : i32
    %dma_start3A_4 = arith.constant 0 : i32
    %dma_start3A_5 = tpu.memref_slice %arg5[%dma_start3A, %dma_start3A_4] : memref<1x104xi32, #tpu.memory_space<vmem>> -> memref<1x8xi32, #tpu.memory_space<vmem>>
    %dma_start3A_6 = tpu.memref_squeeze %dma_start3A_5 : memref<1x8xi32, #tpu.memory_space<vmem>> -> memref<8xi32, #tpu.memory_space<vmem>>
    %dma_start3A_7 = arith.constant 0 : i32
    %dma_start3A_8 = arith.constant 0 : i32
    %dma_start3A_9 = tpu.memref_slice %arg2[%dma_start3A_7, %dma_start3A_8] : memref<1568x4096xf32, #tpu.memory_space<hbm>> -> memref<1568x4096xf32, #tpu.memory_space<hbm>>
    %dma_start3A_10 = tpu.memref_slice %arg8[%dma_start3A_3] : memref<4x!tpu.dma_semaphore, #tpu.memory_space<semaphore_mem>> -> memref<1x!tpu.dma_semaphore, #tpu.memory_space<semaphore_mem>>
    %dma_start3A_11 = tpu.memref_squeeze %dma_start3A_10 : memref<1x!tpu.dma_semaphore, #tpu.memory_space<semaphore_mem>> -> memref<!tpu.dma_semaphore, #tpu.memory_space<semaphore_mem>>
    tpu.enqueue_indirect_dma source(%dma_start3A_9 : memref<1568x4096xf32, #tpu.memory_space<hbm>>) target(%arg6 : memref<8x4096xf32, #tpu.memory_space<vmem>>) offsets(%dma_start3A_6 : memref<8xi32, #tpu.memory_space<vmem>>) semaphore(%dma_start3A_11 : memref<!tpu.dma_semaphore, #tpu.memory_space<semaphore_mem>>)
    %dma_start3A_12 = arith.constant 0 : i32
    %dma_start3A_13 = arith.constant 1 : i32
    %dma_start3A_14 = arith.constant 8 : i32
    %dma_start3A_15 = tpu.memref_slice %arg5[%dma_start3A_12, %dma_start3A_14] : memref<1x104xi32, #tpu.memory_space<vmem>> -> memref<1x8xi32, #tpu.memory_space<vmem>>
    %dma_start3A_16 = tpu.memref_squeeze %dma_start3A_15 : memref<1x8xi32, #tpu.memory_space<vmem>> -> memref<8xi32, #tpu.memory_space<vmem>>
    %dma_start3A_17 = arith.constant 0 : i32
    %dma_start3A_18 = arith.constant 0 : i32
    %dma_start3A_19 = tpu.memref_slice %arg2[%dma_start3A_17, %dma_start3A_18] : memref<1568x4096xf32, #tpu.memory_space<hbm>> -> memref<1568x4096xf32, #tpu.memory_space<hbm>>
    %dma_start3A_20 = tpu.memref_slice %arg8[%dma_start3A_13] : memref<4x!tpu.dma_semaphore, #tpu.memory_space<semaphore_mem>> -> memref<1x!tpu.dma_semaphore, #tpu.memory_space<semaphore_mem>>
    %dma_start3A_21 = tpu.memref_squeeze %dma_start3A_20 : memref<1x!tpu.dma_semaphore, #tpu.memory_space<semaphore_mem>> -> memref<!tpu.dma_semaphore, #tpu.memory_space<semaphore_mem>>
    tpu.enqueue_indirect_dma source(%dma_start3A_19 : memref<1568x4096xf32, #tpu.memory_space<hbm>>) target(%arg7 : memref<8x4096xf32, #tpu.memory_space<vmem>>) offsets(%dma_start3A_16 : memref<8xi32, #tpu.memory_space<vmem>>) semaphore(%dma_start3A_21 : memref<!tpu.dma_semaphore, #tpu.memory_space<semaphore_mem>>)
    %dma_wait3A = arith.constant 0 : i32
    %dma_wait3A_22 = arith.constant 0 : i32
    %dma_wait3A_23 = arith.constant 0 : i32
    %dma_wait3A_24 = tpu.memref_slice %arg5[%dma_wait3A, %dma_wait3A_23] : memref<1x104xi32, #tpu.memory_space<vmem>> -> memref<1x8xi32, #tpu.memory_space<vmem>>
    %dma_wait3A_25 = tpu.memref_squeeze %dma_wait3A_24 : memref<1x8xi32, #tpu.memory_space<vmem>> -> memref<8xi32, #tpu.memory_space<vmem>>
    %dma_wait3A_26 = arith.constant 0 : i32
    %dma_wait3A_27 = arith.constant 0 : i32
    %dma_wait3A_28 = tpu.memref_slice %arg2[%dma_wait3A_26, %dma_wait3A_27] : memref<1568x4096xf32, #tpu.memory_space<hbm>> -> memref<1568x4096xf32, #tpu.memory_space<hbm>>
    %dma_wait3A_29 = tpu.memref_slice %arg8[%dma_wait3A_22] : memref<4x!tpu.dma_semaphore, #tpu.memory_space<semaphore_mem>> -> memref<1x!tpu.dma_semaphore, #tpu.memory_space<semaphore_mem>>
    %dma_wait3A_30 = tpu.memref_squeeze %dma_wait3A_29 : memref<1x!tpu.dma_semaphore, #tpu.memory_space<semaphore_mem>> -> memref<!tpu.dma_semaphore, #tpu.memory_space<semaphore_mem>>
    tpu.wait_indirect_dma semaphore(%dma_wait3A_30 : memref<!tpu.dma_semaphore, #tpu.memory_space<semaphore_mem>>) src(%dma_wait3A_28 : memref<1568x4096xf32, #tpu.memory_space<hbm>>) dst(%arg6 : memref<8x4096xf32, #tpu.memory_space<vmem>>)
    %add3A_31 = arith.constant 0 : i32
    %add3A_32 = arith.addi %mul3A_2, %add3A_31 : i32
    %dma_start3A_33 = arith.constant 2 : i32
    %dma_start3A_34 = arith.constant 0 : i32
    %dma_start3A_35 = tpu.memref_slice %arg4[%add3A_32, %dma_start3A_34] : memref<3328x4096xf32, #tpu.memory_space<hbm>> -> memref<8x4096xf32, #tpu.memory_space<hbm>>
    %dma_start3A_36 = tpu.memref_slice %arg8[%dma_start3A_33] : memref<4x!tpu.dma_semaphore, #tpu.memory_space<semaphore_mem>> -> memref<1x!tpu.dma_semaphore, #tpu.memory_space<semaphore_mem>>
    %dma_start3A_37 = tpu.memref_squeeze %dma_start3A_36 : memref<1x!tpu.dma_semaphore, #tpu.memory_space<semaphore_mem>> -> memref<!tpu.dma_semaphore, #tpu.memory_space<semaphore_mem>>
    %dma_start3A_38 = arith.constant 0 : i32
    %dma_start3A_39 = tpu.memref_slice %arg4[%add3A_32, %dma_start3A_38] : memref<3328x4096xf32, #tpu.memory_space<hbm>> -> memref<8x4096xf32, #tpu.memory_space<hbm>>
    tpu.enqueue_dma source(%arg6 : memref<8x4096xf32, #tpu.memory_space<vmem>>) target(%dma_start3A_39 : memref<8x4096xf32, #tpu.memory_space<hbm>>) target_semaphore(%dma_start3A_37 : memref<!tpu.dma_semaphore, #tpu.memory_space<semaphore_mem>>)
    %dma_wait3A_40 = arith.constant 2 : i32
    %dma_wait3A_41 = arith.constant 0 : i32
    %dma_wait3A_42 = tpu.memref_slice %arg4[%add3A_32, %dma_wait3A_41] : memref<3328x4096xf32, #tpu.memory_space<hbm>> -> memref<8x4096xf32, #tpu.memory_space<hbm>>
    %dma_wait3A_43 = tpu.memref_slice %arg8[%dma_wait3A_40] : memref<4x!tpu.dma_semaphore, #tpu.memory_space<semaphore_mem>> -> memref<1x!tpu.dma_semaphore, #tpu.memory_space<semaphore_mem>>
    %dma_wait3A_44 = tpu.memref_squeeze %dma_wait3A_43 : memref<1x!tpu.dma_semaphore, #tpu.memory_space<semaphore_mem>> -> memref<!tpu.dma_semaphore, #tpu.memory_space<semaphore_mem>>
    %dma_wait3A_45 = arith.constant 0 : i32
    %dma_wait3A_46 = tpu.memref_slice %arg4[%add3A_32, %dma_wait3A_45] : memref<3328x4096xf32, #tpu.memory_space<hbm>> -> memref<8x4096xf32, #tpu.memory_space<hbm>>
    tpu.wait_dma2 semaphore(%dma_wait3A_44 : memref<!tpu.dma_semaphore, #tpu.memory_space<semaphore_mem>>) src(%arg6 : memref<8x4096xf32, #tpu.memory_space<vmem>>) dst(%dma_wait3A_46 : memref<8x4096xf32, #tpu.memory_space<hbm>>)
    %dma_start3A_47 = arith.constant 0 : i32
    %dma_start3A_48 = arith.constant 0 : i32
    %dma_start3A_49 = arith.constant 16 : i32
    %dma_start3A_50 = tpu.memref_slice %arg5[%dma_start3A_47, %dma_start3A_49] : memref<1x104xi32, #tpu.memory_space<vmem>> -> memref<1x8xi32, #tpu.memory_space<vmem>>
    %dma_start3A_51 = tpu.memref_squeeze %dma_start3A_50 : memref<1x8xi32, #tpu.memory_space<vmem>> -> memref<8xi32, #tpu.memory_space<vmem>>
    %dma_start3A_52 = arith.constant 0 : i32
    %dma_start3A_53 = arith.constant 0 : i32
    %dma_start3A_54 = tpu.memref_slice %arg2[%dma_start3A_52, %dma_start3A_53] : memref<1568x4096xf32, #tpu.memory_space<hbm>> -> memref<1568x4096xf32, #tpu.memory_space<hbm>>
    %dma_start3A_55 = tpu.memref_slice %arg8[%dma_start3A_48] : memref<4x!tpu.dma_semaphore, #tpu.memory_space<semaphore_mem>> -> memref<1x!tpu.dma_semaphore, #tpu.memory_space<semaphore_mem>>
    %dma_start3A_56 = tpu.memref_squeeze %dma_start3A_55 : memref<1x!tpu.dma_semaphore, #tpu.memory_space<semaphore_mem>> -> memref<!tpu.dma_semaphore, #tpu.memory_space<semaphore_mem>>
    tpu.enqueue_indirect_dma source(%dma_start3A_54 : memref<1568x4096xf32, #tpu.memory_space<hbm>>) target(%arg6 : memref<8x4096xf32, #tpu.memory_space<vmem>>) offsets(%dma_start3A_51 : memref<8xi32, #tpu.memory_space<vmem>>) semaphore(%dma_start3A_56 : memref<!tpu.dma_semaphore, #tpu.memory_space<semaphore_mem>>)
    %dma_wait3A_57 = arith.constant 0 : i32
    %dma_wait3A_58 = arith.constant 1 : i32
    %dma_wait3A_59 = arith.constant 8 : i32
    %dma_wait3A_60 = tpu.memref_slice %arg5[%dma_wait3A_57, %dma_wait3A_59] : memref<1x104xi32, #tpu.memory_space<vmem>> -> memref<1x8xi32, #tpu.memory_space<vmem>>
    %dma_wait3A_61 = tpu.memref_squeeze %dma_wait3A_60 : memref<1x8xi32, #tpu.memory_space<vmem>> -> memref<8xi32, #tpu.memory_space<vmem>>
    %dma_wait3A_62 = arith.constant 0 : i32
    %dma_wait3A_63 = arith.constant 0 : i32
    %dma_wait3A_64 = tpu.memref_slice %arg2[%dma_wait3A_62, %dma_wait3A_63] : memref<1568x4096xf32, #tpu.memory_space<hbm>> -> memref<1568x4096xf32, #tpu.memory_space<hbm>>
    %dma_wait3A_65 = tpu.memref_slice %arg8[%dma_wait3A_58] : memref<4x!tpu.dma_semaphore, #tpu.memory_space<semaphore_mem>> -> memref<1x!tpu.dma_semaphore, #tpu.memory_space<semaphore_mem>>
    %dma_wait3A_66 = tpu.memref_squeeze %dma_wait3A_65 : memref<1x!tpu.dma_semaphore, #tpu.memory_space<semaphore_mem>> -> memref<!tpu.dma_semaphore, #tpu.memory_space<semaphore_mem>>
    tpu.wait_indirect_dma semaphore(%dma_wait3A_66 : memref<!tpu.dma_semaphore, #tpu.memory_space<semaphore_mem>>) src(%dma_wait3A_64 : memref<1568x4096xf32, #tpu.memory_space<hbm>>) dst(%arg7 : memref<8x4096xf32, #tpu.memory_space<vmem>>)
    %add3A_67 = arith.constant 8 : i32
    %add3A_68 = arith.addi %mul3A_2, %add3A_67 : i32
    %dma_start3A_69 = arith.constant 3 : i32
    %dma_start3A_70 = arith.constant 0 : i32
    %dma_start3A_71 = tpu.memref_slice %arg4[%add3A_68, %dma_start3A_70] : memref<3328x4096xf32, #tpu.memory_space<hbm>> -> memref<8x4096xf32, #tpu.memory_space<hbm>>
    %dma_start3A_72 = tpu.memref_slice %arg8[%dma_start3A_69] : memref<4x!tpu.dma_semaphore, #tpu.memory_space<semaphore_mem>> -> memref<1x!tpu.dma_semaphore, #tpu.memory_space<semaphore_mem>>
    %dma_start3A_73 = tpu.memref_squeeze %dma_start3A_72 : memref<1x!tpu.dma_semaphore, #tpu.memory_space<semaphore_mem>> -> memref<!tpu.dma_semaphore, #tpu.memory_space<semaphore_mem>>
    %dma_start3A_74 = arith.constant 0 : i32
    %dma_start3A_75 = tpu.memref_slice %arg4[%add3A_68, %dma_start3A_74] : memref<3328x4096xf32, #tpu.memory_space<hbm>> -> memref<8x4096xf32, #tpu.memory_space<hbm>>
    tpu.enqueue_dma source(%arg7 : memref<8x4096xf32, #tpu.memory_space<vmem>>) target(%dma_start3A_75 : memref<8x4096xf32, #tpu.memory_space<hbm>>) target_semaphore(%dma_start3A_73 : memref<!tpu.dma_semaphore, #tpu.memory_space<semaphore_mem>>)
    %dma_wait3A_76 = arith.constant 3 : i32
    %dma_wait3A_77 = arith.constant 0 : i32
    %dma_wait3A_78 = tpu.memref_slice %arg4[%add3A_68, %dma_wait3A_77] : memref<3328x4096xf32, #tpu.memory_space<hbm>> -> memref<8x4096xf32, #tpu.memory_space<hbm>>
    %dma_wait3A_79 = tpu.memref_slice %arg8[%dma_wait3A_76] : memref<4x!tpu.dma_semaphore, #tpu.memory_space<semaphore_mem>> -> memref<1x!tpu.dma_semaphore, #tpu.memory_space<semaphore_mem>>
    %dma_wait3A_80 = tpu.memref_squeeze %dma_wait3A_79 : memref<1x!tpu.dma_semaphore, #tpu.memory_space<semaphore_mem>> -> memref<!tpu.dma_semaphore, #tpu.memory_space<semaphore_mem>>
    %dma_wait3A_81 = arith.constant 0 : i32
    %dma_wait3A_82 = tpu.memref_slice %arg4[%add3A_68, %dma_wait3A_81] : memref<3328x4096xf32, #tpu.memory_space<hbm>> -> memref<8x4096xf32, #tpu.memory_space<hbm>>
    tpu.wait_dma2 semaphore(%dma_wait3A_80 : memref<!tpu.dma_semaphore, #tpu.memory_space<semaphore_mem>>) src(%arg7 : memref<8x4096xf32, #tpu.memory_space<vmem>>) dst(%dma_wait3A_82 : memref<8x4096xf32, #tpu.memory_space<hbm>>)
    %dma_start3A_83 = arith.constant 0 : i32
    %dma_start3A_84 = arith.constant 1 : i32
    %dma_start3A_85 = arith.constant 24 : i32
    %dma_start3A_86 = tpu.memref_slice %arg5[%dma_start3A_83, %dma_start3A_85] : memref<1x104xi32, #tpu.memory_space<vmem>> -> memref<1x8xi32, #tpu.memory_space<vmem>>
    %dma_start3A_87 = tpu.memref_squeeze %dma_start3A_86 : memref<1x8xi32, #tpu.memory_space<vmem>> -> memref<8xi32, #tpu.memory_space<vmem>>
    %dma_start3A_88 = arith.constant 0 : i32
    %dma_start3A_89 = arith.constant 0 : i32
    %dma_start3A_90 = tpu.memref_slice %arg2[%dma_start3A_88, %dma_start3A_89] : memref<1568x4096xf32, #tpu.memory_space<hbm>> -> memref<1568x4096xf32, #tpu.memory_space<hbm>>
    %dma_start3A_91 = tpu.memref_slice %arg8[%dma_start3A_84] : memref<4x!tpu.dma_semaphore, #tpu.memory_space<semaphore_mem>> -> memref<1x!tpu.dma_semaphore, #tpu.memory_space<semaphore_mem>>
    %dma_start3A_92 = tpu.memref_squeeze %dma_start3A_91 : memref<1x!tpu.dma_semaphore, #tpu.memory_space<semaphore_mem>> -> memref<!tpu.dma_semaphore, #tpu.memory_space<semaphore_mem>>
    tpu.enqueue_indirect_dma source(%dma_start3A_90 : memref<1568x4096xf32, #tpu.memory_space<hbm>>) target(%arg7 : memref<8x4096xf32, #tpu.memory_space<vmem>>) offsets(%dma_start3A_87 : memref<8xi32, #tpu.memory_space<vmem>>) semaphore(%dma_start3A_92 : memref<!tpu.dma_semaphore, #tpu.memory_space<semaphore_mem>>)
    %dma_wait3A_93 = arith.constant 0 : i32
    %dma_wait3A_94 = arith.constant 0 : i32
    %dma_wait3A_95 = arith.constant 16 : i32
    %dma_wait3A_96 = tpu.memref_slice %arg5[%dma_wait3A_93, %dma_wait3A_95] : memref<1x104xi32, #tpu.memory_space<vmem>> -> memref<1x8xi32, #tpu.memory_space<vmem>>
    %dma_wait3A_97 = tpu.memref_squeeze %dma_wait3A_96 : memref<1x8xi32, #tpu.memory_space<vmem>> -> memref<8xi32, #tpu.memory_space<vmem>>
    %dma_wait3A_98 = arith.constant 0 : i32
    %dma_wait3A_99 = arith.constant 0 : i32
    %dma_wait3A_100 = tpu.memref_slice %arg2[%dma_wait3A_98, %dma_wait3A_99] : memref<1568x4096xf32, #tpu.memory_space<hbm>> -> memref<1568x4096xf32, #tpu.memory_space<hbm>>
    %dma_wait3A_101 = tpu.memref_slice %arg8[%dma_wait3A_94] : memref<4x!tpu.dma_semaphore, #tpu.memory_space<semaphore_mem>> -> memref<1x!tpu.dma_semaphore, #tpu.memory_space<semaphore_mem>>
    %dma_wait3A_102 = tpu.memref_squeeze %dma_wait3A_101 : memref<1x!tpu.dma_semaphore, #tpu.memory_space<semaphore_mem>> -> memref<!tpu.dma_semaphore, #tpu.memory_space<semaphore_mem>>
    tpu.wait_indirect_dma semaphore(%dma_wait3A_102 : memref<!tpu.dma_semaphore, #tpu.memory_space<semaphore_mem>>) src(%dma_wait3A_100 : memref<1568x4096xf32, #tpu.memory_space<hbm>>) dst(%arg6 : memref<8x4096xf32, #tpu.memory_space<vmem>>)
    %add3A_103 = arith.constant 16 : i32
    %add3A_104 = arith.addi %mul3A_2, %add3A_103 : i32
    %dma_start3A_105 = arith.constant 2 : i32
    %dma_start3A_106 = arith.constant 0 : i32
    %dma_start3A_107 = tpu.memref_slice %arg4[%add3A_104, %dma_start3A_106] : memref<3328x4096xf32, #tpu.memory_space<hbm>> -> memref<8x4096xf32, #tpu.memory_space<hbm>>
    %dma_start3A_108 = tpu.memref_slice %arg8[%dma_start3A_105] : memref<4x!tpu.dma_semaphore, #tpu.memory_space<semaphore_mem>> -> memref<1x!tpu.dma_semaphore, #tpu.memory_space<semaphore_mem>>
    %dma_start3A_109 = tpu.memref_squeeze %dma_start3A_108 : memref<1x!tpu.dma_semaphore, #tpu.memory_space<semaphore_mem>> -> memref<!tpu.dma_semaphore, #tpu.memory_space<semaphore_mem>>
    %dma_start3A_110 = arith.constant 0 : i32
    %dma_start3A_111 = tpu.memref_slice %arg4[%add3A_104, %dma_start3A_110] : memref<3328x4096xf32, #tpu.memory_space<hbm>> -> memref<8x4096xf32, #tpu.memory_space<hbm>>
    tpu.enqueue_dma source(%arg6 : memref<8x4096xf32, #tpu.memory_space<vmem>>) target(%dma_start3A_111 : memref<8x4096xf32, #tpu.memory_space<hbm>>) target_semaphore(%dma_start3A_109 : memref<!tpu.dma_semaphore, #tpu.memory_space<semaphore_mem>>)
    %dma_wait3A_112 = arith.constant 2 : i32
    %dma_wait3A_113 = arith.constant 0 : i32
    %dma_wait3A_114 = tpu.memref_slice %arg4[%add3A_104, %dma_wait3A_113] : memref<3328x4096xf32, #tpu.memory_space<hbm>> -> memref<8x4096xf32, #tpu.memory_space<hbm>>
    %dma_wait3A_115 = tpu.memref_slice %arg8[%dma_wait3A_112] : memref<4x!tpu.dma_semaphore, #tpu.memory_space<semaphore_mem>> -> memref<1x!tpu.dma_semaphore, #tpu.memory_space<semaphore_mem>>
    %dma_wait3A_116 = tpu.memref_squeeze %dma_wait3A_115 : memref<1x!tpu.dma_semaphore, #tpu.memory_space<semaphore_mem>> -> memref<!tpu.dma_semaphore, #tpu.memory_space<semaphore_mem>>
    %dma_wait3A_117 = arith.constant 0 : i32
    %dma_wait3A_118 = tpu.memref_slice %arg4[%add3A_104, %dma_wait3A_117] : memref<3328x4096xf32, #tpu.memory_space<hbm>> -> memref<8x4096xf32, #tpu.memory_space<hbm>>
    tpu.wait_dma2 semaphore(%dma_wait3A_116 : memref<!tpu.dma_semaphore, #tpu.memory_space<semaphore_mem>>) src(%arg6 : memref<8x4096xf32, #tpu.memory_space<vmem>>) dst(%dma_wait3A_118 : memref<8x4096xf32, #tpu.memory_space<hbm>>)
    %dma_start3A_119 = arith.constant 0 : i32
    %dma_start3A_120 = arith.constant 0 : i32
    %dma_start3A_121 = arith.constant 32 : i32
    %dma_start3A_122 = tpu.memref_slice %arg5[%dma_start3A_119, %dma_start3A_121] : memref<1x104xi32, #tpu.memory_space<vmem>> -> memref<1x8xi32, #tpu.memory_space<vmem>>
    %dma_start3A_123 = tpu.memref_squeeze %dma_start3A_122 : memref<1x8xi32, #tpu.memory_space<vmem>> -> memref<8xi32, #tpu.memory_space<vmem>>
    %dma_start3A_124 = arith.constant 0 : i32
    %dma_start3A_125 = arith.constant 0 : i32
    %dma_start3A_126 = tpu.memref_slice %arg2[%dma_start3A_124, %dma_start3A_125] : memref<1568x4096xf32, #tpu.memory_space<hbm>> -> memref<1568x4096xf32, #tpu.memory_space<hbm>>
    %dma_start3A_127 = tpu.memref_slice %arg8[%dma_start3A_120] : memref<4x!tpu.dma_semaphore, #tpu.memory_space<semaphore_mem>> -> memref<1x!tpu.dma_semaphore, #tpu.memory_space<semaphore_mem>>
    %dma_start3A_128 = tpu.memref_squeeze %dma_start3A_127 : memref<1x!tpu.dma_semaphore, #tpu.memory_space<semaphore_mem>> -> memref<!tpu.dma_semaphore, #tpu.memory_space<semaphore_mem>>
    tpu.enqueue_indirect_dma source(%dma_start3A_126 : memref<1568x4096xf32, #tpu.memory_space<hbm>>) target(%arg6 : memref<8x4096xf32, #tpu.memory_space<vmem>>) offsets(%dma_start3A_123 : memref<8xi32, #tpu.memory_space<vmem>>) semaphore(%dma_start3A_128 : memref<!tpu.dma_semaphore, #tpu.memory_space<semaphore_mem>>)
    %dma_wait3A_129 = arith.constant 0 : i32
    %dma_wait3A_130 = arith.constant 1 : i32
    %dma_wait3A_131 = arith.constant 24 : i32
    %dma_wait3A_132 = tpu.memref_slice %arg5[%dma_wait3A_129, %dma_wait3A_131] : memref<1x104xi32, #tpu.memory_space<vmem>> -> memref<1x8xi32, #tpu.memory_space<vmem>>
    %dma_wait3A_133 = tpu.memref_squeeze %dma_wait3A_132 : memref<1x8xi32, #tpu.memory_space<vmem>> -> memref<8xi32, #tpu.memory_space<vmem>>
    %dma_wait3A_134 = arith.constant 0 : i32
    %dma_wait3A_135 = arith.constant 0 : i32
    %dma_wait3A_136 = tpu.memref_slice %arg2[%dma_wait3A_134, %dma_wait3A_135] : memref<1568x4096xf32, #tpu.memory_space<hbm>> -> memref<1568x4096xf32, #tpu.memory_space<hbm>>
    %dma_wait3A_137 = tpu.memref_slice %arg8[%dma_wait3A_130] : memref<4x!tpu.dma_semaphore, #tpu.memory_space<semaphore_mem>> -> memref<1x!tpu.dma_semaphore, #tpu.memory_space<semaphore_mem>>
    %dma_wait3A_138 = tpu.memref_squeeze %dma_wait3A_137 : memref<1x!tpu.dma_semaphore, #tpu.memory_space<semaphore_mem>> -> memref<!tpu.dma_semaphore, #tpu.memory_space<semaphore_mem>>
    tpu.wait_indirect_dma semaphore(%dma_wait3A_138 : memref<!tpu.dma_semaphore, #tpu.memory_space<semaphore_mem>>) src(%dma_wait3A_136 : memref<1568x4096xf32, #tpu.memory_space<hbm>>) dst(%arg7 : memref<8x4096xf32, #tpu.memory_space<vmem>>)
    %add3A_139 = arith.constant 24 : i32
    %add3A_140 = arith.addi %mul3A_2, %add3A_139 : i32
    %dma_start3A_141 = arith.constant 3 : i32
    %dma_start3A_142 = arith.constant 0 : i32
    %dma_start3A_143 = tpu.memref_slice %arg4[%add3A_140, %dma_start3A_142] : memref<3328x4096xf32, #tpu.memory_space<hbm>> -> memref<8x4096xf32, #tpu.memory_space<hbm>>
    %dma_start3A_144 = tpu.memref_slice %arg8[%dma_start3A_141] : memref<4x!tpu.dma_semaphore, #tpu.memory_space<semaphore_mem>> -> memref<1x!tpu.dma_semaphore, #tpu.memory_space<semaphore_mem>>
    %dma_start3A_145 = tpu.memref_squeeze %dma_start3A_144 : memref<1x!tpu.dma_semaphore, #tpu.memory_space<semaphore_mem>> -> memref<!tpu.dma_semaphore, #tpu.memory_space<semaphore_mem>>
    %dma_start3A_146 = arith.constant 0 : i32
    %dma_start3A_147 = tpu.memref_slice %arg4[%add3A_140, %dma_start3A_146] : memref<3328x4096xf32, #tpu.memory_space<hbm>> -> memref<8x4096xf32, #tpu.memory_space<hbm>>
    tpu.enqueue_dma source(%arg7 : memref<8x4096xf32, #tpu.memory_space<vmem>>) target(%dma_start3A_147 : memref<8x4096xf32, #tpu.memory_space<hbm>>) target_semaphore(%dma_start3A_145 : memref<!tpu.dma_semaphore, #tpu.memory_space<semaphore_mem>>)
    %dma_wait3A_148 = arith.constant 3 : i32
    %dma_wait3A_149 = arith.constant 0 : i32
    %dma_wait3A_150 = tpu.memref_slice %arg4[%add3A_140, %dma_wait3A_149] : memref<3328x4096xf32, #tpu.memory_space<hbm>> -> memref<8x4096xf32, #tpu.memory_space<hbm>>
    %dma_wait3A_151 = tpu.memref_slice %arg8[%dma_wait3A_148] : memref<4x!tpu.dma_semaphore, #tpu.memory_space<semaphore_mem>> -> memref<1x!tpu.dma_semaphore, #tpu.memory_space<semaphore_mem>>
    %dma_wait3A_152 = tpu.memref_squeeze %dma_wait3A_151 : memref<1x!tpu.dma_semaphore, #tpu.memory_space<semaphore_mem>> -> memref<!tpu.dma_semaphore, #tpu.memory_space<semaphore_mem>>
    %dma_wait3A_153 = arith.constant 0 : i32
    %dma_wait3A_154 = tpu.memref_slice %arg4[%add3A_140, %dma_wait3A_153] : memref<3328x4096xf32, #tpu.memory_space<hbm>> -> memref<8x4096xf32, #tpu.memory_space<hbm>>
    tpu.wait_dma2 semaphore(%dma_wait3A_152 : memref<!tpu.dma_semaphore, #tpu.memory_space<semaphore_mem>>) src(%arg7 : memref<8x4096xf32, #tpu.memory_space<vmem>>) dst(%dma_wait3A_154 : memref<8x4096xf32, #tpu.memory_space<hbm>>)
    %dma_start3A_155 = arith.constant 0 : i32
    %dma_start3A_156 = arith.constant 1 : i32
    %dma_start3A_157 = arith.constant 40 : i32
    %dma_start3A_158 = tpu.memref_slice %arg5[%dma_start3A_155, %dma_start3A_157] : memref<1x104xi32, #tpu.memory_space<vmem>> -> memref<1x8xi32, #tpu.memory_space<vmem>>
    %dma_start3A_159 = tpu.memref_squeeze %dma_start3A_158 : memref<1x8xi32, #tpu.memory_space<vmem>> -> memref<8xi32, #tpu.memory_space<vmem>>
    %dma_start3A_160 = arith.constant 0 : i32
    %dma_start3A_161 = arith.constant 0 : i32
    %dma_start3A_162 = tpu.memref_slice %arg2[%dma_start3A_160, %dma_start3A_161] : memref<1568x4096xf32, #tpu.memory_space<hbm>> -> memref<1568x4096xf32, #tpu.memory_space<hbm>>
    %dma_start3A_163 = tpu.memref_slice %arg8[%dma_start3A_156] : memref<4x!tpu.dma_semaphore, #tpu.memory_space<semaphore_mem>> -> memref<1x!tpu.dma_semaphore, #tpu.memory_space<semaphore_mem>>
    %dma_start3A_164 = tpu.memref_squeeze %dma_start3A_163 : memref<1x!tpu.dma_semaphore, #tpu.memory_space<semaphore_mem>> -> memref<!tpu.dma_semaphore, #tpu.memory_space<semaphore_mem>>
    tpu.enqueue_indirect_dma source(%dma_start3A_162 : memref<1568x4096xf32, #tpu.memory_space<hbm>>) target(%arg7 : memref<8x4096xf32, #tpu.memory_space<vmem>>) offsets(%dma_start3A_159 : memref<8xi32, #tpu.memory_space<vmem>>) semaphore(%dma_start3A_164 : memref<!tpu.dma_semaphore, #tpu.memory_space<semaphore_mem>>)
    %dma_wait3A_165 = arith.constant 0 : i32
    %dma_wait3A_166 = arith.constant 0 : i32
    %dma_wait3A_167 = arith.constant 32 : i32
    %dma_wait3A_168 = tpu.memref_slice %arg5[%dma_wait3A_165, %dma_wait3A_167] : memref<1x104xi32, #tpu.memory_space<vmem>> -> memref<1x8xi32, #tpu.memory_space<vmem>>
    %dma_wait3A_169 = tpu.memref_squeeze %dma_wait3A_168 : memref<1x8xi32, #tpu.memory_space<vmem>> -> memref<8xi32, #tpu.memory_space<vmem>>
    %dma_wait3A_170 = arith.constant 0 : i32
    %dma_wait3A_171 = arith.constant 0 : i32
    %dma_wait3A_172 = tpu.memref_slice %arg2[%dma_wait3A_170, %dma_wait3A_171] : memref<1568x4096xf32, #tpu.memory_space<hbm>> -> memref<1568x4096xf32, #tpu.memory_space<hbm>>
    %dma_wait3A_173 = tpu.memref_slice %arg8[%dma_wait3A_166] : memref<4x!tpu.dma_semaphore, #tpu.memory_space<semaphore_mem>> -> memref<1x!tpu.dma_semaphore, #tpu.memory_space<semaphore_mem>>
    %dma_wait3A_174 = tpu.memref_squeeze %dma_wait3A_173 : memref<1x!tpu.dma_semaphore, #tpu.memory_space<semaphore_mem>> -> memref<!tpu.dma_semaphore, #tpu.memory_space<semaphore_mem>>
    tpu.wait_indirect_dma semaphore(%dma_wait3A_174 : memref<!tpu.dma_semaphore, #tpu.memory_space<semaphore_mem>>) src(%dma_wait3A_172 : memref<1568x4096xf32, #tpu.memory_space<hbm>>) dst(%arg6 : memref<8x4096xf32, #tpu.memory_space<vmem>>)
    %add3A_175 = arith.constant 32 : i32
    %add3A_176 = arith.addi %mul3A_2, %add3A_175 : i32
    %dma_start3A_177 = arith.constant 2 : i32
    %dma_start3A_178 = arith.constant 0 : i32
    %dma_start3A_179 = tpu.memref_slice %arg4[%add3A_176, %dma_start3A_178] : memref<3328x4096xf32, #tpu.memory_space<hbm>> -> memref<8x4096xf32, #tpu.memory_space<hbm>>
    %dma_start3A_180 = tpu.memref_slice %arg8[%dma_start3A_177] : memref<4x!tpu.dma_semaphore, #tpu.memory_space<semaphore_mem>> -> memref<1x!tpu.dma_semaphore, #tpu.memory_space<semaphore_mem>>
    %dma_start3A_181 = tpu.memref_squeeze %dma_start3A_180 : memref<1x!tpu.dma_semaphore, #tpu.memory_space<semaphore_mem>> -> memref<!tpu.dma_semaphore, #tpu.memory_space<semaphore_mem>>
    %dma_start3A_182 = arith.constant 0 : i32
    %dma_start3A_183 = tpu.memref_slice %arg4[%add3A_176, %dma_start3A_182] : memref<3328x4096xf32, #tpu.memory_space<hbm>> -> memref<8x4096xf32, #tpu.memory_space<hbm>>
    tpu.enqueue_dma source(%arg6 : memref<8x4096xf32, #tpu.memory_space<vmem>>) target(%dma_start3A_183 : memref<8x4096xf32, #tpu.memory_space<hbm>>) target_semaphore(%dma_start3A_181 : memref<!tpu.dma_semaphore, #tpu.memory_space<semaphore_mem>>)
    %dma_wait3A_184 = arith.constant 2 : i32
    %dma_wait3A_185 = arith.constant 0 : i32
    %dma_wait3A_186 = tpu.memref_slice %arg4[%add3A_176, %dma_wait3A_185] : memref<3328x4096xf32, #tpu.memory_space<hbm>> -> memref<8x4096xf32, #tpu.memory_space<hbm>>
    %dma_wait3A_187 = tpu.memref_slice %arg8[%dma_wait3A_184] : memref<4x!tpu.dma_semaphore, #tpu.memory_space<semaphore_mem>> -> memref<1x!tpu.dma_semaphore, #tpu.memory_space<semaphore_mem>>
    %dma_wait3A_188 = tpu.memref_squeeze %dma_wait3A_187 : memref<1x!tpu.dma_semaphore, #tpu.memory_space<semaphore_mem>> -> memref<!tpu.dma_semaphore, #tpu.memory_space<semaphore_mem>>
    %dma_wait3A_189 = arith.constant 0 : i32
    %dma_wait3A_190 = tpu.memref_slice %arg4[%add3A_176, %dma_wait3A_189] : memref<3328x4096xf32, #tpu.memory_space<hbm>> -> memref<8x4096xf32, #tpu.memory_space<hbm>>
    tpu.wait_dma2 semaphore(%dma_wait3A_188 : memref<!tpu.dma_semaphore, #tpu.memory_space<semaphore_mem>>) src(%arg6 : memref<8x4096xf32, #tpu.memory_space<vmem>>) dst(%dma_wait3A_190 : memref<8x4096xf32, #tpu.memory_space<hbm>>)
    %dma_start3A_191 = arith.constant 0 : i32
    %dma_start3A_192 = arith.constant 0 : i32
    %dma_start3A_193 = arith.constant 48 : i32
    %dma_start3A_194 = tpu.memref_slice %arg5[%dma_start3A_191, %dma_start3A_193] : memref<1x104xi32, #tpu.memory_space<vmem>> -> memref<1x8xi32, #tpu.memory_space<vmem>>
    %dma_start3A_195 = tpu.memref_squeeze %dma_start3A_194 : memref<1x8xi32, #tpu.memory_space<vmem>> -> memref<8xi32, #tpu.memory_space<vmem>>
    %dma_start3A_196 = arith.constant 0 : i32
    %dma_start3A_197 = arith.constant 0 : i32
    %dma_start3A_198 = tpu.memref_slice %arg2[%dma_start3A_196, %dma_start3A_197] : memref<1568x4096xf32, #tpu.memory_space<hbm>> -> memref<1568x4096xf32, #tpu.memory_space<hbm>>
    %dma_start3A_199 = tpu.memref_slice %arg8[%dma_start3A_192] : memref<4x!tpu.dma_semaphore, #tpu.memory_space<semaphore_mem>> -> memref<1x!tpu.dma_semaphore, #tpu.memory_space<semaphore_mem>>
    %dma_start3A_200 = tpu.memref_squeeze %dma_start3A_199 : memref<1x!tpu.dma_semaphore, #tpu.memory_space<semaphore_mem>> -> memref<!tpu.dma_semaphore, #tpu.memory_space<semaphore_mem>>
    tpu.enqueue_indirect_dma source(%dma_start3A_198 : memref<1568x4096xf32, #tpu.memory_space<hbm>>) target(%arg6 : memref<8x4096xf32, #tpu.memory_space<vmem>>) offsets(%dma_start3A_195 : memref<8xi32, #tpu.memory_space<vmem>>) semaphore(%dma_start3A_200 : memref<!tpu.dma_semaphore, #tpu.memory_space<semaphore_mem>>)
    %dma_wait3A_201 = arith.constant 0 : i32
    %dma_wait3A_202 = arith.constant 1 : i32
    %dma_wait3A_203 = arith.constant 40 : i32
    %dma_wait3A_204 = tpu.memref_slice %arg5[%dma_wait3A_201, %dma_wait3A_203] : memref<1x104xi32, #tpu.memory_space<vmem>> -> memref<1x8xi32, #tpu.memory_space<vmem>>
    %dma_wait3A_205 = tpu.memref_squeeze %dma_wait3A_204 : memref<1x8xi32, #tpu.memory_space<vmem>> -> memref<8xi32, #tpu.memory_space<vmem>>
    %dma_wait3A_206 = arith.constant 0 : i32
    %dma_wait3A_207 = arith.constant 0 : i32
    %dma_wait3A_208 = tpu.memref_slice %arg2[%dma_wait3A_206, %dma_wait3A_207] : memref<1568x4096xf32, #tpu.memory_space<hbm>> -> memref<1568x4096xf32, #tpu.memory_space<hbm>>
    %dma_wait3A_209 = tpu.memref_slice %arg8[%dma_wait3A_202] : memref<4x!tpu.dma_semaphore, #tpu.memory_space<semaphore_mem>> -> memref<1x!tpu.dma_semaphore, #tpu.memory_space<semaphore_mem>>
    %dma_wait3A_210 = tpu.memref_squeeze %dma_wait3A_209 : memref<1x!tpu.dma_semaphore, #tpu.memory_space<semaphore_mem>> -> memref<!tpu.dma_semaphore, #tpu.memory_space<semaphore_mem>>
    tpu.wait_indirect_dma semaphore(%dma_wait3A_210 : memref<!tpu.dma_semaphore, #tpu.memory_space<semaphore_mem>>) src(%dma_wait3A_208 : memref<1568x4096xf32, #tpu.memory_space<hbm>>) dst(%arg7 : memref<8x4096xf32, #tpu.memory_space<vmem>>)
    %add3A_211 = arith.constant 40 : i32
    %add3A_212 = arith.addi %mul3A_2, %add3A_211 : i32
    %dma_start3A_213 = arith.constant 3 : i32
    %dma_start3A_214 = arith.constant 0 : i32
    %dma_start3A_215 = tpu.memref_slice %arg4[%add3A_212, %dma_start3A_214] : memref<3328x4096xf32, #tpu.memory_space<hbm>> -> memref<8x4096xf32, #tpu.memory_space<hbm>>
    %dma_start3A_216 = tpu.memref_slice %arg8[%dma_start3A_213] : memref<4x!tpu.dma_semaphore, #tpu.memory_space<semaphore_mem>> -> memref<1x!tpu.dma_semaphore, #tpu.memory_space<semaphore_mem>>
    %dma_start3A_217 = tpu.memref_squeeze %dma_start3A_216 : memref<1x!tpu.dma_semaphore, #tpu.memory_space<semaphore_mem>> -> memref<!tpu.dma_semaphore, #tpu.memory_space<semaphore_mem>>
    %dma_start3A_218 = arith.constant 0 : i32
    %dma_start3A_219 = tpu.memref_slice %arg4[%add3A_212, %dma_start3A_218] : memref<3328x4096xf32, #tpu.memory_space<hbm>> -> memref<8x4096xf32, #tpu.memory_space<hbm>>
    tpu.enqueue_dma source(%arg7 : memref<8x4096xf32, #tpu.memory_space<vmem>>) target(%dma_start3A_219 : memref<8x4096xf32, #tpu.memory_space<hbm>>) target_semaphore(%dma_start3A_217 : memref<!tpu.dma_semaphore, #tpu.memory_space<semaphore_mem>>)
    %dma_wait3A_220 = arith.constant 3 : i32
    %dma_wait3A_221 = arith.constant 0 : i32
    %dma_wait3A_222 = tpu.memref_slice %arg4[%add3A_212, %dma_wait3A_221] : memref<3328x4096xf32, #tpu.memory_space<hbm>> -> memref<8x4096xf32, #tpu.memory_space<hbm>>
    %dma_wait3A_223 = tpu.memref_slice %arg8[%dma_wait3A_220] : memref<4x!tpu.dma_semaphore, #tpu.memory_space<semaphore_mem>> -> memref<1x!tpu.dma_semaphore, #tpu.memory_space<semaphore_mem>>
    %dma_wait3A_224 = tpu.memref_squeeze %dma_wait3A_223 : memref<1x!tpu.dma_semaphore, #tpu.memory_space<semaphore_mem>> -> memref<!tpu.dma_semaphore, #tpu.memory_space<semaphore_mem>>
    %dma_wait3A_225 = arith.constant 0 : i32
    %dma_wait3A_226 = tpu.memref_slice %arg4[%add3A_212, %dma_wait3A_225] : memref<3328x4096xf32, #tpu.memory_space<hbm>> -> memref<8x4096xf32, #tpu.memory_space<hbm>>
    tpu.wait_dma2 semaphore(%dma_wait3A_224 : memref<!tpu.dma_semaphore, #tpu.memory_space<semaphore_mem>>) src(%arg7 : memref<8x4096xf32, #tpu.memory_space<vmem>>) dst(%dma_wait3A_226 : memref<8x4096xf32, #tpu.memory_space<hbm>>)
    %dma_start3A_227 = arith.constant 0 : i32
    %dma_start3A_228 = arith.constant 1 : i32
    %dma_start3A_229 = arith.constant 56 : i32
    %dma_start3A_230 = tpu.memref_slice %arg5[%dma_start3A_227, %dma_start3A_229] : memref<1x104xi32, #tpu.memory_space<vmem>> -> memref<1x8xi32, #tpu.memory_space<vmem>>
    %dma_start3A_231 = tpu.memref_squeeze %dma_start3A_230 : memref<1x8xi32, #tpu.memory_space<vmem>> -> memref<8xi32, #tpu.memory_space<vmem>>
    %dma_start3A_232 = arith.constant 0 : i32
    %dma_start3A_233 = arith.constant 0 : i32
    %dma_start3A_234 = tpu.memref_slice %arg2[%dma_start3A_232, %dma_start3A_233] : memref<1568x4096xf32, #tpu.memory_space<hbm>> -> memref<1568x4096xf32, #tpu.memory_space<hbm>>
    %dma_start3A_235 = tpu.memref_slice %arg8[%dma_start3A_228] : memref<4x!tpu.dma_semaphore, #tpu.memory_space<semaphore_mem>> -> memref<1x!tpu.dma_semaphore, #tpu.memory_space<semaphore_mem>>
    %dma_start3A_236 = tpu.memref_squeeze %dma_start3A_235 : memref<1x!tpu.dma_semaphore, #tpu.memory_space<semaphore_mem>> -> memref<!tpu.dma_semaphore, #tpu.memory_space<semaphore_mem>>
    tpu.enqueue_indirect_dma source(%dma_start3A_234 : memref<1568x4096xf32, #tpu.memory_space<hbm>>) target(%arg7 : memref<8x4096xf32, #tpu.memory_space<vmem>>) offsets(%dma_start3A_231 : memref<8xi32, #tpu.memory_space<vmem>>) semaphore(%dma_start3A_236 : memref<!tpu.dma_semaphore, #tpu.memory_space<semaphore_mem>>)
    %dma_wait3A_237 = arith.constant 0 : i32
    %dma_wait3A_238 = arith.constant 0 : i32
    %dma_wait3A_239 = arith.constant 48 : i32
    %dma_wait3A_240 = tpu.memref_slice %arg5[%dma_wait3A_237, %dma_wait3A_239] : memref<1x104xi32, #tpu.memory_space<vmem>> -> memref<1x8xi32, #tpu.memory_space<vmem>>
    %dma_wait3A_241 = tpu.memref_squeeze %dma_wait3A_240 : memref<1x8xi32, #tpu.memory_space<vmem>> -> memref<8xi32, #tpu.memory_space<vmem>>
    %dma_wait3A_242 = arith.constant 0 : i32
    %dma_wait3A_243 = arith.constant 0 : i32
    %dma_wait3A_244 = tpu.memref_slice %arg2[%dma_wait3A_242, %dma_wait3A_243] : memref<1568x4096xf32, #tpu.memory_space<hbm>> -> memref<1568x4096xf32, #tpu.memory_space<hbm>>
    %dma_wait3A_245 = tpu.memref_slice %arg8[%dma_wait3A_238] : memref<4x!tpu.dma_semaphore, #tpu.memory_space<semaphore_mem>> -> memref<1x!tpu.dma_semaphore, #tpu.memory_space<semaphore_mem>>
    %dma_wait3A_246 = tpu.memref_squeeze %dma_wait3A_245 : memref<1x!tpu.dma_semaphore, #tpu.memory_space<semaphore_mem>> -> memref<!tpu.dma_semaphore, #tpu.memory_space<semaphore_mem>>
    tpu.wait_indirect_dma semaphore(%dma_wait3A_246 : memref<!tpu.dma_semaphore, #tpu.memory_space<semaphore_mem>>) src(%dma_wait3A_244 : memref<1568x4096xf32, #tpu.memory_space<hbm>>) dst(%arg6 : memref<8x4096xf32, #tpu.memory_space<vmem>>)
    %add3A_247 = arith.constant 48 : i32
    %add3A_248 = arith.addi %mul3A_2, %add3A_247 : i32
    %dma_start3A_249 = arith.constant 2 : i32
    %dma_start3A_250 = arith.constant 0 : i32
    %dma_start3A_251 = tpu.memref_slice %arg4[%add3A_248, %dma_start3A_250] : memref<3328x4096xf32, #tpu.memory_space<hbm>> -> memref<8x4096xf32, #tpu.memory_space<hbm>>
    %dma_start3A_252 = tpu.memref_slice %arg8[%dma_start3A_249] : memref<4x!tpu.dma_semaphore, #tpu.memory_space<semaphore_mem>> -> memref<1x!tpu.dma_semaphore, #tpu.memory_space<semaphore_mem>>
    %dma_start3A_253 = tpu.memref_squeeze %dma_start3A_252 : memref<1x!tpu.dma_semaphore, #tpu.memory_space<semaphore_mem>> -> memref<!tpu.dma_semaphore, #tpu.memory_space<semaphore_mem>>
    %dma_start3A_254 = arith.constant 0 : i32
    %dma_start3A_255 = tpu.memref_slice %arg4[%add3A_248, %dma_start3A_254] : memref<3328x4096xf32, #tpu.memory_space<hbm>> -> memref<8x4096xf32, #tpu.memory_space<hbm>>
    tpu.enqueue_dma source(%arg6 : memref<8x4096xf32, #tpu.memory_space<vmem>>) target(%dma_start3A_255 : memref<8x4096xf32, #tpu.memory_space<hbm>>) target_semaphore(%dma_start3A_253 : memref<!tpu.dma_semaphore, #tpu.memory_space<semaphore_mem>>)
    %dma_wait3A_256 = arith.constant 2 : i32
    %dma_wait3A_257 = arith.constant 0 : i32
    %dma_wait3A_258 = tpu.memref_slice %arg4[%add3A_248, %dma_wait3A_257] : memref<3328x4096xf32, #tpu.memory_space<hbm>> -> memref<8x4096xf32, #tpu.memory_space<hbm>>
    %dma_wait3A_259 = tpu.memref_slice %arg8[%dma_wait3A_256] : memref<4x!tpu.dma_semaphore, #tpu.memory_space<semaphore_mem>> -> memref<1x!tpu.dma_semaphore, #tpu.memory_space<semaphore_mem>>
    %dma_wait3A_260 = tpu.memref_squeeze %dma_wait3A_259 : memref<1x!tpu.dma_semaphore, #tpu.memory_space<semaphore_mem>> -> memref<!tpu.dma_semaphore, #tpu.memory_space<semaphore_mem>>
    %dma_wait3A_261 = arith.constant 0 : i32
    %dma_wait3A_262 = tpu.memref_slice %arg4[%add3A_248, %dma_wait3A_261] : memref<3328x4096xf32, #tpu.memory_space<hbm>> -> memref<8x4096xf32, #tpu.memory_space<hbm>>
    tpu.wait_dma2 semaphore(%dma_wait3A_260 : memref<!tpu.dma_semaphore, #tpu.memory_space<semaphore_mem>>) src(%arg6 : memref<8x4096xf32, #tpu.memory_space<vmem>>) dst(%dma_wait3A_262 : memref<8x4096xf32, #tpu.memory_space<hbm>>)
    %dma_start3A_263 = arith.constant 0 : i32
    %dma_start3A_264 = arith.constant 0 : i32
    %dma_start3A_265 = arith.constant 64 : i32
    %dma_start3A_266 = tpu.memref_slice %arg5[%dma_start3A_263, %dma_start3A_265] : memref<1x104xi32, #tpu.memory_space<vmem>> -> memref<1x8xi32, #tpu.memory_space<vmem>>
    %dma_start3A_267 = tpu.memref_squeeze %dma_start3A_266 : memref<1x8xi32, #tpu.memory_space<vmem>> -> memref<8xi32, #tpu.memory_space<vmem>>
    %dma_start3A_268 = arith.constant 0 : i32
    %dma_start3A_269 = arith.constant 0 : i32
    %dma_start3A_270 = tpu.memref_slice %arg2[%dma_start3A_268, %dma_start3A_269] : memref<1568x4096xf32, #tpu.memory_space<hbm>> -> memref<1568x4096xf32, #tpu.memory_space<hbm>>
    %dma_start3A_271 = tpu.memref_slice %arg8[%dma_start3A_264] : memref<4x!tpu.dma_semaphore, #tpu.memory_space<semaphore_mem>> -> memref<1x!tpu.dma_semaphore, #tpu.memory_space<semaphore_mem>>
    %dma_start3A_272 = tpu.memref_squeeze %dma_start3A_271 : memref<1x!tpu.dma_semaphore, #tpu.memory_space<semaphore_mem>> -> memref<!tpu.dma_semaphore, #tpu.memory_space<semaphore_mem>>
    tpu.enqueue_indirect_dma source(%dma_start3A_270 : memref<1568x4096xf32, #tpu.memory_space<hbm>>) target(%arg6 : memref<8x4096xf32, #tpu.memory_space<vmem>>) offsets(%dma_start3A_267 : memref<8xi32, #tpu.memory_space<vmem>>) semaphore(%dma_start3A_272 : memref<!tpu.dma_semaphore, #tpu.memory_space<semaphore_mem>>)
    %dma_wait3A_273 = arith.constant 0 : i32
    %dma_wait3A_274 = arith.constant 1 : i32
    %dma_wait3A_275 = arith.constant 56 : i32
    %dma_wait3A_276 = tpu.memref_slice %arg5[%dma_wait3A_273, %dma_wait3A_275] : memref<1x104xi32, #tpu.memory_space<vmem>> -> memref<1x8xi32, #tpu.memory_space<vmem>>
    %dma_wait3A_277 = tpu.memref_squeeze %dma_wait3A_276 : memref<1x8xi32, #tpu.memory_space<vmem>> -> memref<8xi32, #tpu.memory_space<vmem>>
    %dma_wait3A_278 = arith.constant 0 : i32
    %dma_wait3A_279 = arith.constant 0 : i32
    %dma_wait3A_280 = tpu.memref_slice %arg2[%dma_wait3A_278, %dma_wait3A_279] : memref<1568x4096xf32, #tpu.memory_space<hbm>> -> memref<1568x4096xf32, #tpu.memory_space<hbm>>
    %dma_wait3A_281 = tpu.memref_slice %arg8[%dma_wait3A_274] : memref<4x!tpu.dma_semaphore, #tpu.memory_space<semaphore_mem>> -> memref<1x!tpu.dma_semaphore, #tpu.memory_space<semaphore_mem>>
    %dma_wait3A_282 = tpu.memref_squeeze %dma_wait3A_281 : memref<1x!tpu.dma_semaphore, #tpu.memory_space<semaphore_mem>> -> memref<!tpu.dma_semaphore, #tpu.memory_space<semaphore_mem>>
    tpu.wait_indirect_dma semaphore(%dma_wait3A_282 : memref<!tpu.dma_semaphore, #tpu.memory_space<semaphore_mem>>) src(%dma_wait3A_280 : memref<1568x4096xf32, #tpu.memory_space<hbm>>) dst(%arg7 : memref<8x4096xf32, #tpu.memory_space<vmem>>)
    %add3A_283 = arith.constant 56 : i32
    %add3A_284 = arith.addi %mul3A_2, %add3A_283 : i32
    %dma_start3A_285 = arith.constant 3 : i32
    %dma_start3A_286 = arith.constant 0 : i32
    %dma_start3A_287 = tpu.memref_slice %arg4[%add3A_284, %dma_start3A_286] : memref<3328x4096xf32, #tpu.memory_space<hbm>> -> memref<8x4096xf32, #tpu.memory_space<hbm>>
    %dma_start3A_288 = tpu.memref_slice %arg8[%dma_start3A_285] : memref<4x!tpu.dma_semaphore, #tpu.memory_space<semaphore_mem>> -> memref<1x!tpu.dma_semaphore, #tpu.memory_space<semaphore_mem>>
    %dma_start3A_289 = tpu.memref_squeeze %dma_start3A_288 : memref<1x!tpu.dma_semaphore, #tpu.memory_space<semaphore_mem>> -> memref<!tpu.dma_semaphore, #tpu.memory_space<semaphore_mem>>
    %dma_start3A_290 = arith.constant 0 : i32
    %dma_start3A_291 = tpu.memref_slice %arg4[%add3A_284, %dma_start3A_290] : memref<3328x4096xf32, #tpu.memory_space<hbm>> -> memref<8x4096xf32, #tpu.memory_space<hbm>>
    tpu.enqueue_dma source(%arg7 : memref<8x4096xf32, #tpu.memory_space<vmem>>) target(%dma_start3A_291 : memref<8x4096xf32, #tpu.memory_space<hbm>>) target_semaphore(%dma_start3A_289 : memref<!tpu.dma_semaphore, #tpu.memory_space<semaphore_mem>>)
    %dma_wait3A_292 = arith.constant 3 : i32
    %dma_wait3A_293 = arith.constant 0 : i32
    %dma_wait3A_294 = tpu.memref_slice %arg4[%add3A_284, %dma_wait3A_293] : memref<3328x4096xf32, #tpu.memory_space<hbm>> -> memref<8x4096xf32, #tpu.memory_space<hbm>>
    %dma_wait3A_295 = tpu.memref_slice %arg8[%dma_wait3A_292] : memref<4x!tpu.dma_semaphore, #tpu.memory_space<semaphore_mem>> -> memref<1x!tpu.dma_semaphore, #tpu.memory_space<semaphore_mem>>
    %dma_wait3A_296 = tpu.memref_squeeze %dma_wait3A_295 : memref<1x!tpu.dma_semaphore, #tpu.memory_space<semaphore_mem>> -> memref<!tpu.dma_semaphore, #tpu.memory_space<semaphore_mem>>
    %dma_wait3A_297 = arith.constant 0 : i32
    %dma_wait3A_298 = tpu.memref_slice %arg4[%add3A_284, %dma_wait3A_297] : memref<3328x4096xf32, #tpu.memory_space<hbm>> -> memref<8x4096xf32, #tpu.memory_space<hbm>>
    tpu.wait_dma2 semaphore(%dma_wait3A_296 : memref<!tpu.dma_semaphore, #tpu.memory_space<semaphore_mem>>) src(%arg7 : memref<8x4096xf32, #tpu.memory_space<vmem>>) dst(%dma_wait3A_298 : memref<8x4096xf32, #tpu.memory_space<hbm>>)
    %dma_start3A_299 = arith.constant 0 : i32
    %dma_start3A_300 = arith.constant 1 : i32
    %dma_start3A_301 = arith.constant 72 : i32
    %dma_start3A_302 = tpu.memref_slice %arg5[%dma_start3A_299, %dma_start3A_301] : memref<1x104xi32, #tpu.memory_space<vmem>> -> memref<1x8xi32, #tpu.memory_space<vmem>>
    %dma_start3A_303 = tpu.memref_squeeze %dma_start3A_302 : memref<1x8xi32, #tpu.memory_space<vmem>> -> memref<8xi32, #tpu.memory_space<vmem>>
    %dma_start3A_304 = arith.constant 0 : i32
    %dma_start3A_305 = arith.constant 0 : i32
    %dma_start3A_306 = tpu.memref_slice %arg2[%dma_start3A_304, %dma_start3A_305] : memref<1568x4096xf32, #tpu.memory_space<hbm>> -> memref<1568x4096xf32, #tpu.memory_space<hbm>>
    %dma_start3A_307 = tpu.memref_slice %arg8[%dma_start3A_300] : memref<4x!tpu.dma_semaphore, #tpu.memory_space<semaphore_mem>> -> memref<1x!tpu.dma_semaphore, #tpu.memory_space<semaphore_mem>>
    %dma_start3A_308 = tpu.memref_squeeze %dma_start3A_307 : memref<1x!tpu.dma_semaphore, #tpu.memory_space<semaphore_mem>> -> memref<!tpu.dma_semaphore, #tpu.memory_space<semaphore_mem>>
    tpu.enqueue_indirect_dma source(%dma_start3A_306 : memref<1568x4096xf32, #tpu.memory_space<hbm>>) target(%arg7 : memref<8x4096xf32, #tpu.memory_space<vmem>>) offsets(%dma_start3A_303 : memref<8xi32, #tpu.memory_space<vmem>>) semaphore(%dma_start3A_308 : memref<!tpu.dma_semaphore, #tpu.memory_space<semaphore_mem>>)
    %dma_wait3A_309 = arith.constant 0 : i32
    %dma_wait3A_310 = arith.constant 0 : i32
    %dma_wait3A_311 = arith.constant 64 : i32
    %dma_wait3A_312 = tpu.memref_slice %arg5[%dma_wait3A_309, %dma_wait3A_311] : memref<1x104xi32, #tpu.memory_space<vmem>> -> memref<1x8xi32, #tpu.memory_space<vmem>>
    %dma_wait3A_313 = tpu.memref_squeeze %dma_wait3A_312 : memref<1x8xi32, #tpu.memory_space<vmem>> -> memref<8xi32, #tpu.memory_space<vmem>>
    %dma_wait3A_314 = arith.constant 0 : i32
    %dma_wait3A_315 = arith.constant 0 : i32
    %dma_wait3A_316 = tpu.memref_slice %arg2[%dma_wait3A_314, %dma_wait3A_315] : memref<1568x4096xf32, #tpu.memory_space<hbm>> -> memref<1568x4096xf32, #tpu.memory_space<hbm>>
    %dma_wait3A_317 = tpu.memref_slice %arg8[%dma_wait3A_310] : memref<4x!tpu.dma_semaphore, #tpu.memory_space<semaphore_mem>> -> memref<1x!tpu.dma_semaphore, #tpu.memory_space<semaphore_mem>>
    %dma_wait3A_318 = tpu.memref_squeeze %dma_wait3A_317 : memref<1x!tpu.dma_semaphore, #tpu.memory_space<semaphore_mem>> -> memref<!tpu.dma_semaphore, #tpu.memory_space<semaphore_mem>>
    tpu.wait_indirect_dma semaphore(%dma_wait3A_318 : memref<!tpu.dma_semaphore, #tpu.memory_space<semaphore_mem>>) src(%dma_wait3A_316 : memref<1568x4096xf32, #tpu.memory_space<hbm>>) dst(%arg6 : memref<8x4096xf32, #tpu.memory_space<vmem>>)
    %add3A_319 = arith.constant 64 : i32
    %add3A_320 = arith.addi %mul3A_2, %add3A_319 : i32
    %dma_start3A_321 = arith.constant 2 : i32
    %dma_start3A_322 = arith.constant 0 : i32
    %dma_start3A_323 = tpu.memref_slice %arg4[%add3A_320, %dma_start3A_322] : memref<3328x4096xf32, #tpu.memory_space<hbm>> -> memref<8x4096xf32, #tpu.memory_space<hbm>>
    %dma_start3A_324 = tpu.memref_slice %arg8[%dma_start3A_321] : memref<4x!tpu.dma_semaphore, #tpu.memory_space<semaphore_mem>> -> memref<1x!tpu.dma_semaphore, #tpu.memory_space<semaphore_mem>>
    %dma_start3A_325 = tpu.memref_squeeze %dma_start3A_324 : memref<1x!tpu.dma_semaphore, #tpu.memory_space<semaphore_mem>> -> memref<!tpu.dma_semaphore, #tpu.memory_space<semaphore_mem>>
    %dma_start3A_326 = arith.constant 0 : i32
    %dma_start3A_327 = tpu.memref_slice %arg4[%add3A_320, %dma_start3A_326] : memref<3328x4096xf32, #tpu.memory_space<hbm>> -> memref<8x4096xf32, #tpu.memory_space<hbm>>
    tpu.enqueue_dma source(%arg6 : memref<8x4096xf32, #tpu.memory_space<vmem>>) target(%dma_start3A_327 : memref<8x4096xf32, #tpu.memory_space<hbm>>) target_semaphore(%dma_start3A_325 : memref<!tpu.dma_semaphore, #tpu.memory_space<semaphore_mem>>)
    %dma_wait3A_328 = arith.constant 2 : i32
    %dma_wait3A_329 = arith.constant 0 : i32
    %dma_wait3A_330 = tpu.memref_slice %arg4[%add3A_320, %dma_wait3A_329] : memref<3328x4096xf32, #tpu.memory_space<hbm>> -> memref<8x4096xf32, #tpu.memory_space<hbm>>
    %dma_wait3A_331 = tpu.memref_slice %arg8[%dma_wait3A_328] : memref<4x!tpu.dma_semaphore, #tpu.memory_space<semaphore_mem>> -> memref<1x!tpu.dma_semaphore, #tpu.memory_space<semaphore_mem>>
    %dma_wait3A_332 = tpu.memref_squeeze %dma_wait3A_331 : memref<1x!tpu.dma_semaphore, #tpu.memory_space<semaphore_mem>> -> memref<!tpu.dma_semaphore, #tpu.memory_space<semaphore_mem>>
    %dma_wait3A_333 = arith.constant 0 : i32
    %dma_wait3A_334 = tpu.memref_slice %arg4[%add3A_320, %dma_wait3A_333] : memref<3328x4096xf32, #tpu.memory_space<hbm>> -> memref<8x4096xf32, #tpu.memory_space<hbm>>
    tpu.wait_dma2 semaphore(%dma_wait3A_332 : memref<!tpu.dma_semaphore, #tpu.memory_space<semaphore_mem>>) src(%arg6 : memref<8x4096xf32, #tpu.memory_space<vmem>>) dst(%dma_wait3A_334 : memref<8x4096xf32, #tpu.memory_space<hbm>>)
    %dma_start3A_335 = arith.constant 0 : i32
    %dma_start3A_336 = arith.constant 0 : i32
    %dma_start3A_337 = arith.constant 80 : i32
    %dma_start3A_338 = tpu.memref_slice %arg5[%dma_start3A_335, %dma_start3A_337] : memref<1x104xi32, #tpu.memory_space<vmem>> -> memref<1x8xi32, #tpu.memory_space<vmem>>
    %dma_start3A_339 = tpu.memref_squeeze %dma_start3A_338 : memref<1x8xi32, #tpu.memory_space<vmem>> -> memref<8xi32, #tpu.memory_space<vmem>>
    %dma_start3A_340 = arith.constant 0 : i32
    %dma_start3A_341 = arith.constant 0 : i32
    %dma_start3A_342 = tpu.memref_slice %arg2[%dma_start3A_340, %dma_start3A_341] : memref<1568x4096xf32, #tpu.memory_space<hbm>> -> memref<1568x4096xf32, #tpu.memory_space<hbm>>
    %dma_start3A_343 = tpu.memref_slice %arg8[%dma_start3A_336] : memref<4x!tpu.dma_semaphore, #tpu.memory_space<semaphore_mem>> -> memref<1x!tpu.dma_semaphore, #tpu.memory_space<semaphore_mem>>
    %dma_start3A_344 = tpu.memref_squeeze %dma_start3A_343 : memref<1x!tpu.dma_semaphore, #tpu.memory_space<semaphore_mem>> -> memref<!tpu.dma_semaphore, #tpu.memory_space<semaphore_mem>>
    tpu.enqueue_indirect_dma source(%dma_start3A_342 : memref<1568x4096xf32, #tpu.memory_space<hbm>>) target(%arg6 : memref<8x4096xf32, #tpu.memory_space<vmem>>) offsets(%dma_start3A_339 : memref<8xi32, #tpu.memory_space<vmem>>) semaphore(%dma_start3A_344 : memref<!tpu.dma_semaphore, #tpu.memory_space<semaphore_mem>>)
    %dma_wait3A_345 = arith.constant 0 : i32
    %dma_wait3A_346 = arith.constant 1 : i32
    %dma_wait3A_347 = arith.constant 72 : i32
    %dma_wait3A_348 = tpu.memref_slice %arg5[%dma_wait3A_345, %dma_wait3A_347] : memref<1x104xi32, #tpu.memory_space<vmem>> -> memref<1x8xi32, #tpu.memory_space<vmem>>
    %dma_wait3A_349 = tpu.memref_squeeze %dma_wait3A_348 : memref<1x8xi32, #tpu.memory_space<vmem>> -> memref<8xi32, #tpu.memory_space<vmem>>
    %dma_wait3A_350 = arith.constant 0 : i32
    %dma_wait3A_351 = arith.constant 0 : i32
    %dma_wait3A_352 = tpu.memref_slice %arg2[%dma_wait3A_350, %dma_wait3A_351] : memref<1568x4096xf32, #tpu.memory_space<hbm>> -> memref<1568x4096xf32, #tpu.memory_space<hbm>>
    %dma_wait3A_353 = tpu.memref_slice %arg8[%dma_wait3A_346] : memref<4x!tpu.dma_semaphore, #tpu.memory_space<semaphore_mem>> -> memref<1x!tpu.dma_semaphore, #tpu.memory_space<semaphore_mem>>
    %dma_wait3A_354 = tpu.memref_squeeze %dma_wait3A_353 : memref<1x!tpu.dma_semaphore, #tpu.memory_space<semaphore_mem>> -> memref<!tpu.dma_semaphore, #tpu.memory_space<semaphore_mem>>
    tpu.wait_indirect_dma semaphore(%dma_wait3A_354 : memref<!tpu.dma_semaphore, #tpu.memory_space<semaphore_mem>>) src(%dma_wait3A_352 : memref<1568x4096xf32, #tpu.memory_space<hbm>>) dst(%arg7 : memref<8x4096xf32, #tpu.memory_space<vmem>>)
    %add3A_355 = arith.constant 72 : i32
    %add3A_356 = arith.addi %mul3A_2, %add3A_355 : i32
    %dma_start3A_357 = arith.constant 3 : i32
    %dma_start3A_358 = arith.constant 0 : i32
    %dma_start3A_359 = tpu.memref_slice %arg4[%add3A_356, %dma_start3A_358] : memref<3328x4096xf32, #tpu.memory_space<hbm>> -> memref<8x4096xf32, #tpu.memory_space<hbm>>
    %dma_start3A_360 = tpu.memref_slice %arg8[%dma_start3A_357] : memref<4x!tpu.dma_semaphore, #tpu.memory_space<semaphore_mem>> -> memref<1x!tpu.dma_semaphore, #tpu.memory_space<semaphore_mem>>
    %dma_start3A_361 = tpu.memref_squeeze %dma_start3A_360 : memref<1x!tpu.dma_semaphore, #tpu.memory_space<semaphore_mem>> -> memref<!tpu.dma_semaphore, #tpu.memory_space<semaphore_mem>>
    %dma_start3A_362 = arith.constant 0 : i32
    %dma_start3A_363 = tpu.memref_slice %arg4[%add3A_356, %dma_start3A_362] : memref<3328x4096xf32, #tpu.memory_space<hbm>> -> memref<8x4096xf32, #tpu.memory_space<hbm>>
    tpu.enqueue_dma source(%arg7 : memref<8x4096xf32, #tpu.memory_space<vmem>>) target(%dma_start3A_363 : memref<8x4096xf32, #tpu.memory_space<hbm>>) target_semaphore(%dma_start3A_361 : memref<!tpu.dma_semaphore, #tpu.memory_space<semaphore_mem>>)
    %dma_wait3A_364 = arith.constant 3 : i32
    %dma_wait3A_365 = arith.constant 0 : i32
    %dma_wait3A_366 = tpu.memref_slice %arg4[%add3A_356, %dma_wait3A_365] : memref<3328x4096xf32, #tpu.memory_space<hbm>> -> memref<8x4096xf32, #tpu.memory_space<hbm>>
    %dma_wait3A_367 = tpu.memref_slice %arg8[%dma_wait3A_364] : memref<4x!tpu.dma_semaphore, #tpu.memory_space<semaphore_mem>> -> memref<1x!tpu.dma_semaphore, #tpu.memory_space<semaphore_mem>>
    %dma_wait3A_368 = tpu.memref_squeeze %dma_wait3A_367 : memref<1x!tpu.dma_semaphore, #tpu.memory_space<semaphore_mem>> -> memref<!tpu.dma_semaphore, #tpu.memory_space<semaphore_mem>>
    %dma_wait3A_369 = arith.constant 0 : i32
    %dma_wait3A_370 = tpu.memref_slice %arg4[%add3A_356, %dma_wait3A_369] : memref<3328x4096xf32, #tpu.memory_space<hbm>> -> memref<8x4096xf32, #tpu.memory_space<hbm>>
    tpu.wait_dma2 semaphore(%dma_wait3A_368 : memref<!tpu.dma_semaphore, #tpu.memory_space<semaphore_mem>>) src(%arg7 : memref<8x4096xf32, #tpu.memory_space<vmem>>) dst(%dma_wait3A_370 : memref<8x4096xf32, #tpu.memory_space<hbm>>)
    %dma_start3A_371 = arith.constant 0 : i32
    %dma_start3A_372 = arith.constant 1 : i32
    %dma_start3A_373 = arith.constant 88 : i32
    %dma_start3A_374 = tpu.memref_slice %arg5[%dma_start3A_371, %dma_start3A_373] : memref<1x104xi32, #tpu.memory_space<vmem>> -> memref<1x8xi32, #tpu.memory_space<vmem>>
    %dma_start3A_375 = tpu.memref_squeeze %dma_start3A_374 : memref<1x8xi32, #tpu.memory_space<vmem>> -> memref<8xi32, #tpu.memory_space<vmem>>
    %dma_start3A_376 = arith.constant 0 : i32
    %dma_start3A_377 = arith.constant 0 : i32
    %dma_start3A_378 = tpu.memref_slice %arg2[%dma_start3A_376, %dma_start3A_377] : memref<1568x4096xf32, #tpu.memory_space<hbm>> -> memref<1568x4096xf32, #tpu.memory_space<hbm>>
    %dma_start3A_379 = tpu.memref_slice %arg8[%dma_start3A_372] : memref<4x!tpu.dma_semaphore, #tpu.memory_space<semaphore_mem>> -> memref<1x!tpu.dma_semaphore, #tpu.memory_space<semaphore_mem>>
    %dma_start3A_380 = tpu.memref_squeeze %dma_start3A_379 : memref<1x!tpu.dma_semaphore, #tpu.memory_space<semaphore_mem>> -> memref<!tpu.dma_semaphore, #tpu.memory_space<semaphore_mem>>
    tpu.enqueue_indirect_dma source(%dma_start3A_378 : memref<1568x4096xf32, #tpu.memory_space<hbm>>) target(%arg7 : memref<8x4096xf32, #tpu.memory_space<vmem>>) offsets(%dma_start3A_375 : memref<8xi32, #tpu.memory_space<vmem>>) semaphore(%dma_start3A_380 : memref<!tpu.dma_semaphore, #tpu.memory_space<semaphore_mem>>)
    %dma_wait3A_381 = arith.constant 0 : i32
    %dma_wait3A_382 = arith.constant 0 : i32
    %dma_wait3A_383 = arith.constant 80 : i32
    %dma_wait3A_384 = tpu.memref_slice %arg5[%dma_wait3A_381, %dma_wait3A_383] : memref<1x104xi32, #tpu.memory_space<vmem>> -> memref<1x8xi32, #tpu.memory_space<vmem>>
    %dma_wait3A_385 = tpu.memref_squeeze %dma_wait3A_384 : memref<1x8xi32, #tpu.memory_space<vmem>> -> memref<8xi32, #tpu.memory_space<vmem>>
    %dma_wait3A_386 = arith.constant 0 : i32
    %dma_wait3A_387 = arith.constant 0 : i32
    %dma_wait3A_388 = tpu.memref_slice %arg2[%dma_wait3A_386, %dma_wait3A_387] : memref<1568x4096xf32, #tpu.memory_space<hbm>> -> memref<1568x4096xf32, #tpu.memory_space<hbm>>
    %dma_wait3A_389 = tpu.memref_slice %arg8[%dma_wait3A_382] : memref<4x!tpu.dma_semaphore, #tpu.memory_space<semaphore_mem>> -> memref<1x!tpu.dma_semaphore, #tpu.memory_space<semaphore_mem>>
    %dma_wait3A_390 = tpu.memref_squeeze %dma_wait3A_389 : memref<1x!tpu.dma_semaphore, #tpu.memory_space<semaphore_mem>> -> memref<!tpu.dma_semaphore, #tpu.memory_space<semaphore_mem>>
    tpu.wait_indirect_dma semaphore(%dma_wait3A_390 : memref<!tpu.dma_semaphore, #tpu.memory_space<semaphore_mem>>) src(%dma_wait3A_388 : memref<1568x4096xf32, #tpu.memory_space<hbm>>) dst(%arg6 : memref<8x4096xf32, #tpu.memory_space<vmem>>)
    %add3A_391 = arith.constant 80 : i32
    %add3A_392 = arith.addi %mul3A_2, %add3A_391 : i32
    %dma_start3A_393 = arith.constant 2 : i32
    %dma_start3A_394 = arith.constant 0 : i32
    %dma_start3A_395 = tpu.memref_slice %arg4[%add3A_392, %dma_start3A_394] : memref<3328x4096xf32, #tpu.memory_space<hbm>> -> memref<8x4096xf32, #tpu.memory_space<hbm>>
    %dma_start3A_396 = tpu.memref_slice %arg8[%dma_start3A_393] : memref<4x!tpu.dma_semaphore, #tpu.memory_space<semaphore_mem>> -> memref<1x!tpu.dma_semaphore, #tpu.memory_space<semaphore_mem>>
    %dma_start3A_397 = tpu.memref_squeeze %dma_start3A_396 : memref<1x!tpu.dma_semaphore, #tpu.memory_space<semaphore_mem>> -> memref<!tpu.dma_semaphore, #tpu.memory_space<semaphore_mem>>
    %dma_start3A_398 = arith.constant 0 : i32
    %dma_start3A_399 = tpu.memref_slice %arg4[%add3A_392, %dma_start3A_398] : memref<3328x4096xf32, #tpu.memory_space<hbm>> -> memref<8x4096xf32, #tpu.memory_space<hbm>>
    tpu.enqueue_dma source(%arg6 : memref<8x4096xf32, #tpu.memory_space<vmem>>) target(%dma_start3A_399 : memref<8x4096xf32, #tpu.memory_space<hbm>>) target_semaphore(%dma_start3A_397 : memref<!tpu.dma_semaphore, #tpu.memory_space<semaphore_mem>>)
    %dma_wait3A_400 = arith.constant 2 : i32
    %dma_wait3A_401 = arith.constant 0 : i32
    %dma_wait3A_402 = tpu.memref_slice %arg4[%add3A_392, %dma_wait3A_401] : memref<3328x4096xf32, #tpu.memory_space<hbm>> -> memref<8x4096xf32, #tpu.memory_space<hbm>>
    %dma_wait3A_403 = tpu.memref_slice %arg8[%dma_wait3A_400] : memref<4x!tpu.dma_semaphore, #tpu.memory_space<semaphore_mem>> -> memref<1x!tpu.dma_semaphore, #tpu.memory_space<semaphore_mem>>
    %dma_wait3A_404 = tpu.memref_squeeze %dma_wait3A_403 : memref<1x!tpu.dma_semaphore, #tpu.memory_space<semaphore_mem>> -> memref<!tpu.dma_semaphore, #tpu.memory_space<semaphore_mem>>
    %dma_wait3A_405 = arith.constant 0 : i32
    %dma_wait3A_406 = tpu.memref_slice %arg4[%add3A_392, %dma_wait3A_405] : memref<3328x4096xf32, #tpu.memory_space<hbm>> -> memref<8x4096xf32, #tpu.memory_space<hbm>>
    tpu.wait_dma2 semaphore(%dma_wait3A_404 : memref<!tpu.dma_semaphore, #tpu.memory_space<semaphore_mem>>) src(%arg6 : memref<8x4096xf32, #tpu.memory_space<vmem>>) dst(%dma_wait3A_406 : memref<8x4096xf32, #tpu.memory_space<hbm>>)
    %dma_start3A_407 = arith.constant 0 : i32
    %dma_start3A_408 = arith.constant 0 : i32
    %dma_start3A_409 = arith.constant 96 : i32
    %dma_start3A_410 = tpu.memref_slice %arg5[%dma_start3A_407, %dma_start3A_409] : memref<1x104xi32, #tpu.memory_space<vmem>> -> memref<1x8xi32, #tpu.memory_space<vmem>>
    %dma_start3A_411 = tpu.memref_squeeze %dma_start3A_410 : memref<1x8xi32, #tpu.memory_space<vmem>> -> memref<8xi32, #tpu.memory_space<vmem>>
    %dma_start3A_412 = arith.constant 0 : i32
    %dma_start3A_413 = arith.constant 0 : i32
    %dma_start3A_414 = tpu.memref_slice %arg2[%dma_start3A_412, %dma_start3A_413] : memref<1568x4096xf32, #tpu.memory_space<hbm>> -> memref<1568x4096xf32, #tpu.memory_space<hbm>>
    %dma_start3A_415 = tpu.memref_slice %arg8[%dma_start3A_408] : memref<4x!tpu.dma_semaphore, #tpu.memory_space<semaphore_mem>> -> memref<1x!tpu.dma_semaphore, #tpu.memory_space<semaphore_mem>>
    %dma_start3A_416 = tpu.memref_squeeze %dma_start3A_415 : memref<1x!tpu.dma_semaphore, #tpu.memory_space<semaphore_mem>> -> memref<!tpu.dma_semaphore, #tpu.memory_space<semaphore_mem>>
    tpu.enqueue_indirect_dma source(%dma_start3A_414 : memref<1568x4096xf32, #tpu.memory_space<hbm>>) target(%arg6 : memref<8x4096xf32, #tpu.memory_space<vmem>>) offsets(%dma_start3A_411 : memref<8xi32, #tpu.memory_space<vmem>>) semaphore(%dma_start3A_416 : memref<!tpu.dma_semaphore, #tpu.memory_space<semaphore_mem>>)
    %dma_wait3A_417 = arith.constant 0 : i32
    %dma_wait3A_418 = arith.constant 1 : i32
    %dma_wait3A_419 = arith.constant 88 : i32
    %dma_wait3A_420 = tpu.memref_slice %arg5[%dma_wait3A_417, %dma_wait3A_419] : memref<1x104xi32, #tpu.memory_space<vmem>> -> memref<1x8xi32, #tpu.memory_space<vmem>>
    %dma_wait3A_421 = tpu.memref_squeeze %dma_wait3A_420 : memref<1x8xi32, #tpu.memory_space<vmem>> -> memref<8xi32, #tpu.memory_space<vmem>>
    %dma_wait3A_422 = arith.constant 0 : i32
    %dma_wait3A_423 = arith.constant 0 : i32
    %dma_wait3A_424 = tpu.memref_slice %arg2[%dma_wait3A_422, %dma_wait3A_423] : memref<1568x4096xf32, #tpu.memory_space<hbm>> -> memref<1568x4096xf32, #tpu.memory_space<hbm>>
    %dma_wait3A_425 = tpu.memref_slice %arg8[%dma_wait3A_418] : memref<4x!tpu.dma_semaphore, #tpu.memory_space<semaphore_mem>> -> memref<1x!tpu.dma_semaphore, #tpu.memory_space<semaphore_mem>>
    %dma_wait3A_426 = tpu.memref_squeeze %dma_wait3A_425 : memref<1x!tpu.dma_semaphore, #tpu.memory_space<semaphore_mem>> -> memref<!tpu.dma_semaphore, #tpu.memory_space<semaphore_mem>>
    tpu.wait_indirect_dma semaphore(%dma_wait3A_426 : memref<!tpu.dma_semaphore, #tpu.memory_space<semaphore_mem>>) src(%dma_wait3A_424 : memref<1568x4096xf32, #tpu.memory_space<hbm>>) dst(%arg7 : memref<8x4096xf32, #tpu.memory_space<vmem>>)
    %add3A_427 = arith.constant 88 : i32
    %add3A_428 = arith.addi %mul3A_2, %add3A_427 : i32
    %dma_start3A_429 = arith.constant 3 : i32
    %dma_start3A_430 = arith.constant 0 : i32
    %dma_start3A_431 = tpu.memref_slice %arg4[%add3A_428, %dma_start3A_430] : memref<3328x4096xf32, #tpu.memory_space<hbm>> -> memref<8x4096xf32, #tpu.memory_space<hbm>>
    %dma_start3A_432 = tpu.memref_slice %arg8[%dma_start3A_429] : memref<4x!tpu.dma_semaphore, #tpu.memory_space<semaphore_mem>> -> memref<1x!tpu.dma_semaphore, #tpu.memory_space<semaphore_mem>>
    %dma_start3A_433 = tpu.memref_squeeze %dma_start3A_432 : memref<1x!tpu.dma_semaphore, #tpu.memory_space<semaphore_mem>> -> memref<!tpu.dma_semaphore, #tpu.memory_space<semaphore_mem>>
    %dma_start3A_434 = arith.constant 0 : i32
    %dma_start3A_435 = tpu.memref_slice %arg4[%add3A_428, %dma_start3A_434] : memref<3328x4096xf32, #tpu.memory_space<hbm>> -> memref<8x4096xf32, #tpu.memory_space<hbm>>
    tpu.enqueue_dma source(%arg7 : memref<8x4096xf32, #tpu.memory_space<vmem>>) target(%dma_start3A_435 : memref<8x4096xf32, #tpu.memory_space<hbm>>) target_semaphore(%dma_start3A_433 : memref<!tpu.dma_semaphore, #tpu.memory_space<semaphore_mem>>)
    %dma_wait3A_436 = arith.constant 0 : i32
    %dma_wait3A_437 = arith.constant 0 : i32
    %dma_wait3A_438 = arith.constant 96 : i32
    %dma_wait3A_439 = tpu.memref_slice %arg5[%dma_wait3A_436, %dma_wait3A_438] : memref<1x104xi32, #tpu.memory_space<vmem>> -> memref<1x8xi32, #tpu.memory_space<vmem>>
    %dma_wait3A_440 = tpu.memref_squeeze %dma_wait3A_439 : memref<1x8xi32, #tpu.memory_space<vmem>> -> memref<8xi32, #tpu.memory_space<vmem>>
    %dma_wait3A_441 = arith.constant 0 : i32
    %dma_wait3A_442 = arith.constant 0 : i32
    %dma_wait3A_443 = tpu.memref_slice %arg2[%dma_wait3A_441, %dma_wait3A_442] : memref<1568x4096xf32, #tpu.memory_space<hbm>> -> memref<1568x4096xf32, #tpu.memory_space<hbm>>
    %dma_wait3A_444 = tpu.memref_slice %arg8[%dma_wait3A_437] : memref<4x!tpu.dma_semaphore, #tpu.memory_space<semaphore_mem>> -> memref<1x!tpu.dma_semaphore, #tpu.memory_space<semaphore_mem>>
    %dma_wait3A_445 = tpu.memref_squeeze %dma_wait3A_444 : memref<1x!tpu.dma_semaphore, #tpu.memory_space<semaphore_mem>> -> memref<!tpu.dma_semaphore, #tpu.memory_space<semaphore_mem>>
    tpu.wait_indirect_dma semaphore(%dma_wait3A_445 : memref<!tpu.dma_semaphore, #tpu.memory_space<semaphore_mem>>) src(%dma_wait3A_443 : memref<1568x4096xf32, #tpu.memory_space<hbm>>) dst(%arg6 : memref<8x4096xf32, #tpu.memory_space<vmem>>)
    %add3A_446 = arith.constant 96 : i32
    %add3A_447 = arith.addi %mul3A_2, %add3A_446 : i32
    "tpu.region"() ({
      %run_scoped3A = tpu.sem_alloc : memref<!tpu.dma_semaphore, #tpu.memory_space<semaphore_mem>>
      %dma_start3A_455 = arith.constant 0 : i32
      %dma_start3A_456 = tpu.memref_slice %arg4[%add3A_447, %dma_start3A_455] : memref<3328x4096xf32, #tpu.memory_space<hbm>> -> memref<8x4096xf32, #tpu.memory_space<hbm>>
      %dma_start3A_457 = arith.constant 0 : i32
      %dma_start3A_458 = tpu.memref_slice %arg4[%add3A_447, %dma_start3A_457] : memref<3328x4096xf32, #tpu.memory_space<hbm>> -> memref<8x4096xf32, #tpu.memory_space<hbm>>
      tpu.enqueue_dma source(%arg6 : memref<8x4096xf32, #tpu.memory_space<vmem>>) target(%dma_start3A_458 : memref<8x4096xf32, #tpu.memory_space<hbm>>) target_semaphore(%run_scoped3A : memref<!tpu.dma_semaphore, #tpu.memory_space<semaphore_mem>>)
      %dma_wait3A_459 = arith.constant 0 : i32
      %dma_wait3A_460 = tpu.memref_slice %arg4[%add3A_447, %dma_wait3A_459] : memref<3328x4096xf32, #tpu.memory_space<hbm>> -> memref<8x4096xf32, #tpu.memory_space<hbm>>
      %dma_wait3A_461 = arith.constant 0 : i32
      %dma_wait3A_462 = tpu.memref_slice %arg4[%add3A_447, %dma_wait3A_461] : memref<3328x4096xf32, #tpu.memory_space<hbm>> -> memref<8x4096xf32, #tpu.memory_space<hbm>>
      tpu.wait_dma2 semaphore(%run_scoped3A : memref<!tpu.dma_semaphore, #tpu.memory_space<semaphore_mem>>) src(%arg6 : memref<8x4096xf32, #tpu.memory_space<vmem>>) dst(%dma_wait3A_462 : memref<8x4096xf32, #tpu.memory_space<hbm>>)
      tpu.yield
    }) : () -> ()
    %dma_wait3A_448 = arith.constant 3 : i32
    %dma_wait3A_449 = arith.constant 0 : i32
    %dma_wait3A_450 = tpu.memref_slice %arg4[%add3A_428, %dma_wait3A_449] : memref<3328x4096xf32, #tpu.memory_space<hbm>> -> memref<8x4096xf32, #tpu.memory_space<hbm>>
    %dma_wait3A_451 = tpu.memref_slice %arg8[%dma_wait3A_448] : memref<4x!tpu.dma_semaphore, #tpu.memory_space<semaphore_mem>> -> memref<1x!tpu.dma_semaphore, #tpu.memory_space<semaphore_mem>>
    %dma_wait3A_452 = tpu.memref_squeeze %dma_wait3A_451 : memref<1x!tpu.dma_semaphore, #tpu.memory_space<semaphore_mem>> -> memref<!tpu.dma_semaphore, #tpu.memory_space<semaphore_mem>>
    %dma_wait3A_453 = arith.constant 0 : i32
    %dma_wait3A_454 = tpu.memref_slice %arg4[%add3A_428, %dma_wait3A_453] : memref<3328x4096xf32, #tpu.memory_space<hbm>> -> memref<8x4096xf32, #tpu.memory_space<hbm>>
    tpu.wait_dma2 semaphore(%dma_wait3A_452 : memref<!tpu.dma_semaphore, #tpu.memory_space<semaphore_mem>>) src(%arg7 : memref<8x4096xf32, #tpu.memory_space<vmem>>) dst(%dma_wait3A_454 : memref<8x4096xf32, #tpu.memory_space<hbm>>)
    return
  }
}

module attributes {stable_mosaic.version = 14 : i64} {
  func.func @_conv_body(%arg0: i32, %arg1: i32, %arg2: memref<1x192x8x2x224xf32, #tpu.memory_space<vmem>>, %arg3: memref<384x256xf32, #tpu.memory_space<vmem>>, %arg4: memref<384x256xf32, #tpu.memory_space<vmem>>, %arg5: memref<1x256xf32, #tpu.memory_space<vmem>>, %arg6: memref<896x256xf32, #tpu.memory_space<vmem>>) attributes {dimension_semantics = [#tpu.dimension_semantics<arbitrary>, #tpu.dimension_semantics<arbitrary>], iteration_bounds = array<i64: 2, 14>, scalar_prefetch = 0 : i64, scratch_operands = 0 : i64, tpu.core_type = #tpu.core_type<tc>, window_params = [{transform_indices = @transform_0, window_bounds = array<i64: 1, 192, 8, 2, 224>}, {pipeline_mode = #tpu.pipeline_mode<synchronous>, transform_indices = @transform_1, window_bounds = array<i64: 384, 256>}, {pipeline_mode = #tpu.pipeline_mode<synchronous>, transform_indices = @transform_2, window_bounds = array<i64: 384, 256>}, {pipeline_mode = #tpu.pipeline_mode<synchronous>, transform_indices = @transform_3, window_bounds = array<i64: 1, 256>}, {transform_indices = @transform_4, window_bounds = array<i64: 896, 256>}]} {
    %get3A = arith.constant 0 : index
    %get3A_0 = arith.constant 0 : index
    %get3A_1 = arith.constant 0 : index
    %get3A_2 = arith.constant 0 : index
    %get3A_3 = arith.constant 0 : index
    %get3A_4 = vector.load %arg2[%get3A, %get3A_0, %get3A_1, %get3A_2, %get3A_3] : memref<1x192x8x2x224xf32, #tpu.memory_space<vmem>>, vector<1x192x1x1x224xf32>
    %get3A_5 = vector.shape_cast %get3A_4 : vector<1x192x1x1x224xf32> to vector<192x224xf32>
    %get3A_6 = arith.constant 0 : index
    %get3A_7 = arith.constant 0 : index
    %get3A_8 = arith.constant 0 : index
    %get3A_9 = arith.constant 1 : index
    %get3A_10 = arith.constant 0 : index
    %get3A_11 = vector.load %arg2[%get3A_6, %get3A_7, %get3A_8, %get3A_9, %get3A_10] : memref<1x192x8x2x224xf32, #tpu.memory_space<vmem>>, vector<1x192x1x1x224xf32>
    %get3A_12 = vector.shape_cast %get3A_11 : vector<1x192x1x1x224xf32> to vector<192x224xf32>
    %concatenate3A = tpu.concatenate %get3A_5, %get3A_12 in 0 : vector<192x224xf32>, vector<192x224xf32> -> vector<384x224xf32>
    %get3A_13 = arith.constant 0 : index
    %get3A_14 = arith.constant 0 : index
    %get3A_15 = vector.load %arg3[%get3A_13, %get3A_14] : memref<384x256xf32, #tpu.memory_space<vmem>>, vector<384x256xf32>
    %dot_general3A = arith.constant dense<0.000000e+00> : vector<224x256xf32>
    %dot_general3A_16 = tpu.matmul %concatenate3A, %get3A_15, %dot_general3A {dimension_numbers = #tpu.dot_dimension_numbers<[0], [0], [1], [1], [0, 1, 1, 1], [], []>, transpose_lhs_hint = false} : vector<384x224xf32>, vector<384x256xf32>, vector<224x256xf32> -> vector<224x256xf32>
    %get3A_17 = arith.constant 0 : index
    %get3A_18 = arith.constant 0 : index
    %get3A_19 = vector.load %arg4[%get3A_17, %get3A_18] : memref<384x256xf32, #tpu.memory_space<vmem>>, vector<384x256xf32>
    %dot_general3A_20 = arith.constant dense<0.000000e+00> : vector<224x256xf32>
    %dot_general3A_21 = tpu.matmul %concatenate3A, %get3A_19, %dot_general3A_20 {dimension_numbers = #tpu.dot_dimension_numbers<[0], [0], [1], [1], [0, 1, 1, 1], [], []>, transpose_lhs_hint = false} : vector<384x224xf32>, vector<384x256xf32>, vector<224x256xf32> -> vector<224x256xf32>
    %reshape3A = vector.shape_cast %dot_general3A_16 : vector<224x256xf32> to vector<112x2x256xf32>
    %slice3A = vector.extract_strided_slice %reshape3A {offsets = [0, 0, 0], sizes = [112, 1, 256], strides = [1, 1, 1]} : vector<112x2x256xf32> to vector<112x1x256xf32>
    %squeeze3A = vector.shape_cast %slice3A : vector<112x1x256xf32> to vector<112x256xf32>
    %reshape3A_22 = vector.shape_cast %dot_general3A_21 : vector<224x256xf32> to vector<112x2x256xf32>
    %slice3A_23 = vector.extract_strided_slice %reshape3A_22 {offsets = [0, 1, 0], sizes = [112, 1, 256], strides = [1, 1, 1]} : vector<112x2x256xf32> to vector<112x1x256xf32>
    %squeeze3A_24 = vector.shape_cast %slice3A_23 : vector<112x1x256xf32> to vector<112x256xf32>
    %add3A = arith.addf %squeeze3A, %squeeze3A_24 : vector<112x256xf32>
    %get3A_25 = arith.constant 0 : index
    %get3A_26 = arith.constant 0 : index
    %get3A_27 = vector.load %arg5[%get3A_25, %get3A_26] : memref<1x256xf32, #tpu.memory_space<vmem>>, vector<1x256xf32>
    %add3A_28 = vector.broadcast %get3A_27 : vector<1x256xf32> to vector<112x256xf32>
    %add3A_29 = arith.addf %add3A, %add3A_28 : vector<112x256xf32>
    %swap3A = arith.constant 0 : index
    %swap3A_30 = arith.constant 0 : index
    %swap3A_31 = vector.load %arg6[%swap3A, %swap3A_30] : memref<896x256xf32, #tpu.memory_space<vmem>>, vector<112x256xf32>
    tpu.vector_store %arg6[%swap3A, %swap3A_30], %add3A_29 {strides = array<i32>} : memref<896x256xf32, #tpu.memory_space<vmem>>, vector<112x256xf32>,
    %get3A_32 = arith.constant 0 : index
    %get3A_33 = arith.constant 0 : index
    %get3A_34 = arith.constant 1 : index
    %get3A_35 = arith.constant 0 : index
    %get3A_36 = arith.constant 0 : index
    %get3A_37 = vector.load %arg2[%get3A_32, %get3A_33, %get3A_34, %get3A_35, %get3A_36] : memref<1x192x8x2x224xf32, #tpu.memory_space<vmem>>, vector<1x192x1x1x224xf32>
    %get3A_38 = vector.shape_cast %get3A_37 : vector<1x192x1x1x224xf32> to vector<192x224xf32>
    %get3A_39 = arith.constant 0 : index
    %get3A_40 = arith.constant 0 : index
    %get3A_41 = arith.constant 1 : index
    %get3A_42 = arith.constant 1 : index
    %get3A_43 = arith.constant 0 : index
    %get3A_44 = vector.load %arg2[%get3A_39, %get3A_40, %get3A_41, %get3A_42, %get3A_43] : memref<1x192x8x2x224xf32, #tpu.memory_space<vmem>>, vector<1x192x1x1x224xf32>
    %get3A_45 = vector.shape_cast %get3A_44 : vector<1x192x1x1x224xf32> to vector<192x224xf32>
    %concatenate3A_46 = tpu.concatenate %get3A_38, %get3A_45 in 0 : vector<192x224xf32>, vector<192x224xf32> -> vector<384x224xf32>
    %get3A_47 = arith.constant 0 : index
    %get3A_48 = arith.constant 0 : index
    %get3A_49 = vector.load %arg3[%get3A_47, %get3A_48] : memref<384x256xf32, #tpu.memory_space<vmem>>, vector<384x256xf32>
    %dot_general3A_50 = arith.constant dense<0.000000e+00> : vector<224x256xf32>
    %dot_general3A_51 = tpu.matmul %concatenate3A_46, %get3A_49, %dot_general3A_50 {dimension_numbers = #tpu.dot_dimension_numbers<[0], [0], [1], [1], [0, 1, 1, 1], [], []>, transpose_lhs_hint = false} : vector<384x224xf32>, vector<384x256xf32>, vector<224x256xf32> -> vector<224x256xf32>
    %get3A_52 = arith.constant 0 : index
    %get3A_53 = arith.constant 0 : index
    %get3A_54 = vector.load %arg4[%get3A_52, %get3A_53] : memref<384x256xf32, #tpu.memory_space<vmem>>, vector<384x256xf32>
    %dot_general3A_55 = arith.constant dense<0.000000e+00> : vector<224x256xf32>
    %dot_general3A_56 = tpu.matmul %concatenate3A_46, %get3A_54, %dot_general3A_55 {dimension_numbers = #tpu.dot_dimension_numbers<[0], [0], [1], [1], [0, 1, 1, 1], [], []>, transpose_lhs_hint = false} : vector<384x224xf32>, vector<384x256xf32>, vector<224x256xf32> -> vector<224x256xf32>
    %reshape3A_57 = vector.shape_cast %dot_general3A_51 : vector<224x256xf32> to vector<112x2x256xf32>
    %slice3A_58 = vector.extract_strided_slice %reshape3A_57 {offsets = [0, 0, 0], sizes = [112, 1, 256], strides = [1, 1, 1]} : vector<112x2x256xf32> to vector<112x1x256xf32>
    %squeeze3A_59 = vector.shape_cast %slice3A_58 : vector<112x1x256xf32> to vector<112x256xf32>
    %reshape3A_60 = vector.shape_cast %dot_general3A_56 : vector<224x256xf32> to vector<112x2x256xf32>
    %slice3A_61 = vector.extract_strided_slice %reshape3A_60 {offsets = [0, 1, 0], sizes = [112, 1, 256], strides = [1, 1, 1]} : vector<112x2x256xf32> to vector<112x1x256xf32>
    %squeeze3A_62 = vector.shape_cast %slice3A_61 : vector<112x1x256xf32> to vector<112x256xf32>
    %add3A_63 = arith.addf %squeeze3A_59, %squeeze3A_62 : vector<112x256xf32>
    %get3A_64 = arith.constant 0 : index
    %get3A_65 = arith.constant 0 : index
    %get3A_66 = vector.load %arg5[%get3A_64, %get3A_65] : memref<1x256xf32, #tpu.memory_space<vmem>>, vector<1x256xf32>
    %add3A_67 = vector.broadcast %get3A_66 : vector<1x256xf32> to vector<112x256xf32>
    %add3A_68 = arith.addf %add3A_63, %add3A_67 : vector<112x256xf32>
    %swap3A_69 = arith.constant 112 : index
    %swap3A_70 = arith.constant 0 : index
    %swap3A_71 = vector.load %arg6[%swap3A_69, %swap3A_70] : memref<896x256xf32, #tpu.memory_space<vmem>>, vector<112x256xf32>
    tpu.vector_store %arg6[%swap3A_69, %swap3A_70], %add3A_68 {strides = array<i32>} : memref<896x256xf32, #tpu.memory_space<vmem>>, vector<112x256xf32>,
    %get3A_72 = arith.constant 0 : index
    %get3A_73 = arith.constant 0 : index
    %get3A_74 = arith.constant 2 : index
    %get3A_75 = arith.constant 0 : index
    %get3A_76 = arith.constant 0 : index
    %get3A_77 = vector.load %arg2[%get3A_72, %get3A_73, %get3A_74, %get3A_75, %get3A_76] : memref<1x192x8x2x224xf32, #tpu.memory_space<vmem>>, vector<1x192x1x1x224xf32>
    %get3A_78 = vector.shape_cast %get3A_77 : vector<1x192x1x1x224xf32> to vector<192x224xf32>
    %get3A_79 = arith.constant 0 : index
    %get3A_80 = arith.constant 0 : index
    %get3A_81 = arith.constant 2 : index
    %get3A_82 = arith.constant 1 : index
    %get3A_83 = arith.constant 0 : index
    %get3A_84 = vector.load %arg2[%get3A_79, %get3A_80, %get3A_81, %get3A_82, %get3A_83] : memref<1x192x8x2x224xf32, #tpu.memory_space<vmem>>, vector<1x192x1x1x224xf32>
    %get3A_85 = vector.shape_cast %get3A_84 : vector<1x192x1x1x224xf32> to vector<192x224xf32>
    %concatenate3A_86 = tpu.concatenate %get3A_78, %get3A_85 in 0 : vector<192x224xf32>, vector<192x224xf32> -> vector<384x224xf32>
    %get3A_87 = arith.constant 0 : index
    %get3A_88 = arith.constant 0 : index
    %get3A_89 = vector.load %arg3[%get3A_87, %get3A_88] : memref<384x256xf32, #tpu.memory_space<vmem>>, vector<384x256xf32>
    %dot_general3A_90 = arith.constant dense<0.000000e+00> : vector<224x256xf32>
    %dot_general3A_91 = tpu.matmul %concatenate3A_86, %get3A_89, %dot_general3A_90 {dimension_numbers = #tpu.dot_dimension_numbers<[0], [0], [1], [1], [0, 1, 1, 1], [], []>, transpose_lhs_hint = false} : vector<384x224xf32>, vector<384x256xf32>, vector<224x256xf32> -> vector<224x256xf32>
    %get3A_92 = arith.constant 0 : index
    %get3A_93 = arith.constant 0 : index
    %get3A_94 = vector.load %arg4[%get3A_92, %get3A_93] : memref<384x256xf32, #tpu.memory_space<vmem>>, vector<384x256xf32>
    %dot_general3A_95 = arith.constant dense<0.000000e+00> : vector<224x256xf32>
    %dot_general3A_96 = tpu.matmul %concatenate3A_86, %get3A_94, %dot_general3A_95 {dimension_numbers = #tpu.dot_dimension_numbers<[0], [0], [1], [1], [0, 1, 1, 1], [], []>, transpose_lhs_hint = false} : vector<384x224xf32>, vector<384x256xf32>, vector<224x256xf32> -> vector<224x256xf32>
    %reshape3A_97 = vector.shape_cast %dot_general3A_91 : vector<224x256xf32> to vector<112x2x256xf32>
    %slice3A_98 = vector.extract_strided_slice %reshape3A_97 {offsets = [0, 0, 0], sizes = [112, 1, 256], strides = [1, 1, 1]} : vector<112x2x256xf32> to vector<112x1x256xf32>
    %squeeze3A_99 = vector.shape_cast %slice3A_98 : vector<112x1x256xf32> to vector<112x256xf32>
    %reshape3A_100 = vector.shape_cast %dot_general3A_96 : vector<224x256xf32> to vector<112x2x256xf32>
    %slice3A_101 = vector.extract_strided_slice %reshape3A_100 {offsets = [0, 1, 0], sizes = [112, 1, 256], strides = [1, 1, 1]} : vector<112x2x256xf32> to vector<112x1x256xf32>
    %squeeze3A_102 = vector.shape_cast %slice3A_101 : vector<112x1x256xf32> to vector<112x256xf32>
    %add3A_103 = arith.addf %squeeze3A_99, %squeeze3A_102 : vector<112x256xf32>
    %get3A_104 = arith.constant 0 : index
    %get3A_105 = arith.constant 0 : index
    %get3A_106 = vector.load %arg5[%get3A_104, %get3A_105] : memref<1x256xf32, #tpu.memory_space<vmem>>, vector<1x256xf32>
    %add3A_107 = vector.broadcast %get3A_106 : vector<1x256xf32> to vector<112x256xf32>
    %add3A_108 = arith.addf %add3A_103, %add3A_107 : vector<112x256xf32>
    %swap3A_109 = arith.constant 224 : index
    %swap3A_110 = arith.constant 0 : index
    %swap3A_111 = vector.load %arg6[%swap3A_109, %swap3A_110] : memref<896x256xf32, #tpu.memory_space<vmem>>, vector<112x256xf32>
    tpu.vector_store %arg6[%swap3A_109, %swap3A_110], %add3A_108 {strides = array<i32>} : memref<896x256xf32, #tpu.memory_space<vmem>>, vector<112x256xf32>,
    %get3A_112 = arith.constant 0 : index
    %get3A_113 = arith.constant 0 : index
    %get3A_114 = arith.constant 3 : index
    %get3A_115 = arith.constant 0 : index
    %get3A_116 = arith.constant 0 : index
    %get3A_117 = vector.load %arg2[%get3A_112, %get3A_113, %get3A_114, %get3A_115, %get3A_116] : memref<1x192x8x2x224xf32, #tpu.memory_space<vmem>>, vector<1x192x1x1x224xf32>
    %get3A_118 = vector.shape_cast %get3A_117 : vector<1x192x1x1x224xf32> to vector<192x224xf32>
    %get3A_119 = arith.constant 0 : index
    %get3A_120 = arith.constant 0 : index
    %get3A_121 = arith.constant 3 : index
    %get3A_122 = arith.constant 1 : index
    %get3A_123 = arith.constant 0 : index
    %get3A_124 = vector.load %arg2[%get3A_119, %get3A_120, %get3A_121, %get3A_122, %get3A_123] : memref<1x192x8x2x224xf32, #tpu.memory_space<vmem>>, vector<1x192x1x1x224xf32>
    %get3A_125 = vector.shape_cast %get3A_124 : vector<1x192x1x1x224xf32> to vector<192x224xf32>
    %concatenate3A_126 = tpu.concatenate %get3A_118, %get3A_125 in 0 : vector<192x224xf32>, vector<192x224xf32> -> vector<384x224xf32>
    %get3A_127 = arith.constant 0 : index
    %get3A_128 = arith.constant 0 : index
    %get3A_129 = vector.load %arg3[%get3A_127, %get3A_128] : memref<384x256xf32, #tpu.memory_space<vmem>>, vector<384x256xf32>
    %dot_general3A_130 = arith.constant dense<0.000000e+00> : vector<224x256xf32>
    %dot_general3A_131 = tpu.matmul %concatenate3A_126, %get3A_129, %dot_general3A_130 {dimension_numbers = #tpu.dot_dimension_numbers<[0], [0], [1], [1], [0, 1, 1, 1], [], []>, transpose_lhs_hint = false} : vector<384x224xf32>, vector<384x256xf32>, vector<224x256xf32> -> vector<224x256xf32>
    %get3A_132 = arith.constant 0 : index
    %get3A_133 = arith.constant 0 : index
    %get3A_134 = vector.load %arg4[%get3A_132, %get3A_133] : memref<384x256xf32, #tpu.memory_space<vmem>>, vector<384x256xf32>
    %dot_general3A_135 = arith.constant dense<0.000000e+00> : vector<224x256xf32>
    %dot_general3A_136 = tpu.matmul %concatenate3A_126, %get3A_134, %dot_general3A_135 {dimension_numbers = #tpu.dot_dimension_numbers<[0], [0], [1], [1], [0, 1, 1, 1], [], []>, transpose_lhs_hint = false} : vector<384x224xf32>, vector<384x256xf32>, vector<224x256xf32> -> vector<224x256xf32>
    %reshape3A_137 = vector.shape_cast %dot_general3A_131 : vector<224x256xf32> to vector<112x2x256xf32>
    %slice3A_138 = vector.extract_strided_slice %reshape3A_137 {offsets = [0, 0, 0], sizes = [112, 1, 256], strides = [1, 1, 1]} : vector<112x2x256xf32> to vector<112x1x256xf32>
    %squeeze3A_139 = vector.shape_cast %slice3A_138 : vector<112x1x256xf32> to vector<112x256xf32>
    %reshape3A_140 = vector.shape_cast %dot_general3A_136 : vector<224x256xf32> to vector<112x2x256xf32>
    %slice3A_141 = vector.extract_strided_slice %reshape3A_140 {offsets = [0, 1, 0], sizes = [112, 1, 256], strides = [1, 1, 1]} : vector<112x2x256xf32> to vector<112x1x256xf32>
    %squeeze3A_142 = vector.shape_cast %slice3A_141 : vector<112x1x256xf32> to vector<112x256xf32>
    %add3A_143 = arith.addf %squeeze3A_139, %squeeze3A_142 : vector<112x256xf32>
    %get3A_144 = arith.constant 0 : index
    %get3A_145 = arith.constant 0 : index
    %get3A_146 = vector.load %arg5[%get3A_144, %get3A_145] : memref<1x256xf32, #tpu.memory_space<vmem>>, vector<1x256xf32>
    %add3A_147 = vector.broadcast %get3A_146 : vector<1x256xf32> to vector<112x256xf32>
    %add3A_148 = arith.addf %add3A_143, %add3A_147 : vector<112x256xf32>
    %swap3A_149 = arith.constant 336 : index
    %swap3A_150 = arith.constant 0 : index
    %swap3A_151 = vector.load %arg6[%swap3A_149, %swap3A_150] : memref<896x256xf32, #tpu.memory_space<vmem>>, vector<112x256xf32>
    tpu.vector_store %arg6[%swap3A_149, %swap3A_150], %add3A_148 {strides = array<i32>} : memref<896x256xf32, #tpu.memory_space<vmem>>, vector<112x256xf32>,
    %get3A_152 = arith.constant 0 : index
    %get3A_153 = arith.constant 0 : index
    %get3A_154 = arith.constant 4 : index
    %get3A_155 = arith.constant 0 : index
    %get3A_156 = arith.constant 0 : index
    %get3A_157 = vector.load %arg2[%get3A_152, %get3A_153, %get3A_154, %get3A_155, %get3A_156] : memref<1x192x8x2x224xf32, #tpu.memory_space<vmem>>, vector<1x192x1x1x224xf32>
    %get3A_158 = vector.shape_cast %get3A_157 : vector<1x192x1x1x224xf32> to vector<192x224xf32>
    %get3A_159 = arith.constant 0 : index
    %get3A_160 = arith.constant 0 : index
    %get3A_161 = arith.constant 4 : index
    %get3A_162 = arith.constant 1 : index
    %get3A_163 = arith.constant 0 : index
    %get3A_164 = vector.load %arg2[%get3A_159, %get3A_160, %get3A_161, %get3A_162, %get3A_163] : memref<1x192x8x2x224xf32, #tpu.memory_space<vmem>>, vector<1x192x1x1x224xf32>
    %get3A_165 = vector.shape_cast %get3A_164 : vector<1x192x1x1x224xf32> to vector<192x224xf32>
    %concatenate3A_166 = tpu.concatenate %get3A_158, %get3A_165 in 0 : vector<192x224xf32>, vector<192x224xf32> -> vector<384x224xf32>
    %get3A_167 = arith.constant 0 : index
    %get3A_168 = arith.constant 0 : index
    %get3A_169 = vector.load %arg3[%get3A_167, %get3A_168] : memref<384x256xf32, #tpu.memory_space<vmem>>, vector<384x256xf32>
    %dot_general3A_170 = arith.constant dense<0.000000e+00> : vector<224x256xf32>
    %dot_general3A_171 = tpu.matmul %concatenate3A_166, %get3A_169, %dot_general3A_170 {dimension_numbers = #tpu.dot_dimension_numbers<[0], [0], [1], [1], [0, 1, 1, 1], [], []>, transpose_lhs_hint = false} : vector<384x224xf32>, vector<384x256xf32>, vector<224x256xf32> -> vector<224x256xf32>
    %get3A_172 = arith.constant 0 : index
    %get3A_173 = arith.constant 0 : index
    %get3A_174 = vector.load %arg4[%get3A_172, %get3A_173] : memref<384x256xf32, #tpu.memory_space<vmem>>, vector<384x256xf32>
    %dot_general3A_175 = arith.constant dense<0.000000e+00> : vector<224x256xf32>
    %dot_general3A_176 = tpu.matmul %concatenate3A_166, %get3A_174, %dot_general3A_175 {dimension_numbers = #tpu.dot_dimension_numbers<[0], [0], [1], [1], [0, 1, 1, 1], [], []>, transpose_lhs_hint = false} : vector<384x224xf32>, vector<384x256xf32>, vector<224x256xf32> -> vector<224x256xf32>
    %reshape3A_177 = vector.shape_cast %dot_general3A_171 : vector<224x256xf32> to vector<112x2x256xf32>
    %slice3A_178 = vector.extract_strided_slice %reshape3A_177 {offsets = [0, 0, 0], sizes = [112, 1, 256], strides = [1, 1, 1]} : vector<112x2x256xf32> to vector<112x1x256xf32>
    %squeeze3A_179 = vector.shape_cast %slice3A_178 : vector<112x1x256xf32> to vector<112x256xf32>
    %reshape3A_180 = vector.shape_cast %dot_general3A_176 : vector<224x256xf32> to vector<112x2x256xf32>
    %slice3A_181 = vector.extract_strided_slice %reshape3A_180 {offsets = [0, 1, 0], sizes = [112, 1, 256], strides = [1, 1, 1]} : vector<112x2x256xf32> to vector<112x1x256xf32>
    %squeeze3A_182 = vector.shape_cast %slice3A_181 : vector<112x1x256xf32> to vector<112x256xf32>
    %add3A_183 = arith.addf %squeeze3A_179, %squeeze3A_182 : vector<112x256xf32>
    %get3A_184 = arith.constant 0 : index
    %get3A_185 = arith.constant 0 : index
    %get3A_186 = vector.load %arg5[%get3A_184, %get3A_185] : memref<1x256xf32, #tpu.memory_space<vmem>>, vector<1x256xf32>
    %add3A_187 = vector.broadcast %get3A_186 : vector<1x256xf32> to vector<112x256xf32>
    %add3A_188 = arith.addf %add3A_183, %add3A_187 : vector<112x256xf32>
    %swap3A_189 = arith.constant 448 : index
    %swap3A_190 = arith.constant 0 : index
    %swap3A_191 = vector.load %arg6[%swap3A_189, %swap3A_190] : memref<896x256xf32, #tpu.memory_space<vmem>>, vector<112x256xf32>
    tpu.vector_store %arg6[%swap3A_189, %swap3A_190], %add3A_188 {strides = array<i32>} : memref<896x256xf32, #tpu.memory_space<vmem>>, vector<112x256xf32>,
    %get3A_192 = arith.constant 0 : index
    %get3A_193 = arith.constant 0 : index
    %get3A_194 = arith.constant 5 : index
    %get3A_195 = arith.constant 0 : index
    %get3A_196 = arith.constant 0 : index
    %get3A_197 = vector.load %arg2[%get3A_192, %get3A_193, %get3A_194, %get3A_195, %get3A_196] : memref<1x192x8x2x224xf32, #tpu.memory_space<vmem>>, vector<1x192x1x1x224xf32>
    %get3A_198 = vector.shape_cast %get3A_197 : vector<1x192x1x1x224xf32> to vector<192x224xf32>
    %get3A_199 = arith.constant 0 : index
    %get3A_200 = arith.constant 0 : index
    %get3A_201 = arith.constant 5 : index
    %get3A_202 = arith.constant 1 : index
    %get3A_203 = arith.constant 0 : index
    %get3A_204 = vector.load %arg2[%get3A_199, %get3A_200, %get3A_201, %get3A_202, %get3A_203] : memref<1x192x8x2x224xf32, #tpu.memory_space<vmem>>, vector<1x192x1x1x224xf32>
    %get3A_205 = vector.shape_cast %get3A_204 : vector<1x192x1x1x224xf32> to vector<192x224xf32>
    %concatenate3A_206 = tpu.concatenate %get3A_198, %get3A_205 in 0 : vector<192x224xf32>, vector<192x224xf32> -> vector<384x224xf32>
    %get3A_207 = arith.constant 0 : index
    %get3A_208 = arith.constant 0 : index
    %get3A_209 = vector.load %arg3[%get3A_207, %get3A_208] : memref<384x256xf32, #tpu.memory_space<vmem>>, vector<384x256xf32>
    %dot_general3A_210 = arith.constant dense<0.000000e+00> : vector<224x256xf32>
    %dot_general3A_211 = tpu.matmul %concatenate3A_206, %get3A_209, %dot_general3A_210 {dimension_numbers = #tpu.dot_dimension_numbers<[0], [0], [1], [1], [0, 1, 1, 1], [], []>, transpose_lhs_hint = false} : vector<384x224xf32>, vector<384x256xf32>, vector<224x256xf32> -> vector<224x256xf32>
    %get3A_212 = arith.constant 0 : index
    %get3A_213 = arith.constant 0 : index
    %get3A_214 = vector.load %arg4[%get3A_212, %get3A_213] : memref<384x256xf32, #tpu.memory_space<vmem>>, vector<384x256xf32>
    %dot_general3A_215 = arith.constant dense<0.000000e+00> : vector<224x256xf32>
    %dot_general3A_216 = tpu.matmul %concatenate3A_206, %get3A_214, %dot_general3A_215 {dimension_numbers = #tpu.dot_dimension_numbers<[0], [0], [1], [1], [0, 1, 1, 1], [], []>, transpose_lhs_hint = false} : vector<384x224xf32>, vector<384x256xf32>, vector<224x256xf32> -> vector<224x256xf32>
    %reshape3A_217 = vector.shape_cast %dot_general3A_211 : vector<224x256xf32> to vector<112x2x256xf32>
    %slice3A_218 = vector.extract_strided_slice %reshape3A_217 {offsets = [0, 0, 0], sizes = [112, 1, 256], strides = [1, 1, 1]} : vector<112x2x256xf32> to vector<112x1x256xf32>
    %squeeze3A_219 = vector.shape_cast %slice3A_218 : vector<112x1x256xf32> to vector<112x256xf32>
    %reshape3A_220 = vector.shape_cast %dot_general3A_216 : vector<224x256xf32> to vector<112x2x256xf32>
    %slice3A_221 = vector.extract_strided_slice %reshape3A_220 {offsets = [0, 1, 0], sizes = [112, 1, 256], strides = [1, 1, 1]} : vector<112x2x256xf32> to vector<112x1x256xf32>
    %squeeze3A_222 = vector.shape_cast %slice3A_221 : vector<112x1x256xf32> to vector<112x256xf32>
    %add3A_223 = arith.addf %squeeze3A_219, %squeeze3A_222 : vector<112x256xf32>
    %get3A_224 = arith.constant 0 : index
    %get3A_225 = arith.constant 0 : index
    %get3A_226 = vector.load %arg5[%get3A_224, %get3A_225] : memref<1x256xf32, #tpu.memory_space<vmem>>, vector<1x256xf32>
    %add3A_227 = vector.broadcast %get3A_226 : vector<1x256xf32> to vector<112x256xf32>
    %add3A_228 = arith.addf %add3A_223, %add3A_227 : vector<112x256xf32>
    %swap3A_229 = arith.constant 560 : index
    %swap3A_230 = arith.constant 0 : index
    %swap3A_231 = vector.load %arg6[%swap3A_229, %swap3A_230] : memref<896x256xf32, #tpu.memory_space<vmem>>, vector<112x256xf32>
    tpu.vector_store %arg6[%swap3A_229, %swap3A_230], %add3A_228 {strides = array<i32>} : memref<896x256xf32, #tpu.memory_space<vmem>>, vector<112x256xf32>,
    %get3A_232 = arith.constant 0 : index
    %get3A_233 = arith.constant 0 : index
    %get3A_234 = arith.constant 6 : index
    %get3A_235 = arith.constant 0 : index
    %get3A_236 = arith.constant 0 : index
    %get3A_237 = vector.load %arg2[%get3A_232, %get3A_233, %get3A_234, %get3A_235, %get3A_236] : memref<1x192x8x2x224xf32, #tpu.memory_space<vmem>>, vector<1x192x1x1x224xf32>
    %get3A_238 = vector.shape_cast %get3A_237 : vector<1x192x1x1x224xf32> to vector<192x224xf32>
    %get3A_239 = arith.constant 0 : index
    %get3A_240 = arith.constant 0 : index
    %get3A_241 = arith.constant 6 : index
    %get3A_242 = arith.constant 1 : index
    %get3A_243 = arith.constant 0 : index
    %get3A_244 = vector.load %arg2[%get3A_239, %get3A_240, %get3A_241, %get3A_242, %get3A_243] : memref<1x192x8x2x224xf32, #tpu.memory_space<vmem>>, vector<1x192x1x1x224xf32>
    %get3A_245 = vector.shape_cast %get3A_244 : vector<1x192x1x1x224xf32> to vector<192x224xf32>
    %concatenate3A_246 = tpu.concatenate %get3A_238, %get3A_245 in 0 : vector<192x224xf32>, vector<192x224xf32> -> vector<384x224xf32>
    %get3A_247 = arith.constant 0 : index
    %get3A_248 = arith.constant 0 : index
    %get3A_249 = vector.load %arg3[%get3A_247, %get3A_248] : memref<384x256xf32, #tpu.memory_space<vmem>>, vector<384x256xf32>
    %dot_general3A_250 = arith.constant dense<0.000000e+00> : vector<224x256xf32>
    %dot_general3A_251 = tpu.matmul %concatenate3A_246, %get3A_249, %dot_general3A_250 {dimension_numbers = #tpu.dot_dimension_numbers<[0], [0], [1], [1], [0, 1, 1, 1], [], []>, transpose_lhs_hint = false} : vector<384x224xf32>, vector<384x256xf32>, vector<224x256xf32> -> vector<224x256xf32>
    %get3A_252 = arith.constant 0 : index
    %get3A_253 = arith.constant 0 : index
    %get3A_254 = vector.load %arg4[%get3A_252, %get3A_253] : memref<384x256xf32, #tpu.memory_space<vmem>>, vector<384x256xf32>
    %dot_general3A_255 = arith.constant dense<0.000000e+00> : vector<224x256xf32>
    %dot_general3A_256 = tpu.matmul %concatenate3A_246, %get3A_254, %dot_general3A_255 {dimension_numbers = #tpu.dot_dimension_numbers<[0], [0], [1], [1], [0, 1, 1, 1], [], []>, transpose_lhs_hint = false} : vector<384x224xf32>, vector<384x256xf32>, vector<224x256xf32> -> vector<224x256xf32>
    %reshape3A_257 = vector.shape_cast %dot_general3A_251 : vector<224x256xf32> to vector<112x2x256xf32>
    %slice3A_258 = vector.extract_strided_slice %reshape3A_257 {offsets = [0, 0, 0], sizes = [112, 1, 256], strides = [1, 1, 1]} : vector<112x2x256xf32> to vector<112x1x256xf32>
    %squeeze3A_259 = vector.shape_cast %slice3A_258 : vector<112x1x256xf32> to vector<112x256xf32>
    %reshape3A_260 = vector.shape_cast %dot_general3A_256 : vector<224x256xf32> to vector<112x2x256xf32>
    %slice3A_261 = vector.extract_strided_slice %reshape3A_260 {offsets = [0, 1, 0], sizes = [112, 1, 256], strides = [1, 1, 1]} : vector<112x2x256xf32> to vector<112x1x256xf32>
    %squeeze3A_262 = vector.shape_cast %slice3A_261 : vector<112x1x256xf32> to vector<112x256xf32>
    %add3A_263 = arith.addf %squeeze3A_259, %squeeze3A_262 : vector<112x256xf32>
    %get3A_264 = arith.constant 0 : index
    %get3A_265 = arith.constant 0 : index
    %get3A_266 = vector.load %arg5[%get3A_264, %get3A_265] : memref<1x256xf32, #tpu.memory_space<vmem>>, vector<1x256xf32>
    %add3A_267 = vector.broadcast %get3A_266 : vector<1x256xf32> to vector<112x256xf32>
    %add3A_268 = arith.addf %add3A_263, %add3A_267 : vector<112x256xf32>
    %swap3A_269 = arith.constant 672 : index
    %swap3A_270 = arith.constant 0 : index
    %swap3A_271 = vector.load %arg6[%swap3A_269, %swap3A_270] : memref<896x256xf32, #tpu.memory_space<vmem>>, vector<112x256xf32>
    tpu.vector_store %arg6[%swap3A_269, %swap3A_270], %add3A_268 {strides = array<i32>} : memref<896x256xf32, #tpu.memory_space<vmem>>, vector<112x256xf32>,
    %get3A_272 = arith.constant 0 : index
    %get3A_273 = arith.constant 0 : index
    %get3A_274 = arith.constant 7 : index
    %get3A_275 = arith.constant 0 : index
    %get3A_276 = arith.constant 0 : index
    %get3A_277 = vector.load %arg2[%get3A_272, %get3A_273, %get3A_274, %get3A_275, %get3A_276] : memref<1x192x8x2x224xf32, #tpu.memory_space<vmem>>, vector<1x192x1x1x224xf32>
    %get3A_278 = vector.shape_cast %get3A_277 : vector<1x192x1x1x224xf32> to vector<192x224xf32>
    %get3A_279 = arith.constant 0 : index
    %get3A_280 = arith.constant 0 : index
    %get3A_281 = arith.constant 7 : index
    %get3A_282 = arith.constant 1 : index
    %get3A_283 = arith.constant 0 : index
    %get3A_284 = vector.load %arg2[%get3A_279, %get3A_280, %get3A_281, %get3A_282, %get3A_283] : memref<1x192x8x2x224xf32, #tpu.memory_space<vmem>>, vector<1x192x1x1x224xf32>
    %get3A_285 = vector.shape_cast %get3A_284 : vector<1x192x1x1x224xf32> to vector<192x224xf32>
    %concatenate3A_286 = tpu.concatenate %get3A_278, %get3A_285 in 0 : vector<192x224xf32>, vector<192x224xf32> -> vector<384x224xf32>
    %get3A_287 = arith.constant 0 : index
    %get3A_288 = arith.constant 0 : index
    %get3A_289 = vector.load %arg3[%get3A_287, %get3A_288] : memref<384x256xf32, #tpu.memory_space<vmem>>, vector<384x256xf32>
    %dot_general3A_290 = arith.constant dense<0.000000e+00> : vector<224x256xf32>
    %dot_general3A_291 = tpu.matmul %concatenate3A_286, %get3A_289, %dot_general3A_290 {dimension_numbers = #tpu.dot_dimension_numbers<[0], [0], [1], [1], [0, 1, 1, 1], [], []>, transpose_lhs_hint = false} : vector<384x224xf32>, vector<384x256xf32>, vector<224x256xf32> -> vector<224x256xf32>
    %get3A_292 = arith.constant 0 : index
    %get3A_293 = arith.constant 0 : index
    %get3A_294 = vector.load %arg4[%get3A_292, %get3A_293] : memref<384x256xf32, #tpu.memory_space<vmem>>, vector<384x256xf32>
    %dot_general3A_295 = arith.constant dense<0.000000e+00> : vector<224x256xf32>
    %dot_general3A_296 = tpu.matmul %concatenate3A_286, %get3A_294, %dot_general3A_295 {dimension_numbers = #tpu.dot_dimension_numbers<[0], [0], [1], [1], [0, 1, 1, 1], [], []>, transpose_lhs_hint = false} : vector<384x224xf32>, vector<384x256xf32>, vector<224x256xf32> -> vector<224x256xf32>
    %reshape3A_297 = vector.shape_cast %dot_general3A_291 : vector<224x256xf32> to vector<112x2x256xf32>
    %slice3A_298 = vector.extract_strided_slice %reshape3A_297 {offsets = [0, 0, 0], sizes = [112, 1, 256], strides = [1, 1, 1]} : vector<112x2x256xf32> to vector<112x1x256xf32>
    %squeeze3A_299 = vector.shape_cast %slice3A_298 : vector<112x1x256xf32> to vector<112x256xf32>
    %reshape3A_300 = vector.shape_cast %dot_general3A_296 : vector<224x256xf32> to vector<112x2x256xf32>
    %slice3A_301 = vector.extract_strided_slice %reshape3A_300 {offsets = [0, 1, 0], sizes = [112, 1, 256], strides = [1, 1, 1]} : vector<112x2x256xf32> to vector<112x1x256xf32>
    %squeeze3A_302 = vector.shape_cast %slice3A_301 : vector<112x1x256xf32> to vector<112x256xf32>
    %add3A_303 = arith.addf %squeeze3A_299, %squeeze3A_302 : vector<112x256xf32>
    %get3A_304 = arith.constant 0 : index
    %get3A_305 = arith.constant 0 : index
    %get3A_306 = vector.load %arg5[%get3A_304, %get3A_305] : memref<1x256xf32, #tpu.memory_space<vmem>>, vector<1x256xf32>
    %add3A_307 = vector.broadcast %get3A_306 : vector<1x256xf32> to vector<112x256xf32>
    %add3A_308 = arith.addf %add3A_303, %add3A_307 : vector<112x256xf32>
    %swap3A_309 = arith.constant 784 : index
    %swap3A_310 = arith.constant 0 : index
    %swap3A_311 = vector.load %arg6[%swap3A_309, %swap3A_310] : memref<896x256xf32, #tpu.memory_space<vmem>>, vector<112x256xf32>
    tpu.vector_store %arg6[%swap3A_309, %swap3A_310], %add3A_308 {strides = array<i32>} : memref<896x256xf32, #tpu.memory_space<vmem>>, vector<112x256xf32>,
    return
  }
  func.func @transform_0(%arg0: i32, %arg1: i32) -> (i32, i32, i32, i32, i32) {
    %c0_i32 = arith.constant 0 : i32
    %c0_i32_0 = arith.constant 0 : i32
    %c0_i32_1 = arith.constant 0 : i32
    %c0_i32_2 = arith.constant 0 : i32
    return %arg0, %c0_i32, %arg1, %c0_i32_0, %c0_i32_1 : i32, i32, i32, i32, i32
  }
  func.func @transform_1(%arg0: i32, %arg1: i32) -> (i32, i32) {
    %c0_i32 = arith.constant 0 : i32
    %c0_i32_0 = arith.constant 0 : i32
    %c0_i32_1 = arith.constant 0 : i32
    return %c0_i32, %c0_i32_0 : i32, i32
  }
  func.func @transform_2(%arg0: i32, %arg1: i32) -> (i32, i32) {
    %c0_i32 = arith.constant 0 : i32
    %c0_i32_0 = arith.constant 0 : i32
    %c0_i32_1 = arith.constant 0 : i32
    return %c0_i32, %c0_i32_0 : i32, i32
  }
  func.func @transform_3(%arg0: i32, %arg1: i32) -> (i32, i32) {
    %c0_i32 = arith.constant 0 : i32
    %c0_i32_0 = arith.constant 0 : i32
    %c0_i32_1 = arith.constant 0 : i32
    return %c0_i32, %c0_i32_0 : i32, i32
  }
  func.func @transform_4(%arg0: i32, %arg1: i32) -> (i32, i32) {
    %mul3A = arith.constant 14 : i32
    %mul3A_0 = arith.muli %arg0, %mul3A : i32
    %add3A = arith.addi %mul3A_0, %arg1 : i32
    %c0_i32 = arith.constant 0 : i32
    %c0_i32_1 = arith.constant 0 : i32
    return %add3A, %c0_i32 : i32, i32
  }
}

module attributes {stable_mosaic.version = 14 : i64} {
  func.func @_stage1b_body(%arg0: i32, %arg1: memref<8x64x256xf32, #tpu.memory_space<vmem>>, %arg2: memref<8x256xf32, #tpu.memory_space<vmem>>) attributes {dimension_semantics = [#tpu.dimension_semantics<arbitrary>], iteration_bounds = array<i64: 49>, scalar_prefetch = 0 : i64, scratch_operands = 0 : i64, tpu.core_type = #tpu.core_type<tc>, window_params = [{transform_indices = @transform_0, window_bounds = array<i64: 8, 64, 256>}, {transform_indices = @transform_1, window_bounds = array<i64: 8, 256>}]} {
    %get3A = arith.constant 0 : index
    %get3A_0 = arith.constant 0 : index
    %get3A_1 = arith.constant 0 : index
    %get3A_2 = vector.load %arg1[%get3A, %get3A_0, %get3A_1] : memref<8x64x256xf32, #tpu.memory_space<vmem>>, vector<8x64x256xf32>
    %reshape3A = vector.shape_cast %get3A_2 : vector<8x64x256xf32> to vector<512x256xf32>
    %get3A_3 = arith.constant 0 : index
    %get3A_4 = arith.constant 0 : index
    %get3A_5 = arith.constant 0 : index
    %get3A_6 = vector.load %arg1[%get3A_3, %get3A_4, %get3A_5] : memref<8x64x256xf32, #tpu.memory_space<vmem>>, vector<8x64x256xf32>
    %dot_general3A = arith.constant dense<0.000000e+00> : vector<8x64x64xf32>
    %dot_general3A_7 = tpu.matmul %get3A_6, %get3A_6, %dot_general3A {dimension_numbers = #tpu.dot_dimension_numbers<[2], [2], [1], [1], [0, 0, 0, 1, 1, 1], [0], [0]>, transpose_lhs_hint = false} : vector<8x64x256xf32>, vector<8x64x256xf32>, vector<8x64x64xf32> -> vector<8x64x64xf32>
    %mul3A = arith.constant 0.0721687824 : f32
    %mul3A_8 = vector.broadcast %mul3A : f32 to vector<8x64x64xf32>
    %mul3A_9 = arith.mulf %dot_general3A_7, %mul3A_8 : vector<8x64x64xf32>
    %reshape3A_10 = vector.shape_cast %mul3A_9 : vector<8x64x64xf32> to vector<512x64xf32>
    %reduce_max3A = arith.constant dense<0xFF800000> : vector<512xf32>
    %reduce_max3A_11 = vector.multi_reduction <maximumf>, %reshape3A_10, %reduce_max3A [1] : vector<512x64xf32> to vector<512xf32>
    %broadcast_in_dim3A = vector.shape_cast %reduce_max3A_11 : vector<512xf32> to vector<512x1xf32>
    %sub3A = vector.broadcast %broadcast_in_dim3A : vector<512x1xf32> to vector<512x64xf32>
    %sub3A_12 = arith.subf %reshape3A_10, %sub3A : vector<512x64xf32>
    %exp3A = math.exp %sub3A_12 : vector<512x64xf32>
    %reduce_sum3A = arith.constant dense<0.000000e+00> : vector<512xf32>
    %reduce_sum3A_13 = vector.multi_reduction <add>, %exp3A, %reduce_sum3A [1] : vector<512x64xf32> to vector<512xf32>
    %broadcast_in_dim3A_14 = vector.shape_cast %reduce_sum3A_13 : vector<512xf32> to vector<512x1xf32>
    %add3A = arith.constant 1.000000e+00 : f32
    %add3A_15 = vector.broadcast %add3A : f32 to vector<512x1xf32>
    %add3A_16 = arith.addf %add3A_15, %broadcast_in_dim3A_14 : vector<512x1xf32>
    %div3A = vector.broadcast %add3A_16 : vector<512x1xf32> to vector<512x64xf32>
    %div3A_17 = arith.divf %exp3A, %div3A : vector<512x64xf32>
    %reshape3A_18 = vector.shape_cast %div3A_17 : vector<512x64xf32> to vector<8x64x64xf32>
    %reduce_sum3A_19 = arith.constant dense<0.000000e+00> : vector<8x64xf32>
    %reduce_sum3A_20 = vector.multi_reduction <add>, %reshape3A_18, %reduce_sum3A_19 [1] : vector<8x64x64xf32> to vector<8x64xf32>
    %reduce_max3A_21 = arith.constant dense<0xFF800000> : vector<8xf32>
    %reduce_max3A_22 = vector.multi_reduction <maximumf>, %reduce_sum3A_20, %reduce_max3A_21 [1] : vector<8x64xf32> to vector<8xf32>
    %broadcast_in_dim3A_23 = vector.shape_cast %reduce_max3A_22 : vector<8xf32> to vector<8x1xf32>
    %sub3A_24 = vector.broadcast %broadcast_in_dim3A_23 : vector<8x1xf32> to vector<8x64xf32>
    %sub3A_25 = arith.subf %reduce_sum3A_20, %sub3A_24 : vector<8x64xf32>
    %exp3A_26 = math.exp %sub3A_25 : vector<8x64xf32>
    %reduce_sum3A_27 = arith.constant dense<0.000000e+00> : vector<8xf32>
    %reduce_sum3A_28 = vector.multi_reduction <add>, %exp3A_26, %reduce_sum3A_27 [1] : vector<8x64xf32> to vector<8xf32>
    %broadcast_in_dim3A_29 = vector.shape_cast %reduce_sum3A_28 : vector<8xf32> to vector<8x1xf32>
    %add3A_30 = arith.constant 1.000000e+00 : f32
    %add3A_31 = vector.broadcast %add3A_30 : f32 to vector<8x1xf32>
    %add3A_32 = arith.addf %add3A_31, %broadcast_in_dim3A_29 : vector<8x1xf32>
    %div3A_33 = vector.broadcast %add3A_32 : vector<8x1xf32> to vector<8x64xf32>
    %div3A_34 = arith.divf %exp3A_26, %div3A_33 : vector<8x64xf32>
    %slice3A = vector.extract_strided_slice %div3A_34 {offsets = [0, 0], sizes = [1, 64], strides = [1, 1]} : vector<8x64xf32> to vector<1x64xf32>
    %squeeze3A = vector.shape_cast %slice3A : vector<1x64xf32> to vector<64xf32>
    %slice3A_35 = vector.extract_strided_slice %reshape3A {offsets = [0, 0], sizes = [64, 256], strides = [1, 1]} : vector<512x256xf32> to vector<64x256xf32>
    %dot_general3A_36 = arith.constant dense<0.000000e+00> : vector<256xf32>
    %dot_general3A_37 = tpu.matmul %squeeze3A, %slice3A_35, %dot_general3A_36 {dimension_numbers = #tpu.dot_dimension_numbers<[0], [0], [], [1], [1, 1], [], []>, transpose_lhs_hint = false} : vector<64xf32>, vector<64x256xf32>, vector<256xf32> -> vector<256xf32>
    %swap3A = arith.constant 0 : index
    %swap3A_38 = arith.constant 0 : index
    %swap3A_39 = vector.load %arg2[%swap3A, %swap3A_38] : memref<8x256xf32, #tpu.memory_space<vmem>>, vector<1x256xf32>
    %swap3A_40 = vector.shape_cast %swap3A_39 : vector<1x256xf32> to vector<256xf32>
    %swap3A_41 = vector.shape_cast %dot_general3A_37 : vector<256xf32> to vector<1x256xf32>
    tpu.vector_store %arg2[%swap3A, %swap3A_38], %swap3A_41 {strides = array<i32>} : memref<8x256xf32, #tpu.memory_space<vmem>>, vector<1x256xf32>,
    %slice3A_42 = vector.extract_strided_slice %div3A_34 {offsets = [1, 0], sizes = [1, 64], strides = [1, 1]} : vector<8x64xf32> to vector<1x64xf32>
    %squeeze3A_43 = vector.shape_cast %slice3A_42 : vector<1x64xf32> to vector<64xf32>
    %slice3A_44 = vector.extract_strided_slice %reshape3A {offsets = [64, 0], sizes = [64, 256], strides = [1, 1]} : vector<512x256xf32> to vector<64x256xf32>
    %dot_general3A_45 = arith.constant dense<0.000000e+00> : vector<256xf32>
    %dot_general3A_46 = tpu.matmul %squeeze3A_43, %slice3A_44, %dot_general3A_45 {dimension_numbers = #tpu.dot_dimension_numbers<[0], [0], [], [1], [1, 1], [], []>, transpose_lhs_hint = false} : vector<64xf32>, vector<64x256xf32>, vector<256xf32> -> vector<256xf32>
    %swap3A_47 = arith.constant 1 : index
    %swap3A_48 = arith.constant 0 : index
    %swap3A_49 = vector.load %arg2[%swap3A_47, %swap3A_48] : memref<8x256xf32, #tpu.memory_space<vmem>>, vector<1x256xf32>
    %swap3A_50 = vector.shape_cast %swap3A_49 : vector<1x256xf32> to vector<256xf32>
    %swap3A_51 = vector.shape_cast %dot_general3A_46 : vector<256xf32> to vector<1x256xf32>
    tpu.vector_store %arg2[%swap3A_47, %swap3A_48], %swap3A_51 {strides = array<i32>} : memref<8x256xf32, #tpu.memory_space<vmem>>, vector<1x256xf32>,
    %slice3A_52 = vector.extract_strided_slice %div3A_34 {offsets = [2, 0], sizes = [1, 64], strides = [1, 1]} : vector<8x64xf32> to vector<1x64xf32>
    %squeeze3A_53 = vector.shape_cast %slice3A_52 : vector<1x64xf32> to vector<64xf32>
    %slice3A_54 = vector.extract_strided_slice %reshape3A {offsets = [128, 0], sizes = [64, 256], strides = [1, 1]} : vector<512x256xf32> to vector<64x256xf32>
    %dot_general3A_55 = arith.constant dense<0.000000e+00> : vector<256xf32>
    %dot_general3A_56 = tpu.matmul %squeeze3A_53, %slice3A_54, %dot_general3A_55 {dimension_numbers = #tpu.dot_dimension_numbers<[0], [0], [], [1], [1, 1], [], []>, transpose_lhs_hint = false} : vector<64xf32>, vector<64x256xf32>, vector<256xf32> -> vector<256xf32>
    %swap3A_57 = arith.constant 2 : index
    %swap3A_58 = arith.constant 0 : index
    %swap3A_59 = vector.load %arg2[%swap3A_57, %swap3A_58] : memref<8x256xf32, #tpu.memory_space<vmem>>, vector<1x256xf32>
    %swap3A_60 = vector.shape_cast %swap3A_59 : vector<1x256xf32> to vector<256xf32>
    %swap3A_61 = vector.shape_cast %dot_general3A_56 : vector<256xf32> to vector<1x256xf32>
    tpu.vector_store %arg2[%swap3A_57, %swap3A_58], %swap3A_61 {strides = array<i32>} : memref<8x256xf32, #tpu.memory_space<vmem>>, vector<1x256xf32>,
    %slice3A_62 = vector.extract_strided_slice %div3A_34 {offsets = [3, 0], sizes = [1, 64], strides = [1, 1]} : vector<8x64xf32> to vector<1x64xf32>
    %squeeze3A_63 = vector.shape_cast %slice3A_62 : vector<1x64xf32> to vector<64xf32>
    %slice3A_64 = vector.extract_strided_slice %reshape3A {offsets = [192, 0], sizes = [64, 256], strides = [1, 1]} : vector<512x256xf32> to vector<64x256xf32>
    %dot_general3A_65 = arith.constant dense<0.000000e+00> : vector<256xf32>
    %dot_general3A_66 = tpu.matmul %squeeze3A_63, %slice3A_64, %dot_general3A_65 {dimension_numbers = #tpu.dot_dimension_numbers<[0], [0], [], [1], [1, 1], [], []>, transpose_lhs_hint = false} : vector<64xf32>, vector<64x256xf32>, vector<256xf32> -> vector<256xf32>
    %swap3A_67 = arith.constant 3 : index
    %swap3A_68 = arith.constant 0 : index
    %swap3A_69 = vector.load %arg2[%swap3A_67, %swap3A_68] : memref<8x256xf32, #tpu.memory_space<vmem>>, vector<1x256xf32>
    %swap3A_70 = vector.shape_cast %swap3A_69 : vector<1x256xf32> to vector<256xf32>
    %swap3A_71 = vector.shape_cast %dot_general3A_66 : vector<256xf32> to vector<1x256xf32>
    tpu.vector_store %arg2[%swap3A_67, %swap3A_68], %swap3A_71 {strides = array<i32>} : memref<8x256xf32, #tpu.memory_space<vmem>>, vector<1x256xf32>,
    %slice3A_72 = vector.extract_strided_slice %div3A_34 {offsets = [4, 0], sizes = [1, 64], strides = [1, 1]} : vector<8x64xf32> to vector<1x64xf32>
    %squeeze3A_73 = vector.shape_cast %slice3A_72 : vector<1x64xf32> to vector<64xf32>
    %slice3A_74 = vector.extract_strided_slice %reshape3A {offsets = [256, 0], sizes = [64, 256], strides = [1, 1]} : vector<512x256xf32> to vector<64x256xf32>
    %dot_general3A_75 = arith.constant dense<0.000000e+00> : vector<256xf32>
    %dot_general3A_76 = tpu.matmul %squeeze3A_73, %slice3A_74, %dot_general3A_75 {dimension_numbers = #tpu.dot_dimension_numbers<[0], [0], [], [1], [1, 1], [], []>, transpose_lhs_hint = false} : vector<64xf32>, vector<64x256xf32>, vector<256xf32> -> vector<256xf32>
    %swap3A_77 = arith.constant 4 : index
    %swap3A_78 = arith.constant 0 : index
    %swap3A_79 = vector.load %arg2[%swap3A_77, %swap3A_78] : memref<8x256xf32, #tpu.memory_space<vmem>>, vector<1x256xf32>
    %swap3A_80 = vector.shape_cast %swap3A_79 : vector<1x256xf32> to vector<256xf32>
    %swap3A_81 = vector.shape_cast %dot_general3A_76 : vector<256xf32> to vector<1x256xf32>
    tpu.vector_store %arg2[%swap3A_77, %swap3A_78], %swap3A_81 {strides = array<i32>} : memref<8x256xf32, #tpu.memory_space<vmem>>, vector<1x256xf32>,
    %slice3A_82 = vector.extract_strided_slice %div3A_34 {offsets = [5, 0], sizes = [1, 64], strides = [1, 1]} : vector<8x64xf32> to vector<1x64xf32>
    %squeeze3A_83 = vector.shape_cast %slice3A_82 : vector<1x64xf32> to vector<64xf32>
    %slice3A_84 = vector.extract_strided_slice %reshape3A {offsets = [320, 0], sizes = [64, 256], strides = [1, 1]} : vector<512x256xf32> to vector<64x256xf32>
    %dot_general3A_85 = arith.constant dense<0.000000e+00> : vector<256xf32>
    %dot_general3A_86 = tpu.matmul %squeeze3A_83, %slice3A_84, %dot_general3A_85 {dimension_numbers = #tpu.dot_dimension_numbers<[0], [0], [], [1], [1, 1], [], []>, transpose_lhs_hint = false} : vector<64xf32>, vector<64x256xf32>, vector<256xf32> -> vector<256xf32>
    %swap3A_87 = arith.constant 5 : index
    %swap3A_88 = arith.constant 0 : index
    %swap3A_89 = vector.load %arg2[%swap3A_87, %swap3A_88] : memref<8x256xf32, #tpu.memory_space<vmem>>, vector<1x256xf32>
    %swap3A_90 = vector.shape_cast %swap3A_89 : vector<1x256xf32> to vector<256xf32>
    %swap3A_91 = vector.shape_cast %dot_general3A_86 : vector<256xf32> to vector<1x256xf32>
    tpu.vector_store %arg2[%swap3A_87, %swap3A_88], %swap3A_91 {strides = array<i32>} : memref<8x256xf32, #tpu.memory_space<vmem>>, vector<1x256xf32>,
    %slice3A_92 = vector.extract_strided_slice %div3A_34 {offsets = [6, 0], sizes = [1, 64], strides = [1, 1]} : vector<8x64xf32> to vector<1x64xf32>
    %squeeze3A_93 = vector.shape_cast %slice3A_92 : vector<1x64xf32> to vector<64xf32>
    %slice3A_94 = vector.extract_strided_slice %reshape3A {offsets = [384, 0], sizes = [64, 256], strides = [1, 1]} : vector<512x256xf32> to vector<64x256xf32>
    %dot_general3A_95 = arith.constant dense<0.000000e+00> : vector<256xf32>
    %dot_general3A_96 = tpu.matmul %squeeze3A_93, %slice3A_94, %dot_general3A_95 {dimension_numbers = #tpu.dot_dimension_numbers<[0], [0], [], [1], [1, 1], [], []>, transpose_lhs_hint = false} : vector<64xf32>, vector<64x256xf32>, vector<256xf32> -> vector<256xf32>
    %swap3A_97 = arith.constant 6 : index
    %swap3A_98 = arith.constant 0 : index
    %swap3A_99 = vector.load %arg2[%swap3A_97, %swap3A_98] : memref<8x256xf32, #tpu.memory_space<vmem>>, vector<1x256xf32>
    %swap3A_100 = vector.shape_cast %swap3A_99 : vector<1x256xf32> to vector<256xf32>
    %swap3A_101 = vector.shape_cast %dot_general3A_96 : vector<256xf32> to vector<1x256xf32>
    tpu.vector_store %arg2[%swap3A_97, %swap3A_98], %swap3A_101 {strides = array<i32>} : memref<8x256xf32, #tpu.memory_space<vmem>>, vector<1x256xf32>,
    %slice3A_102 = vector.extract_strided_slice %div3A_34 {offsets = [7, 0], sizes = [1, 64], strides = [1, 1]} : vector<8x64xf32> to vector<1x64xf32>
    %squeeze3A_103 = vector.shape_cast %slice3A_102 : vector<1x64xf32> to vector<64xf32>
    %slice3A_104 = vector.extract_strided_slice %reshape3A {offsets = [448, 0], sizes = [64, 256], strides = [1, 1]} : vector<512x256xf32> to vector<64x256xf32>
    %dot_general3A_105 = arith.constant dense<0.000000e+00> : vector<256xf32>
    %dot_general3A_106 = tpu.matmul %squeeze3A_103, %slice3A_104, %dot_general3A_105 {dimension_numbers = #tpu.dot_dimension_numbers<[0], [0], [], [1], [1, 1], [], []>, transpose_lhs_hint = false} : vector<64xf32>, vector<64x256xf32>, vector<256xf32> -> vector<256xf32>
    %swap3A_107 = arith.constant 7 : index
    %swap3A_108 = arith.constant 0 : index
    %swap3A_109 = vector.load %arg2[%swap3A_107, %swap3A_108] : memref<8x256xf32, #tpu.memory_space<vmem>>, vector<1x256xf32>
    %swap3A_110 = vector.shape_cast %swap3A_109 : vector<1x256xf32> to vector<256xf32>
    %swap3A_111 = vector.shape_cast %dot_general3A_106 : vector<256xf32> to vector<1x256xf32>
    tpu.vector_store %arg2[%swap3A_107, %swap3A_108], %swap3A_111 {strides = array<i32>} : memref<8x256xf32, #tpu.memory_space<vmem>>, vector<1x256xf32>,
    return
  }
  func.func @transform_0(%arg0: i32) -> (i32, i32, i32) {
    %c0_i32 = arith.constant 0 : i32
    %c0_i32_0 = arith.constant 0 : i32
    %c0_i32_1 = arith.constant 0 : i32
    return %arg0, %c0_i32, %c0_i32_0 : i32, i32, i32
  }
  func.func @transform_1(%arg0: i32) -> (i32, i32) {
    %c0_i32 = arith.constant 0 : i32
    %c0_i32_0 = arith.constant 0 : i32
    return %arg0, %c0_i32 : i32, i32
  }
}

module attributes {stable_mosaic.version = 14 : i64} {
  func.func @_stage2_body(%arg0: memref<200x256xf32, #tpu.memory_space<vmem>>, %arg1: memref<1x256xf32, #tpu.memory_space<vmem>>, %arg2: memref<1x256xf32, #tpu.memory_space<vmem>>, %arg3: memref<256x256xf32, #tpu.memory_space<vmem>>, %arg4: memref<392x256xf32, #tpu.memory_space<vmem>>, %arg5: memref<200x256xf32, #tpu.memory_space<vmem>>, %arg6: memref<200x16xi32, #tpu.memory_space<vmem>>) attributes {dimension_semantics = [], scalar_prefetch = 0 : i64, scratch_operands = 0 : i64, tpu.core_type = #tpu.core_type<tc>} {
    %get3A = arith.constant 0 : index
    %get3A_0 = arith.constant 0 : index
    %get3A_1 = vector.load %arg0[%get3A, %get3A_0] : memref<200x256xf32, #tpu.memory_space<vmem>>, vector<200x256xf32>
    %get3A_2 = arith.constant 0 : index
    %get3A_3 = arith.constant 0 : index
    %get3A_4 = vector.load %arg1[%get3A_2, %get3A_3] : memref<1x256xf32, #tpu.memory_space<vmem>>, vector<1x256xf32>
    %get3A_5 = arith.constant 0 : index
    %get3A_6 = arith.constant 0 : index
    %get3A_7 = vector.load %arg2[%get3A_5, %get3A_6] : memref<1x256xf32, #tpu.memory_space<vmem>>, vector<1x256xf32>
    %reduce_sum3A = arith.constant dense<0.000000e+00> : vector<200xf32>
    %reduce_sum3A_8 = vector.multi_reduction <add>, %get3A_1, %reduce_sum3A [1] : vector<200x256xf32> to vector<200xf32>
    %broadcast_in_dim3A = vector.shape_cast %reduce_sum3A_8 : vector<200xf32> to vector<200x1xf32>
    %div3A = arith.constant 2.560000e+02 : f32
    %div3A_9 = vector.broadcast %div3A : f32 to vector<200x1xf32>
    %div3A_10 = arith.divf %broadcast_in_dim3A, %div3A_9 : vector<200x1xf32>
    %sub3A = vector.broadcast %div3A_10 : vector<200x1xf32> to vector<200x256xf32>
    %sub3A_11 = arith.subf %get3A_1, %sub3A : vector<200x256xf32>
    %integer_pow3A = arith.mulf %sub3A_11, %sub3A_11 : vector<200x256xf32>
    %reduce_sum3A_12 = arith.constant dense<0.000000e+00> : vector<200xf32>
    %reduce_sum3A_13 = vector.multi_reduction <add>, %integer_pow3A, %reduce_sum3A_12 [1] : vector<200x256xf32> to vector<200xf32>
    %broadcast_in_dim3A_14 = vector.shape_cast %reduce_sum3A_13 : vector<200xf32> to vector<200x1xf32>
    %div3A_15 = arith.constant 2.560000e+02 : f32
    %div3A_16 = vector.broadcast %div3A_15 : f32 to vector<200x1xf32>
    %div3A_17 = arith.divf %broadcast_in_dim3A_14, %div3A_16 : vector<200x1xf32>
    %sub3A_18 = vector.broadcast %div3A_10 : vector<200x1xf32> to vector<200x256xf32>
    %sub3A_19 = arith.subf %get3A_1, %sub3A_18 : vector<200x256xf32>
    %add3A = arith.constant 9.99999974E-6 : f32
    %add3A_20 = vector.broadcast %add3A : f32 to vector<200x1xf32>
    %add3A_21 = arith.addf %div3A_17, %add3A_20 : vector<200x1xf32>
    %rsqrt3A = math.rsqrt %add3A_21 : vector<200x1xf32>
    %mul3A = vector.broadcast %rsqrt3A : vector<200x1xf32> to vector<200x256xf32>
    %mul3A_22 = arith.mulf %sub3A_19, %mul3A : vector<200x256xf32>
    %mul3A_23 = vector.broadcast %get3A_4 : vector<1x256xf32> to vector<200x256xf32>
    %mul3A_24 = arith.mulf %mul3A_22, %mul3A_23 : vector<200x256xf32>
    %add3A_25 = vector.broadcast %get3A_7 : vector<1x256xf32> to vector<200x256xf32>
    %add3A_26 = arith.addf %mul3A_24, %add3A_25 : vector<200x256xf32>
    %get3A_27 = arith.constant 0 : index
    %get3A_28 = arith.constant 0 : index
    %get3A_29 = vector.load %arg3[%get3A_27, %get3A_28] : memref<256x256xf32, #tpu.memory_space<vmem>>, vector<256x256xf32>
    %dot_general3A = arith.constant dense<0.000000e+00> : vector<200x256xf32>
    %dot_general3A_30 = tpu.matmul %add3A_26, %get3A_29, %dot_general3A {dimension_numbers = #tpu.dot_dimension_numbers<[1], [1], [0], [0], [0, 0, 1, 0], [], []>, transpose_lhs_hint = false} : vector<200x256xf32>, vector<256x256xf32>, vector<200x256xf32> -> vector<200x256xf32>
    %swap3A = arith.constant 0 : index
    %swap3A_31 = arith.constant 0 : index
    %swap3A_32 = vector.load %arg5[%swap3A, %swap3A_31] : memref<200x256xf32, #tpu.memory_space<vmem>>, vector<200x256xf32>
    tpu.vector_store %arg5[%swap3A, %swap3A_31], %dot_general3A_30 {strides = array<i32>} : memref<200x256xf32, #tpu.memory_space<vmem>>, vector<200x256xf32>,
    %slice3A = vector.extract_strided_slice %dot_general3A_30 {offsets = [0, 0], sizes = [100, 256], strides = [1, 1]} : vector<200x256xf32> to vector<100x256xf32>
    %get3A_33 = arith.constant 0 : index
    %get3A_34 = arith.constant 0 : index
    %get3A_35 = vector.load %arg4[%get3A_33, %get3A_34] : memref<392x256xf32, #tpu.memory_space<vmem>>, vector<196x256xf32>
    %dot_general3A_36 = arith.constant dense<0.000000e+00> : vector<100x196xf32>
    %dot_general3A_37 = tpu.matmul %slice3A, %get3A_35, %dot_general3A_36 {dimension_numbers = #tpu.dot_dimension_numbers<[1], [1], [0], [0], [0, 0, 1, 0], [], []>, transpose_lhs_hint = false} : vector<100x256xf32>, vector<196x256xf32>, vector<100x196xf32> -> vector<100x196xf32>
    %mul3A_38 = arith.constant 6.250000e-02 : f32
    %mul3A_39 = vector.broadcast %mul3A_38 : f32 to vector<100x196xf32>
    %mul3A_40 = arith.mulf %dot_general3A_37, %mul3A_39 : vector<100x196xf32>
    %slice3A_41 = vector.extract_strided_slice %dot_general3A_30 {offsets = [100, 0], sizes = [100, 256], strides = [1, 1]} : vector<200x256xf32> to vector<100x256xf32>
    %get3A_42 = arith.constant 196 : index
    %get3A_43 = arith.constant 0 : index
    %get3A_44 = vector.load %arg4[%get3A_42, %get3A_43] : memref<392x256xf32, #tpu.memory_space<vmem>>, vector<196x256xf32>
    %dot_general3A_45 = arith.constant dense<0.000000e+00> : vector<100x196xf32>
    %dot_general3A_46 = tpu.matmul %slice3A_41, %get3A_44, %dot_general3A_45 {dimension_numbers = #tpu.dot_dimension_numbers<[1], [1], [0], [0], [0, 0, 1, 0], [], []>, transpose_lhs_hint = false} : vector<100x256xf32>, vector<196x256xf32>, vector<100x196xf32> -> vector<100x196xf32>
    %mul3A_47 = arith.constant 6.250000e-02 : f32
    %mul3A_48 = vector.broadcast %mul3A_47 : f32 to vector<100x196xf32>
    %mul3A_49 = arith.mulf %dot_general3A_46, %mul3A_48 : vector<100x196xf32>
    %concatenate3A = tpu.concatenate %mul3A_40, %mul3A_49 in 0 : vector<100x196xf32>, vector<100x196xf32> -> vector<200x196xf32>
    %iota3A = tpu.iota {dimensions = array<i32: 1>} : vector<200x196xi32>
    %iota3A_50 = tpu.iota {dimensions = array<i32: 0>} : vector<200x1xi32>
    %ge3A = arith.constant 100 : i32
    %ge3A_51 = vector.broadcast %ge3A : i32 to vector<200x1xi32>
    %ge3A_52 = arith.cmpi sge, %iota3A_50, %ge3A_51 : vector<200x1xi32>
    %jit3A = arith.constant 196 : i32
    %jit3A_53 = arith.constant 0 : i32
    %broadcast_in_dim3A_54 = vector.broadcast %jit3A : i32 to vector<200x1xi32>
    %broadcast_in_dim3A_55 = vector.broadcast %jit3A_53 : i32 to vector<200x1xi32>
    %select_n3A = arith.select %ge3A_52, %broadcast_in_dim3A_54, %broadcast_in_dim3A_55 : vector<200x1xi1>, vector<200x1xi32>
    %reduce_max3A = arith.constant dense<0xFF800000> : vector<200xf32>
    %reduce_max3A_56 = vector.multi_reduction <maximumf>, %concatenate3A, %reduce_max3A [1] : vector<200x196xf32> to vector<200xf32>
    %broadcast_in_dim3A_57 = vector.shape_cast %reduce_max3A_56 : vector<200xf32> to vector<200x1xf32>
    %ge3A_58 = vector.broadcast %broadcast_in_dim3A_57 : vector<200x1xf32> to vector<200x196xf32>
    %ge3A_59 = arith.cmpf oge, %concatenate3A, %ge3A_58 : vector<200x196xf32>
    %jit3A_60 = arith.constant 1073741824 : i32
    %broadcast_in_dim3A_61 = vector.broadcast %jit3A_60 : i32 to vector<200x196xi32>
    %select_n3A_62 = arith.select %ge3A_59, %iota3A, %broadcast_in_dim3A_61 : vector<200x196xi1>, vector<200x196xi32>
    %reduce_min3A = arith.constant dense<2147483647> : vector<200xi32>
    %reduce_min3A_63 = vector.multi_reduction <minsi>, %select_n3A_62, %reduce_min3A [1] : vector<200x196xi32> to vector<200xi32>
    %broadcast_in_dim3A_64 = vector.shape_cast %reduce_min3A_63 : vector<200xi32> to vector<200x1xi32>
    %add3A_65 = arith.addi %broadcast_in_dim3A_64, %select_n3A : vector<200x1xi32>
    %mul3A_66 = arith.constant 4 : i32
    %mul3A_67 = vector.broadcast %mul3A_66 : i32 to vector<200x1xi32>
    %mul3A_68 = arith.muli %mul3A_67, %add3A_65 : vector<200x1xi32>
    %add3A_69 = arith.constant 0 : i32
    %add3A_70 = vector.broadcast %add3A_69 : i32 to vector<200x1xi32>
    %add3A_71 = arith.addi %mul3A_68, %add3A_70 : vector<200x1xi32>
    %swap3A_72 = arith.constant 0 : index
    %swap3A_73 = arith.constant 0 : index
    %swap3A_74 = vector.load %arg6[%swap3A_72, %swap3A_73] : memref<200x16xi32, #tpu.memory_space<vmem>>, vector<200x1xi32>
    tpu.vector_store %arg6[%swap3A_72, %swap3A_73], %add3A_71 {strides = array<i32>} : memref<200x16xi32, #tpu.memory_space<vmem>>, vector<200x1xi32>,
    %add3A_75 = arith.addi %broadcast_in_dim3A_64, %select_n3A : vector<200x1xi32>
    %mul3A_76 = arith.constant 4 : i32
    %mul3A_77 = vector.broadcast %mul3A_76 : i32 to vector<200x1xi32>
    %mul3A_78 = arith.muli %mul3A_77, %add3A_75 : vector<200x1xi32>
    %add3A_79 = arith.constant 1 : i32
    %add3A_80 = vector.broadcast %add3A_79 : i32 to vector<200x1xi32>
    %add3A_81 = arith.addi %mul3A_78, %add3A_80 : vector<200x1xi32>
    %swap3A_82 = arith.constant 0 : index
    %swap3A_83 = arith.constant 1 : index
    %swap3A_84 = vector.load %arg6[%swap3A_82, %swap3A_83] : memref<200x16xi32, #tpu.memory_space<vmem>>, vector<200x1xi32>
    tpu.vector_store %arg6[%swap3A_82, %swap3A_83], %add3A_81 {strides = array<i32>} : memref<200x16xi32, #tpu.memory_space<vmem>>, vector<200x1xi32>,
    %add3A_85 = arith.addi %broadcast_in_dim3A_64, %select_n3A : vector<200x1xi32>
    %mul3A_86 = arith.constant 4 : i32
    %mul3A_87 = vector.broadcast %mul3A_86 : i32 to vector<200x1xi32>
    %mul3A_88 = arith.muli %mul3A_87, %add3A_85 : vector<200x1xi32>
    %add3A_89 = arith.constant 2 : i32
    %add3A_90 = vector.broadcast %add3A_89 : i32 to vector<200x1xi32>
    %add3A_91 = arith.addi %mul3A_88, %add3A_90 : vector<200x1xi32>
    %swap3A_92 = arith.constant 0 : index
    %swap3A_93 = arith.constant 2 : index
    %swap3A_94 = vector.load %arg6[%swap3A_92, %swap3A_93] : memref<200x16xi32, #tpu.memory_space<vmem>>, vector<200x1xi32>
    tpu.vector_store %arg6[%swap3A_92, %swap3A_93], %add3A_91 {strides = array<i32>} : memref<200x16xi32, #tpu.memory_space<vmem>>, vector<200x1xi32>,
    %add3A_95 = arith.addi %broadcast_in_dim3A_64, %select_n3A : vector<200x1xi32>
    %mul3A_96 = arith.constant 4 : i32
    %mul3A_97 = vector.broadcast %mul3A_96 : i32 to vector<200x1xi32>
    %mul3A_98 = arith.muli %mul3A_97, %add3A_95 : vector<200x1xi32>
    %add3A_99 = arith.constant 3 : i32
    %add3A_100 = vector.broadcast %add3A_99 : i32 to vector<200x1xi32>
    %add3A_101 = arith.addi %mul3A_98, %add3A_100 : vector<200x1xi32>
    %swap3A_102 = arith.constant 0 : index
    %swap3A_103 = arith.constant 3 : index
    %swap3A_104 = vector.load %arg6[%swap3A_102, %swap3A_103] : memref<200x16xi32, #tpu.memory_space<vmem>>, vector<200x1xi32>
    tpu.vector_store %arg6[%swap3A_102, %swap3A_103], %add3A_101 {strides = array<i32>} : memref<200x16xi32, #tpu.memory_space<vmem>>, vector<200x1xi32>,
    %eq3A = vector.broadcast %broadcast_in_dim3A_64 : vector<200x1xi32> to vector<200x196xi32>
    %eq3A_105 = arith.cmpi eq, %iota3A, %eq3A : vector<200x196xi32>
    %jit3A_106 = arith.constant -1.000000e+30 : f32
    %broadcast_in_dim3A_107 = vector.broadcast %jit3A_106 : f32 to vector<200x196xf32>
    %select_n3A_108 = arith.select %eq3A_105, %broadcast_in_dim3A_107, %concatenate3A : vector<200x196xi1>, vector<200x196xf32>
    %reduce_max3A_109 = arith.constant dense<0xFF800000> : vector<200xf32>
    %reduce_max3A_110 = vector.multi_reduction <maximumf>, %select_n3A_108, %reduce_max3A_109 [1] : vector<200x196xf32> to vector<200xf32>
    %broadcast_in_dim3A_111 = vector.shape_cast %reduce_max3A_110 : vector<200xf32> to vector<200x1xf32>
    %ge3A_112 = vector.broadcast %broadcast_in_dim3A_111 : vector<200x1xf32> to vector<200x196xf32>
    %ge3A_113 = arith.cmpf oge, %select_n3A_108, %ge3A_112 : vector<200x196xf32>
    %jit3A_114 = arith.constant 1073741824 : i32
    %broadcast_in_dim3A_115 = vector.broadcast %jit3A_114 : i32 to vector<200x196xi32>
    %select_n3A_116 = arith.select %ge3A_113, %iota3A, %broadcast_in_dim3A_115 : vector<200x196xi1>, vector<200x196xi32>
    %reduce_min3A_117 = arith.constant dense<2147483647> : vector<200xi32>
    %reduce_min3A_118 = vector.multi_reduction <minsi>, %select_n3A_116, %reduce_min3A_117 [1] : vector<200x196xi32> to vector<200xi32>
    %broadcast_in_dim3A_119 = vector.shape_cast %reduce_min3A_118 : vector<200xi32> to vector<200x1xi32>
    %add3A_120 = arith.addi %broadcast_in_dim3A_119, %select_n3A : vector<200x1xi32>
    %mul3A_121 = arith.constant 4 : i32
    %mul3A_122 = vector.broadcast %mul3A_121 : i32 to vector<200x1xi32>
    %mul3A_123 = arith.muli %mul3A_122, %add3A_120 : vector<200x1xi32>
    %add3A_124 = arith.constant 0 : i32
    %add3A_125 = vector.broadcast %add3A_124 : i32 to vector<200x1xi32>
    %add3A_126 = arith.addi %mul3A_123, %add3A_125 : vector<200x1xi32>
    %swap3A_127 = arith.constant 0 : index
    %swap3A_128 = arith.constant 4 : index
    %swap3A_129 = vector.load %arg6[%swap3A_127, %swap3A_128] : memref<200x16xi32, #tpu.memory_space<vmem>>, vector<200x1xi32>
    tpu.vector_store %arg6[%swap3A_127, %swap3A_128], %add3A_126 {strides = array<i32>} : memref<200x16xi32, #tpu.memory_space<vmem>>, vector<200x1xi32>,
    %add3A_130 = arith.addi %broadcast_in_dim3A_119, %select_n3A : vector<200x1xi32>
    %mul3A_131 = arith.constant 4 : i32
    %mul3A_132 = vector.broadcast %mul3A_131 : i32 to vector<200x1xi32>
    %mul3A_133 = arith.muli %mul3A_132, %add3A_130 : vector<200x1xi32>
    %add3A_134 = arith.constant 1 : i32
    %add3A_135 = vector.broadcast %add3A_134 : i32 to vector<200x1xi32>
    %add3A_136 = arith.addi %mul3A_133, %add3A_135 : vector<200x1xi32>
    %swap3A_137 = arith.constant 0 : index
    %swap3A_138 = arith.constant 5 : index
    %swap3A_139 = vector.load %arg6[%swap3A_137, %swap3A_138] : memref<200x16xi32, #tpu.memory_space<vmem>>, vector<200x1xi32>
    tpu.vector_store %arg6[%swap3A_137, %swap3A_138], %add3A_136 {strides = array<i32>} : memref<200x16xi32, #tpu.memory_space<vmem>>, vector<200x1xi32>,
    %add3A_140 = arith.addi %broadcast_in_dim3A_119, %select_n3A : vector<200x1xi32>
    %mul3A_141 = arith.constant 4 : i32
    %mul3A_142 = vector.broadcast %mul3A_141 : i32 to vector<200x1xi32>
    %mul3A_143 = arith.muli %mul3A_142, %add3A_140 : vector<200x1xi32>
    %add3A_144 = arith.constant 2 : i32
    %add3A_145 = vector.broadcast %add3A_144 : i32 to vector<200x1xi32>
    %add3A_146 = arith.addi %mul3A_143, %add3A_145 : vector<200x1xi32>
    %swap3A_147 = arith.constant 0 : index
    %swap3A_148 = arith.constant 6 : index
    %swap3A_149 = vector.load %arg6[%swap3A_147, %swap3A_148] : memref<200x16xi32, #tpu.memory_space<vmem>>, vector<200x1xi32>
    tpu.vector_store %arg6[%swap3A_147, %swap3A_148], %add3A_146 {strides = array<i32>} : memref<200x16xi32, #tpu.memory_space<vmem>>, vector<200x1xi32>,
    %add3A_150 = arith.addi %broadcast_in_dim3A_119, %select_n3A : vector<200x1xi32>
    %mul3A_151 = arith.constant 4 : i32
    %mul3A_152 = vector.broadcast %mul3A_151 : i32 to vector<200x1xi32>
    %mul3A_153 = arith.muli %mul3A_152, %add3A_150 : vector<200x1xi32>
    %add3A_154 = arith.constant 3 : i32
    %add3A_155 = vector.broadcast %add3A_154 : i32 to vector<200x1xi32>
    %add3A_156 = arith.addi %mul3A_153, %add3A_155 : vector<200x1xi32>
    %swap3A_157 = arith.constant 0 : index
    %swap3A_158 = arith.constant 7 : index
    %swap3A_159 = vector.load %arg6[%swap3A_157, %swap3A_158] : memref<200x16xi32, #tpu.memory_space<vmem>>, vector<200x1xi32>
    tpu.vector_store %arg6[%swap3A_157, %swap3A_158], %add3A_156 {strides = array<i32>} : memref<200x16xi32, #tpu.memory_space<vmem>>, vector<200x1xi32>,
    %eq3A_160 = vector.broadcast %broadcast_in_dim3A_119 : vector<200x1xi32> to vector<200x196xi32>
    %eq3A_161 = arith.cmpi eq, %iota3A, %eq3A_160 : vector<200x196xi32>
    %jit3A_162 = arith.constant -1.000000e+30 : f32
    %broadcast_in_dim3A_163 = vector.broadcast %jit3A_162 : f32 to vector<200x196xf32>
    %select_n3A_164 = arith.select %eq3A_161, %broadcast_in_dim3A_163, %select_n3A_108 : vector<200x196xi1>, vector<200x196xf32>
    %reduce_max3A_165 = arith.constant dense<0xFF800000> : vector<200xf32>
    %reduce_max3A_166 = vector.multi_reduction <maximumf>, %select_n3A_164, %reduce_max3A_165 [1] : vector<200x196xf32> to vector<200xf32>
    %broadcast_in_dim3A_167 = vector.shape_cast %reduce_max3A_166 : vector<200xf32> to vector<200x1xf32>
    %ge3A_168 = vector.broadcast %broadcast_in_dim3A_167 : vector<200x1xf32> to vector<200x196xf32>
    %ge3A_169 = arith.cmpf oge, %select_n3A_164, %ge3A_168 : vector<200x196xf32>
    %jit3A_170 = arith.constant 1073741824 : i32
    %broadcast_in_dim3A_171 = vector.broadcast %jit3A_170 : i32 to vector<200x196xi32>
    %select_n3A_172 = arith.select %ge3A_169, %iota3A, %broadcast_in_dim3A_171 : vector<200x196xi1>, vector<200x196xi32>
    %reduce_min3A_173 = arith.constant dense<2147483647> : vector<200xi32>
    %reduce_min3A_174 = vector.multi_reduction <minsi>, %select_n3A_172, %reduce_min3A_173 [1] : vector<200x196xi32> to vector<200xi32>
    %broadcast_in_dim3A_175 = vector.shape_cast %reduce_min3A_174 : vector<200xi32> to vector<200x1xi32>
    %add3A_176 = arith.addi %broadcast_in_dim3A_175, %select_n3A : vector<200x1xi32>
    %mul3A_177 = arith.constant 4 : i32
    %mul3A_178 = vector.broadcast %mul3A_177 : i32 to vector<200x1xi32>
    %mul3A_179 = arith.muli %mul3A_178, %add3A_176 : vector<200x1xi32>
    %add3A_180 = arith.constant 0 : i32
    %add3A_181 = vector.broadcast %add3A_180 : i32 to vector<200x1xi32>
    %add3A_182 = arith.addi %mul3A_179, %add3A_181 : vector<200x1xi32>
    %swap3A_183 = arith.constant 0 : index
    %swap3A_184 = arith.constant 8 : index
    %swap3A_185 = vector.load %arg6[%swap3A_183, %swap3A_184] : memref<200x16xi32, #tpu.memory_space<vmem>>, vector<200x1xi32>
    tpu.vector_store %arg6[%swap3A_183, %swap3A_184], %add3A_182 {strides = array<i32>} : memref<200x16xi32, #tpu.memory_space<vmem>>, vector<200x1xi32>,
    %add3A_186 = arith.addi %broadcast_in_dim3A_175, %select_n3A : vector<200x1xi32>
    %mul3A_187 = arith.constant 4 : i32
    %mul3A_188 = vector.broadcast %mul3A_187 : i32 to vector<200x1xi32>
    %mul3A_189 = arith.muli %mul3A_188, %add3A_186 : vector<200x1xi32>
    %add3A_190 = arith.constant 1 : i32
    %add3A_191 = vector.broadcast %add3A_190 : i32 to vector<200x1xi32>
    %add3A_192 = arith.addi %mul3A_189, %add3A_191 : vector<200x1xi32>
    %swap3A_193 = arith.constant 0 : index
    %swap3A_194 = arith.constant 9 : index
    %swap3A_195 = vector.load %arg6[%swap3A_193, %swap3A_194] : memref<200x16xi32, #tpu.memory_space<vmem>>, vector<200x1xi32>
    tpu.vector_store %arg6[%swap3A_193, %swap3A_194], %add3A_192 {strides = array<i32>} : memref<200x16xi32, #tpu.memory_space<vmem>>, vector<200x1xi32>,
    %add3A_196 = arith.addi %broadcast_in_dim3A_175, %select_n3A : vector<200x1xi32>
    %mul3A_197 = arith.constant 4 : i32
    %mul3A_198 = vector.broadcast %mul3A_197 : i32 to vector<200x1xi32>
    %mul3A_199 = arith.muli %mul3A_198, %add3A_196 : vector<200x1xi32>
    %add3A_200 = arith.constant 2 : i32
    %add3A_201 = vector.broadcast %add3A_200 : i32 to vector<200x1xi32>
    %add3A_202 = arith.addi %mul3A_199, %add3A_201 : vector<200x1xi32>
    %swap3A_203 = arith.constant 0 : index
    %swap3A_204 = arith.constant 10 : index
    %swap3A_205 = vector.load %arg6[%swap3A_203, %swap3A_204] : memref<200x16xi32, #tpu.memory_space<vmem>>, vector<200x1xi32>
    tpu.vector_store %arg6[%swap3A_203, %swap3A_204], %add3A_202 {strides = array<i32>} : memref<200x16xi32, #tpu.memory_space<vmem>>, vector<200x1xi32>,
    %add3A_206 = arith.addi %broadcast_in_dim3A_175, %select_n3A : vector<200x1xi32>
    %mul3A_207 = arith.constant 4 : i32
    %mul3A_208 = vector.broadcast %mul3A_207 : i32 to vector<200x1xi32>
    %mul3A_209 = arith.muli %mul3A_208, %add3A_206 : vector<200x1xi32>
    %add3A_210 = arith.constant 3 : i32
    %add3A_211 = vector.broadcast %add3A_210 : i32 to vector<200x1xi32>
    %add3A_212 = arith.addi %mul3A_209, %add3A_211 : vector<200x1xi32>
    %swap3A_213 = arith.constant 0 : index
    %swap3A_214 = arith.constant 11 : index
    %swap3A_215 = vector.load %arg6[%swap3A_213, %swap3A_214] : memref<200x16xi32, #tpu.memory_space<vmem>>, vector<200x1xi32>
    tpu.vector_store %arg6[%swap3A_213, %swap3A_214], %add3A_212 {strides = array<i32>} : memref<200x16xi32, #tpu.memory_space<vmem>>, vector<200x1xi32>,
    %eq3A_216 = vector.broadcast %broadcast_in_dim3A_175 : vector<200x1xi32> to vector<200x196xi32>
    %eq3A_217 = arith.cmpi eq, %iota3A, %eq3A_216 : vector<200x196xi32>
    %jit3A_218 = arith.constant -1.000000e+30 : f32
    %broadcast_in_dim3A_219 = vector.broadcast %jit3A_218 : f32 to vector<200x196xf32>
    %select_n3A_220 = arith.select %eq3A_217, %broadcast_in_dim3A_219, %select_n3A_164 : vector<200x196xi1>, vector<200x196xf32>
    %reduce_max3A_221 = arith.constant dense<0xFF800000> : vector<200xf32>
    %reduce_max3A_222 = vector.multi_reduction <maximumf>, %select_n3A_220, %reduce_max3A_221 [1] : vector<200x196xf32> to vector<200xf32>
    %broadcast_in_dim3A_223 = vector.shape_cast %reduce_max3A_222 : vector<200xf32> to vector<200x1xf32>
    %ge3A_224 = vector.broadcast %broadcast_in_dim3A_223 : vector<200x1xf32> to vector<200x196xf32>
    %ge3A_225 = arith.cmpf oge, %select_n3A_220, %ge3A_224 : vector<200x196xf32>
    %jit3A_226 = arith.constant 1073741824 : i32
    %broadcast_in_dim3A_227 = vector.broadcast %jit3A_226 : i32 to vector<200x196xi32>
    %select_n3A_228 = arith.select %ge3A_225, %iota3A, %broadcast_in_dim3A_227 : vector<200x196xi1>, vector<200x196xi32>
    %reduce_min3A_229 = arith.constant dense<2147483647> : vector<200xi32>
    %reduce_min3A_230 = vector.multi_reduction <minsi>, %select_n3A_228, %reduce_min3A_229 [1] : vector<200x196xi32> to vector<200xi32>
    %broadcast_in_dim3A_231 = vector.shape_cast %reduce_min3A_230 : vector<200xi32> to vector<200x1xi32>
    %add3A_232 = arith.addi %broadcast_in_dim3A_231, %select_n3A : vector<200x1xi32>
    %mul3A_233 = arith.constant 4 : i32
    %mul3A_234 = vector.broadcast %mul3A_233 : i32 to vector<200x1xi32>
    %mul3A_235 = arith.muli %mul3A_234, %add3A_232 : vector<200x1xi32>
    %add3A_236 = arith.constant 0 : i32
    %add3A_237 = vector.broadcast %add3A_236 : i32 to vector<200x1xi32>
    %add3A_238 = arith.addi %mul3A_235, %add3A_237 : vector<200x1xi32>
    %swap3A_239 = arith.constant 0 : index
    %swap3A_240 = arith.constant 12 : index
    %swap3A_241 = vector.load %arg6[%swap3A_239, %swap3A_240] : memref<200x16xi32, #tpu.memory_space<vmem>>, vector<200x1xi32>
    tpu.vector_store %arg6[%swap3A_239, %swap3A_240], %add3A_238 {strides = array<i32>} : memref<200x16xi32, #tpu.memory_space<vmem>>, vector<200x1xi32>,
    %add3A_242 = arith.addi %broadcast_in_dim3A_231, %select_n3A : vector<200x1xi32>
    %mul3A_243 = arith.constant 4 : i32
    %mul3A_244 = vector.broadcast %mul3A_243 : i32 to vector<200x1xi32>
    %mul3A_245 = arith.muli %mul3A_244, %add3A_242 : vector<200x1xi32>
    %add3A_246 = arith.constant 1 : i32
    %add3A_247 = vector.broadcast %add3A_246 : i32 to vector<200x1xi32>
    %add3A_248 = arith.addi %mul3A_245, %add3A_247 : vector<200x1xi32>
    %swap3A_249 = arith.constant 0 : index
    %swap3A_250 = arith.constant 13 : index
    %swap3A_251 = vector.load %arg6[%swap3A_249, %swap3A_250] : memref<200x16xi32, #tpu.memory_space<vmem>>, vector<200x1xi32>
    tpu.vector_store %arg6[%swap3A_249, %swap3A_250], %add3A_248 {strides = array<i32>} : memref<200x16xi32, #tpu.memory_space<vmem>>, vector<200x1xi32>,
    %add3A_252 = arith.addi %broadcast_in_dim3A_231, %select_n3A : vector<200x1xi32>
    %mul3A_253 = arith.constant 4 : i32
    %mul3A_254 = vector.broadcast %mul3A_253 : i32 to vector<200x1xi32>
    %mul3A_255 = arith.muli %mul3A_254, %add3A_252 : vector<200x1xi32>
    %add3A_256 = arith.constant 2 : i32
    %add3A_257 = vector.broadcast %add3A_256 : i32 to vector<200x1xi32>
    %add3A_258 = arith.addi %mul3A_255, %add3A_257 : vector<200x1xi32>
    %swap3A_259 = arith.constant 0 : index
    %swap3A_260 = arith.constant 14 : index
    %swap3A_261 = vector.load %arg6[%swap3A_259, %swap3A_260] : memref<200x16xi32, #tpu.memory_space<vmem>>, vector<200x1xi32>
    tpu.vector_store %arg6[%swap3A_259, %swap3A_260], %add3A_258 {strides = array<i32>} : memref<200x16xi32, #tpu.memory_space<vmem>>, vector<200x1xi32>,
    %add3A_262 = arith.addi %broadcast_in_dim3A_231, %select_n3A : vector<200x1xi32>
    %mul3A_263 = arith.constant 4 : i32
    %mul3A_264 = vector.broadcast %mul3A_263 : i32 to vector<200x1xi32>
    %mul3A_265 = arith.muli %mul3A_264, %add3A_262 : vector<200x1xi32>
    %add3A_266 = arith.constant 3 : i32
    %add3A_267 = vector.broadcast %add3A_266 : i32 to vector<200x1xi32>
    %add3A_268 = arith.addi %mul3A_265, %add3A_267 : vector<200x1xi32>
    %swap3A_269 = arith.constant 0 : index
    %swap3A_270 = arith.constant 15 : index
    %swap3A_271 = vector.load %arg6[%swap3A_269, %swap3A_270] : memref<200x16xi32, #tpu.memory_space<vmem>>, vector<200x1xi32>
    tpu.vector_store %arg6[%swap3A_269, %swap3A_270], %add3A_268 {strides = array<i32>} : memref<200x16xi32, #tpu.memory_space<vmem>>, vector<200x1xi32>,
    return
  }
}

module attributes {stable_mosaic.version = 14 : i64} {
  func.func @_stage3_body(%arg0: i32, %arg1: memref<64x4096xf32, #tpu.memory_space<vmem>>, %arg2: memref<256x256xf32, #tpu.memory_space<vmem>>, %arg3: memref<1x256xf32, #tpu.memory_space<vmem>>, %arg4: memref<1x256xf32, #tpu.memory_space<vmem>>, %arg5: memref<256x256xf32, #tpu.memory_space<vmem>>, %arg6: memref<256x256xf32, #tpu.memory_space<vmem>>, %arg7: memref<1x4x256xf32, #tpu.memory_space<vmem>>, %arg8: memref<1x4x256xf32, #tpu.memory_space<vmem>>) attributes {dimension_semantics = [#tpu.dimension_semantics<arbitrary>], iteration_bounds = array<i64: 50>, scalar_prefetch = 0 : i64, scratch_operands = 0 : i64, tpu.core_type = #tpu.core_type<tc>, window_params = [{transform_indices = @transform_0, window_bounds = array<i64: 64, 4096>}, {pipeline_mode = #tpu.pipeline_mode<synchronous>, transform_indices = @transform_1, window_bounds = array<i64: 256, 256>}, {pipeline_mode = #tpu.pipeline_mode<synchronous>, transform_indices = @transform_2, window_bounds = array<i64: 1, 256>}, {pipeline_mode = #tpu.pipeline_mode<synchronous>, transform_indices = @transform_3, window_bounds = array<i64: 1, 256>}, {pipeline_mode = #tpu.pipeline_mode<synchronous>, transform_indices = @transform_4, window_bounds = array<i64: 256, 256>}, {pipeline_mode = #tpu.pipeline_mode<synchronous>, transform_indices = @transform_5, window_bounds = array<i64: 256, 256>}, {transform_indices = @transform_6, window_bounds = array<i64: 1, 4, 256>}, {transform_indices = @transform_7, window_bounds = array<i64: 1, 4, 256>}]} {
    %get3A = arith.constant 0 : index
    %get3A_0 = arith.constant 0 : index
    %get3A_1 = vector.load %arg1[%get3A, %get3A_0] : memref<64x4096xf32, #tpu.memory_space<vmem>>, vector<64x4096xf32>
    %reshape3A = vector.shape_cast %get3A_1 : vector<64x4096xf32> to vector<1024x256xf32>
    %get3A_2 = arith.constant 0 : index
    %get3A_3 = arith.constant 0 : index
    %get3A_4 = vector.load %arg2[%get3A_2, %get3A_3] : memref<256x256xf32, #tpu.memory_space<vmem>>, vector<256x256xf32>
    %concatenate3A = tpu.concatenate %get3A_4, %get3A_4, %get3A_4, %get3A_4 in 0 : vector<256x256xf32>, vector<256x256xf32>, vector<256x256xf32>, vector<256x256xf32> -> vector<1024x256xf32>
    %add3A = arith.addf %reshape3A, %concatenate3A : vector<1024x256xf32>
    %get3A_5 = arith.constant 0 : index
    %get3A_6 = arith.constant 0 : index
    %get3A_7 = vector.load %arg3[%get3A_5, %get3A_6] : memref<1x256xf32, #tpu.memory_space<vmem>>, vector<1x256xf32>
    %get3A_8 = arith.constant 0 : index
    %get3A_9 = arith.constant 0 : index
    %get3A_10 = vector.load %arg4[%get3A_8, %get3A_9] : memref<1x256xf32, #tpu.memory_space<vmem>>, vector<1x256xf32>
    %reduce_sum3A = arith.constant dense<0.000000e+00> : vector<1024xf32>
    %reduce_sum3A_11 = vector.multi_reduction <add>, %add3A, %reduce_sum3A [1] : vector<1024x256xf32> to vector<1024xf32>
    %broadcast_in_dim3A = vector.shape_cast %reduce_sum3A_11 : vector<1024xf32> to vector<1024x1xf32>
    %div3A = arith.constant 2.560000e+02 : f32
    %div3A_12 = vector.broadcast %div3A : f32 to vector<1024x1xf32>
    %div3A_13 = arith.divf %broadcast_in_dim3A, %div3A_12 : vector<1024x1xf32>
    %sub3A = vector.broadcast %div3A_13 : vector<1024x1xf32> to vector<1024x256xf32>
    %sub3A_14 = arith.subf %add3A, %sub3A : vector<1024x256xf32>
    %integer_pow3A = arith.mulf %sub3A_14, %sub3A_14 : vector<1024x256xf32>
    %reduce_sum3A_15 = arith.constant dense<0.000000e+00> : vector<1024xf32>
    %reduce_sum3A_16 = vector.multi_reduction <add>, %integer_pow3A, %reduce_sum3A_15 [1] : vector<1024x256xf32> to vector<1024xf32>
    %broadcast_in_dim3A_17 = vector.shape_cast %reduce_sum3A_16 : vector<1024xf32> to vector<1024x1xf32>
    %div3A_18 = arith.constant 2.560000e+02 : f32
    %div3A_19 = vector.broadcast %div3A_18 : f32 to vector<1024x1xf32>
    %div3A_20 = arith.divf %broadcast_in_dim3A_17, %div3A_19 : vector<1024x1xf32>
    %sub3A_21 = vector.broadcast %div3A_13 : vector<1024x1xf32> to vector<1024x256xf32>
    %sub3A_22 = arith.subf %add3A, %sub3A_21 : vector<1024x256xf32>
    %add3A_23 = arith.constant 9.99999974E-6 : f32
    %add3A_24 = vector.broadcast %add3A_23 : f32 to vector<1024x1xf32>
    %add3A_25 = arith.addf %div3A_20, %add3A_24 : vector<1024x1xf32>
    %rsqrt3A = math.rsqrt %add3A_25 : vector<1024x1xf32>
    %mul3A = vector.broadcast %rsqrt3A : vector<1024x1xf32> to vector<1024x256xf32>
    %mul3A_26 = arith.mulf %sub3A_22, %mul3A : vector<1024x256xf32>
    %mul3A_27 = vector.broadcast %get3A_7 : vector<1x256xf32> to vector<1024x256xf32>
    %mul3A_28 = arith.mulf %mul3A_26, %mul3A_27 : vector<1024x256xf32>
    %add3A_29 = vector.broadcast %get3A_10 : vector<1x256xf32> to vector<1024x256xf32>
    %add3A_30 = arith.addf %mul3A_28, %add3A_29 : vector<1024x256xf32>
    %get3A_31 = arith.constant 0 : index
    %get3A_32 = arith.constant 0 : index
    %get3A_33 = vector.load %arg5[%get3A_31, %get3A_32] : memref<256x256xf32, #tpu.memory_space<vmem>>, vector<256x256xf32>
    %dot_general3A = arith.constant dense<0.000000e+00> : vector<1024x256xf32>
    %dot_general3A_34 = tpu.matmul %add3A_30, %get3A_33, %dot_general3A {dimension_numbers = #tpu.dot_dimension_numbers<[1], [1], [0], [0], [0, 0, 1, 0], [], []>, transpose_lhs_hint = false} : vector<1024x256xf32>, vector<256x256xf32>, vector<1024x256xf32> -> vector<1024x256xf32>
    %get3A_35 = arith.constant 0 : index
    %get3A_36 = arith.constant 0 : index
    %get3A_37 = vector.load %arg6[%get3A_35, %get3A_36] : memref<256x256xf32, #tpu.memory_space<vmem>>, vector<256x256xf32>
    %dot_general3A_38 = arith.constant dense<0.000000e+00> : vector<1024x256xf32>
    %dot_general3A_39 = tpu.matmul %add3A_30, %get3A_37, %dot_general3A_38 {dimension_numbers = #tpu.dot_dimension_numbers<[1], [1], [0], [0], [0, 0, 1, 0], [], []>, transpose_lhs_hint = false} : vector<1024x256xf32>, vector<256x256xf32>, vector<1024x256xf32> -> vector<1024x256xf32>
    %iota3A = tpu.iota {dimensions = array<i32: 0>} : vector<256x8xi32>
    %iota3A_40 = tpu.iota {dimensions = array<i32: 1>} : vector<256x8xi32>
    %jit3A = arith.constant 32 : i32
    %div3A_41 = vector.broadcast %jit3A : i32 to vector<256x8xi32>
    %div3A_42 = arith.divsi %iota3A, %div3A_41 : vector<256x8xi32>
    %sign3A = arith.constant 0 : i32
    %sign3A_43 = vector.broadcast %sign3A : i32 to vector<256x8xi32>
    %sign3A_44 = arith.cmpi sgt, %iota3A, %sign3A_43 : vector<256x8xi32>
    %sign3A_45 = arith.extui %sign3A_44 : vector<256x8xi1> to vector<256x8xi32>
    %sign3A_46 = arith.constant 0 : i32
    %sign3A_47 = vector.broadcast %sign3A_46 : i32 to vector<256x8xi32>
    %sign3A_48 = arith.cmpi slt, %iota3A, %sign3A_47 : vector<256x8xi32>
    %sign3A_49 = arith.extui %sign3A_48 : vector<256x8xi1> to vector<256x8xi32>
    %sign3A_50 = arith.subi %sign3A_45, %sign3A_49 : vector<256x8xi32>
    %sign3A_51 = arith.constant 0 : i32
    %sign3A_52 = arith.cmpi sgt, %jit3A, %sign3A_51 : i32
    %sign3A_53 = arith.extui %sign3A_52 : i1 to i32
    %sign3A_54 = arith.constant 0 : i32
    %sign3A_55 = arith.cmpi slt, %jit3A, %sign3A_54 : i32
    %sign3A_56 = arith.extui %sign3A_55 : i1 to i32
    %sign3A_57 = arith.subi %sign3A_53, %sign3A_56 : i32
    %ne3A = vector.broadcast %sign3A_57 : i32 to vector<256x8xi32>
    %ne3A_58 = arith.cmpi ne, %sign3A_50, %ne3A : vector<256x8xi32>
    %rem3A = vector.broadcast %jit3A : i32 to vector<256x8xi32>
    %rem3A_59 = arith.remsi %iota3A, %rem3A : vector<256x8xi32>
    %ne3A_60 = arith.constant 0 : i32
    %ne3A_61 = vector.broadcast %ne3A_60 : i32 to vector<256x8xi32>
    %ne3A_62 = arith.cmpi ne, %rem3A_59, %ne3A_61 : vector<256x8xi32>
    %and3A = arith.andi %ne3A_58, %ne3A_62 : vector<256x8xi1>
    %sub3A_63 = arith.constant 1 : i32
    %sub3A_64 = vector.broadcast %sub3A_63 : i32 to vector<256x8xi32>
    %sub3A_65 = arith.subi %div3A_42, %sub3A_64 : vector<256x8xi32>
    %select_n3A = arith.select %and3A, %sub3A_65, %div3A_42 : vector<256x8xi1>, vector<256x8xi32>
    %eq3A = arith.cmpi eq, %select_n3A, %iota3A_40 : vector<256x8xi32>
    %convert_element_type3A = arith.extui %eq3A : vector<256x8xi1> to vector<256x8xi32>
    %convert_element_type3A_66 = arith.sitofp %convert_element_type3A : vector<256x8xi32> to vector<256x8xf32>
    %slice3A = vector.extract_strided_slice %dot_general3A_34 {offsets = [0, 0], sizes = [256, 256], strides = [1, 1]} : vector<1024x256xf32> to vector<256x256xf32>
    %slice3A_67 = vector.extract_strided_slice %dot_general3A_39 {offsets = [0, 0], sizes = [256, 256], strides = [1, 1]} : vector<1024x256xf32> to vector<256x256xf32>
    %get3A_68 = arith.constant 0 : index
    %get3A_69 = arith.constant 0 : index
    %get3A_70 = arith.constant 0 : index
    %get3A_71 = vector.load %arg7[%get3A_68, %get3A_69, %get3A_70] : memref<1x4x256xf32, #tpu.memory_space<vmem>>, vector<1x1x256xf32>
    %get3A_72 = vector.shape_cast %get3A_71 : vector<1x1x256xf32> to vector<1x256xf32>
    %mul3A_73 = vector.broadcast %get3A_72 : vector<1x256xf32> to vector<256x256xf32>
    %mul3A_74 = arith.mulf %slice3A, %mul3A_73 : vector<256x256xf32>
    %dot_general3A_75 = arith.constant dense<0.000000e+00> : vector<256x8xf32>
    %dot_general3A_76 = tpu.matmul %mul3A_74, %convert_element_type3A_66, %dot_general3A_75 {dimension_numbers = #tpu.dot_dimension_numbers<[1], [0], [0], [1], [0, 0, 1, 1], [], []>, transpose_lhs_hint = false} : vector<256x256xf32>, vector<256x8xf32>, vector<256x8xf32> -> vector<256x8xf32>
    %mul3A_77 = arith.constant 0.176776692 : f32
    %mul3A_78 = vector.broadcast %mul3A_77 : f32 to vector<256x8xf32>
    %mul3A_79 = arith.mulf %dot_general3A_76, %mul3A_78 : vector<256x8xf32>
    %reduce_max3A = arith.constant dense<0xFF800000> : vector<8xf32>
    %reduce_max3A_80 = vector.multi_reduction <maximumf>, %mul3A_79, %reduce_max3A [0] : vector<256x8xf32> to vector<8xf32>
    %broadcast_in_dim3A_81 = vector.shape_cast %reduce_max3A_80 : vector<8xf32> to vector<1x8xf32>
    %sub3A_82 = vector.broadcast %broadcast_in_dim3A_81 : vector<1x8xf32> to vector<256x8xf32>
    %sub3A_83 = arith.subf %mul3A_79, %sub3A_82 : vector<256x8xf32>
    %exp3A = math.exp %sub3A_83 : vector<256x8xf32>
    %reduce_sum3A_84 = arith.constant dense<0.000000e+00> : vector<8xf32>
    %reduce_sum3A_85 = vector.multi_reduction <add>, %exp3A, %reduce_sum3A_84 [0] : vector<256x8xf32> to vector<8xf32>
    %broadcast_in_dim3A_86 = vector.shape_cast %reduce_sum3A_85 : vector<8xf32> to vector<1x8xf32>
    %div3A_87 = vector.broadcast %broadcast_in_dim3A_86 : vector<1x8xf32> to vector<256x8xf32>
    %div3A_88 = arith.divf %exp3A, %div3A_87 : vector<256x8xf32>
    %dot_general3A_89 = arith.constant dense<0.000000e+00> : vector<256x256xf32>
    %dot_general3A_90 = tpu.matmul %div3A_88, %convert_element_type3A_66, %dot_general3A_89 {dimension_numbers = #tpu.dot_dimension_numbers<[1], [1], [0], [0], [0, 0, 1, 0], [], []>, transpose_lhs_hint = false} : vector<256x8xf32>, vector<256x8xf32>, vector<256x256xf32> -> vector<256x256xf32>
    %mul3A_91 = arith.mulf %slice3A_67, %dot_general3A_90 : vector<256x256xf32>
    %reduce_sum3A_92 = arith.constant dense<0.000000e+00> : vector<256xf32>
    %reduce_sum3A_93 = vector.multi_reduction <add>, %mul3A_91, %reduce_sum3A_92 [0] : vector<256x256xf32> to vector<256xf32>
    %swap3A = arith.constant 0 : index
    %swap3A_94 = arith.constant 0 : index
    %swap3A_95 = arith.constant 0 : index
    %swap3A_96 = vector.load %arg8[%swap3A, %swap3A_94, %swap3A_95] : memref<1x4x256xf32, #tpu.memory_space<vmem>>, vector<1x1x256xf32>
    %swap3A_97 = vector.shape_cast %swap3A_96 : vector<1x1x256xf32> to vector<256xf32>
    %swap3A_98 = vector.shape_cast %reduce_sum3A_93 : vector<256xf32> to vector<1x1x256xf32>
    tpu.vector_store %arg8[%swap3A, %swap3A_94, %swap3A_95], %swap3A_98 {strides = array<i32>} : memref<1x4x256xf32, #tpu.memory_space<vmem>>, vector<1x1x256xf32>,
    %slice3A_99 = vector.extract_strided_slice %dot_general3A_34 {offsets = [256, 0], sizes = [256, 256], strides = [1, 1]} : vector<1024x256xf32> to vector<256x256xf32>
    %slice3A_100 = vector.extract_strided_slice %dot_general3A_39 {offsets = [256, 0], sizes = [256, 256], strides = [1, 1]} : vector<1024x256xf32> to vector<256x256xf32>
    %get3A_101 = arith.constant 0 : index
    %get3A_102 = arith.constant 1 : index
    %get3A_103 = arith.constant 0 : index
    %get3A_104 = vector.load %arg7[%get3A_101, %get3A_102, %get3A_103] : memref<1x4x256xf32, #tpu.memory_space<vmem>>, vector<1x1x256xf32>
    %get3A_105 = vector.shape_cast %get3A_104 : vector<1x1x256xf32> to vector<1x256xf32>
    %mul3A_106 = vector.broadcast %get3A_105 : vector<1x256xf32> to vector<256x256xf32>
    %mul3A_107 = arith.mulf %slice3A_99, %mul3A_106 : vector<256x256xf32>
    %dot_general3A_108 = arith.constant dense<0.000000e+00> : vector<256x8xf32>
    %dot_general3A_109 = tpu.matmul %mul3A_107, %convert_element_type3A_66, %dot_general3A_108 {dimension_numbers = #tpu.dot_dimension_numbers<[1], [0], [0], [1], [0, 0, 1, 1], [], []>, transpose_lhs_hint = false} : vector<256x256xf32>, vector<256x8xf32>, vector<256x8xf32> -> vector<256x8xf32>
    %mul3A_110 = arith.constant 0.176776692 : f32
    %mul3A_111 = vector.broadcast %mul3A_110 : f32 to vector<256x8xf32>
    %mul3A_112 = arith.mulf %dot_general3A_109, %mul3A_111 : vector<256x8xf32>
    %reduce_max3A_113 = arith.constant dense<0xFF800000> : vector<8xf32>
    %reduce_max3A_114 = vector.multi_reduction <maximumf>, %mul3A_112, %reduce_max3A_113 [0] : vector<256x8xf32> to vector<8xf32>
    %broadcast_in_dim3A_115 = vector.shape_cast %reduce_max3A_114 : vector<8xf32> to vector<1x8xf32>
    %sub3A_116 = vector.broadcast %broadcast_in_dim3A_115 : vector<1x8xf32> to vector<256x8xf32>
    %sub3A_117 = arith.subf %mul3A_112, %sub3A_116 : vector<256x8xf32>
    %exp3A_118 = math.exp %sub3A_117 : vector<256x8xf32>
    %reduce_sum3A_119 = arith.constant dense<0.000000e+00> : vector<8xf32>
    %reduce_sum3A_120 = vector.multi_reduction <add>, %exp3A_118, %reduce_sum3A_119 [0] : vector<256x8xf32> to vector<8xf32>
    %broadcast_in_dim3A_121 = vector.shape_cast %reduce_sum3A_120 : vector<8xf32> to vector<1x8xf32>
    %div3A_122 = vector.broadcast %broadcast_in_dim3A_121 : vector<1x8xf32> to vector<256x8xf32>
    %div3A_123 = arith.divf %exp3A_118, %div3A_122 : vector<256x8xf32>
    %dot_general3A_124 = arith.constant dense<0.000000e+00> : vector<256x256xf32>
    %dot_general3A_125 = tpu.matmul %div3A_123, %convert_element_type3A_66, %dot_general3A_124 {dimension_numbers = #tpu.dot_dimension_numbers<[1], [1], [0], [0], [0, 0, 1, 0], [], []>, transpose_lhs_hint = false} : vector<256x8xf32>, vector<256x8xf32>, vector<256x256xf32> -> vector<256x256xf32>
    %mul3A_126 = arith.mulf %slice3A_100, %dot_general3A_125 : vector<256x256xf32>
    %reduce_sum3A_127 = arith.constant dense<0.000000e+00> : vector<256xf32>
    %reduce_sum3A_128 = vector.multi_reduction <add>, %mul3A_126, %reduce_sum3A_127 [0] : vector<256x256xf32> to vector<256xf32>
    %swap3A_129 = arith.constant 0 : index
    %swap3A_130 = arith.constant 1 : index
    %swap3A_131 = arith.constant 0 : index
    %swap3A_132 = vector.load %arg8[%swap3A_129, %swap3A_130, %swap3A_131] : memref<1x4x256xf32, #tpu.memory_space<vmem>>, vector<1x1x256xf32>
    %swap3A_133 = vector.shape_cast %swap3A_132 : vector<1x1x256xf32> to vector<256xf32>
    %swap3A_134 = vector.shape_cast %reduce_sum3A_128 : vector<256xf32> to vector<1x1x256xf32>
    tpu.vector_store %arg8[%swap3A_129, %swap3A_130, %swap3A_131], %swap3A_134 {strides = array<i32>} : memref<1x4x256xf32, #tpu.memory_space<vmem>>, vector<1x1x256xf32>,
    %slice3A_135 = vector.extract_strided_slice %dot_general3A_34 {offsets = [512, 0], sizes = [256, 256], strides = [1, 1]} : vector<1024x256xf32> to vector<256x256xf32>
    %slice3A_136 = vector.extract_strided_slice %dot_general3A_39 {offsets = [512, 0], sizes = [256, 256], strides = [1, 1]} : vector<1024x256xf32> to vector<256x256xf32>
    %get3A_137 = arith.constant 0 : index
    %get3A_138 = arith.constant 2 : index
    %get3A_139 = arith.constant 0 : index
    %get3A_140 = vector.load %arg7[%get3A_137, %get3A_138, %get3A_139] : memref<1x4x256xf32, #tpu.memory_space<vmem>>, vector<1x1x256xf32>
    %get3A_141 = vector.shape_cast %get3A_140 : vector<1x1x256xf32> to vector<1x256xf32>
    %mul3A_142 = vector.broadcast %get3A_141 : vector<1x256xf32> to vector<256x256xf32>
    %mul3A_143 = arith.mulf %slice3A_135, %mul3A_142 : vector<256x256xf32>
    %dot_general3A_144 = arith.constant dense<0.000000e+00> : vector<256x8xf32>
    %dot_general3A_145 = tpu.matmul %mul3A_143, %convert_element_type3A_66, %dot_general3A_144 {dimension_numbers = #tpu.dot_dimension_numbers<[1], [0], [0], [1], [0, 0, 1, 1], [], []>, transpose_lhs_hint = false} : vector<256x256xf32>, vector<256x8xf32>, vector<256x8xf32> -> vector<256x8xf32>
    %mul3A_146 = arith.constant 0.176776692 : f32
    %mul3A_147 = vector.broadcast %mul3A_146 : f32 to vector<256x8xf32>
    %mul3A_148 = arith.mulf %dot_general3A_145, %mul3A_147 : vector<256x8xf32>
    %reduce_max3A_149 = arith.constant dense<0xFF800000> : vector<8xf32>
    %reduce_max3A_150 = vector.multi_reduction <maximumf>, %mul3A_148, %reduce_max3A_149 [0] : vector<256x8xf32> to vector<8xf32>
    %broadcast_in_dim3A_151 = vector.shape_cast %reduce_max3A_150 : vector<8xf32> to vector<1x8xf32>
    %sub3A_152 = vector.broadcast %broadcast_in_dim3A_151 : vector<1x8xf32> to vector<256x8xf32>
    %sub3A_153 = arith.subf %mul3A_148, %sub3A_152 : vector<256x8xf32>
    %exp3A_154 = math.exp %sub3A_153 : vector<256x8xf32>
    %reduce_sum3A_155 = arith.constant dense<0.000000e+00> : vector<8xf32>
    %reduce_sum3A_156 = vector.multi_reduction <add>, %exp3A_154, %reduce_sum3A_155 [0] : vector<256x8xf32> to vector<8xf32>
    %broadcast_in_dim3A_157 = vector.shape_cast %reduce_sum3A_156 : vector<8xf32> to vector<1x8xf32>
    %div3A_158 = vector.broadcast %broadcast_in_dim3A_157 : vector<1x8xf32> to vector<256x8xf32>
    %div3A_159 = arith.divf %exp3A_154, %div3A_158 : vector<256x8xf32>
    %dot_general3A_160 = arith.constant dense<0.000000e+00> : vector<256x256xf32>
    %dot_general3A_161 = tpu.matmul %div3A_159, %convert_element_type3A_66, %dot_general3A_160 {dimension_numbers = #tpu.dot_dimension_numbers<[1], [1], [0], [0], [0, 0, 1, 0], [], []>, transpose_lhs_hint = false} : vector<256x8xf32>, vector<256x8xf32>, vector<256x256xf32> -> vector<256x256xf32>
    %mul3A_162 = arith.mulf %slice3A_136, %dot_general3A_161 : vector<256x256xf32>
    %reduce_sum3A_163 = arith.constant dense<0.000000e+00> : vector<256xf32>
    %reduce_sum3A_164 = vector.multi_reduction <add>, %mul3A_162, %reduce_sum3A_163 [0] : vector<256x256xf32> to vector<256xf32>
    %swap3A_165 = arith.constant 0 : index
    %swap3A_166 = arith.constant 2 : index
    %swap3A_167 = arith.constant 0 : index
    %swap3A_168 = vector.load %arg8[%swap3A_165, %swap3A_166, %swap3A_167] : memref<1x4x256xf32, #tpu.memory_space<vmem>>, vector<1x1x256xf32>
    %swap3A_169 = vector.shape_cast %swap3A_168 : vector<1x1x256xf32> to vector<256xf32>
    %swap3A_170 = vector.shape_cast %reduce_sum3A_164 : vector<256xf32> to vector<1x1x256xf32>
    tpu.vector_store %arg8[%swap3A_165, %swap3A_166, %swap3A_167], %swap3A_170 {strides = array<i32>} : memref<1x4x256xf32, #tpu.memory_space<vmem>>, vector<1x1x256xf32>,
    %slice3A_171 = vector.extract_strided_slice %dot_general3A_34 {offsets = [768, 0], sizes = [256, 256], strides = [1, 1]} : vector<1024x256xf32> to vector<256x256xf32>
    %slice3A_172 = vector.extract_strided_slice %dot_general3A_39 {offsets = [768, 0], sizes = [256, 256], strides = [1, 1]} : vector<1024x256xf32> to vector<256x256xf32>
    %get3A_173 = arith.constant 0 : index
    %get3A_174 = arith.constant 3 : index
    %get3A_175 = arith.constant 0 : index
    %get3A_176 = vector.load %arg7[%get3A_173, %get3A_174, %get3A_175] : memref<1x4x256xf32, #tpu.memory_space<vmem>>, vector<1x1x256xf32>
    %get3A_177 = vector.shape_cast %get3A_176 : vector<1x1x256xf32> to vector<1x256xf32>
    %mul3A_178 = vector.broadcast %get3A_177 : vector<1x256xf32> to vector<256x256xf32>
    %mul3A_179 = arith.mulf %slice3A_171, %mul3A_178 : vector<256x256xf32>
    %dot_general3A_180 = arith.constant dense<0.000000e+00> : vector<256x8xf32>
    %dot_general3A_181 = tpu.matmul %mul3A_179, %convert_element_type3A_66, %dot_general3A_180 {dimension_numbers = #tpu.dot_dimension_numbers<[1], [0], [0], [1], [0, 0, 1, 1], [], []>, transpose_lhs_hint = false} : vector<256x256xf32>, vector<256x8xf32>, vector<256x8xf32> -> vector<256x8xf32>
    %mul3A_182 = arith.constant 0.176776692 : f32
    %mul3A_183 = vector.broadcast %mul3A_182 : f32 to vector<256x8xf32>
    %mul3A_184 = arith.mulf %dot_general3A_181, %mul3A_183 : vector<256x8xf32>
    %reduce_max3A_185 = arith.constant dense<0xFF800000> : vector<8xf32>
    %reduce_max3A_186 = vector.multi_reduction <maximumf>, %mul3A_184, %reduce_max3A_185 [0] : vector<256x8xf32> to vector<8xf32>
    %broadcast_in_dim3A_187 = vector.shape_cast %reduce_max3A_186 : vector<8xf32> to vector<1x8xf32>
    %sub3A_188 = vector.broadcast %broadcast_in_dim3A_187 : vector<1x8xf32> to vector<256x8xf32>
    %sub3A_189 = arith.subf %mul3A_184, %sub3A_188 : vector<256x8xf32>
    %exp3A_190 = math.exp %sub3A_189 : vector<256x8xf32>
    %reduce_sum3A_191 = arith.constant dense<0.000000e+00> : vector<8xf32>
    %reduce_sum3A_192 = vector.multi_reduction <add>, %exp3A_190, %reduce_sum3A_191 [0] : vector<256x8xf32> to vector<8xf32>
    %broadcast_in_dim3A_193 = vector.shape_cast %reduce_sum3A_192 : vector<8xf32> to vector<1x8xf32>
    %div3A_194 = vector.broadcast %broadcast_in_dim3A_193 : vector<1x8xf32> to vector<256x8xf32>
    %div3A_195 = arith.divf %exp3A_190, %div3A_194 : vector<256x8xf32>
    %dot_general3A_196 = arith.constant dense<0.000000e+00> : vector<256x256xf32>
    %dot_general3A_197 = tpu.matmul %div3A_195, %convert_element_type3A_66, %dot_general3A_196 {dimension_numbers = #tpu.dot_dimension_numbers<[1], [1], [0], [0], [0, 0, 1, 0], [], []>, transpose_lhs_hint = false} : vector<256x8xf32>, vector<256x8xf32>, vector<256x256xf32> -> vector<256x256xf32>
    %mul3A_198 = arith.mulf %slice3A_172, %dot_general3A_197 : vector<256x256xf32>
    %reduce_sum3A_199 = arith.constant dense<0.000000e+00> : vector<256xf32>
    %reduce_sum3A_200 = vector.multi_reduction <add>, %mul3A_198, %reduce_sum3A_199 [0] : vector<256x256xf32> to vector<256xf32>
    %swap3A_201 = arith.constant 0 : index
    %swap3A_202 = arith.constant 3 : index
    %swap3A_203 = arith.constant 0 : index
    %swap3A_204 = vector.load %arg8[%swap3A_201, %swap3A_202, %swap3A_203] : memref<1x4x256xf32, #tpu.memory_space<vmem>>, vector<1x1x256xf32>
    %swap3A_205 = vector.shape_cast %swap3A_204 : vector<1x1x256xf32> to vector<256xf32>
    %swap3A_206 = vector.shape_cast %reduce_sum3A_200 : vector<256xf32> to vector<1x1x256xf32>
    tpu.vector_store %arg8[%swap3A_201, %swap3A_202, %swap3A_203], %swap3A_206 {strides = array<i32>} : memref<1x4x256xf32, #tpu.memory_space<vmem>>, vector<1x1x256xf32>,
    return
  }
  func.func @transform_0(%arg0: i32) -> (i32, i32) {
    %c0_i32 = arith.constant 0 : i32
    %c0_i32_0 = arith.constant 0 : i32
    return %arg0, %c0_i32 : i32, i32
  }
  func.func @transform_1(%arg0: i32) -> (i32, i32) {
    %c0_i32 = arith.constant 0 : i32
    %c0_i32_0 = arith.constant 0 : i32
    %c0_i32_1 = arith.constant 0 : i32
    return %c0_i32, %c0_i32_0 : i32, i32
  }
  func.func @transform_2(%arg0: i32) -> (i32, i32) {
    %c0_i32 = arith.constant 0 : i32
    %c0_i32_0 = arith.constant 0 : i32
    %c0_i32_1 = arith.constant 0 : i32
    return %c0_i32, %c0_i32_0 : i32, i32
  }
  func.func @transform_3(%arg0: i32) -> (i32, i32) {
    %c0_i32 = arith.constant 0 : i32
    %c0_i32_0 = arith.constant 0 : i32
    %c0_i32_1 = arith.constant 0 : i32
    return %c0_i32, %c0_i32_0 : i32, i32
  }
  func.func @transform_4(%arg0: i32) -> (i32, i32) {
    %c0_i32 = arith.constant 0 : i32
    %c0_i32_0 = arith.constant 0 : i32
    %c0_i32_1 = arith.constant 0 : i32
    return %c0_i32, %c0_i32_0 : i32, i32
  }
  func.func @transform_5(%arg0: i32) -> (i32, i32) {
    %c0_i32 = arith.constant 0 : i32
    %c0_i32_0 = arith.constant 0 : i32
    %c0_i32_1 = arith.constant 0 : i32
    return %c0_i32, %c0_i32_0 : i32, i32
  }
  func.func @transform_6(%arg0: i32) -> (i32, i32, i32) {
    %c0_i32 = arith.constant 0 : i32
    %c0_i32_0 = arith.constant 0 : i32
    %c0_i32_1 = arith.constant 0 : i32
    return %arg0, %c0_i32, %c0_i32_0 : i32, i32, i32
  }
  func.func @transform_7(%arg0: i32) -> (i32, i32, i32) {
    %c0_i32 = arith.constant 0 : i32
    %c0_i32_0 = arith.constant 0 : i32
    %c0_i32_1 = arith.constant 0 : i32
    return %arg0, %c0_i32, %c0_i32_0 : i32, i32, i32
  }
}

module attributes {stable_mosaic.version = 14 : i64} {
  func.func @_stage4_body(%arg0: memref<200x256xf32, #tpu.memory_space<vmem>>, %arg1: memref<200x256xf32, #tpu.memory_space<vmem>>, %arg2: memref<256x256xf32, #tpu.memory_space<vmem>>, %arg3: memref<1x256xf32, #tpu.memory_space<vmem>>, %arg4: memref<1x256xf32, #tpu.memory_space<vmem>>, %arg5: memref<256x256xf32, #tpu.memory_space<vmem>>, %arg6: memref<1x256xf32, #tpu.memory_space<vmem>>, %arg7: memref<256x256xf32, #tpu.memory_space<vmem>>, %arg8: memref<1x256xf32, #tpu.memory_space<vmem>>, %arg9: memref<200x256xf32, #tpu.memory_space<vmem>>) attributes {dimension_semantics = [], scalar_prefetch = 0 : i64, scratch_operands = 0 : i64, tpu.core_type = #tpu.core_type<tc>} {
    %get3A = arith.constant 0 : index
    %get3A_0 = arith.constant 0 : index
    %get3A_1 = vector.load %arg0[%get3A, %get3A_0] : memref<200x256xf32, #tpu.memory_space<vmem>>, vector<200x256xf32>
    %get3A_2 = arith.constant 0 : index
    %get3A_3 = arith.constant 0 : index
    %get3A_4 = vector.load %arg2[%get3A_2, %get3A_3] : memref<256x256xf32, #tpu.memory_space<vmem>>, vector<256x256xf32>
    %dot_general3A = arith.constant dense<0.000000e+00> : vector<200x256xf32>
    %dot_general3A_5 = tpu.matmul %get3A_1, %get3A_4, %dot_general3A {dimension_numbers = #tpu.dot_dimension_numbers<[1], [1], [0], [0], [0, 0, 1, 0], [], []>, transpose_lhs_hint = false} : vector<200x256xf32>, vector<256x256xf32>, vector<200x256xf32> -> vector<200x256xf32>
    %get3A_6 = arith.constant 0 : index
    %get3A_7 = arith.constant 0 : index
    %get3A_8 = vector.load %arg1[%get3A_6, %get3A_7] : memref<200x256xf32, #tpu.memory_space<vmem>>, vector<200x256xf32>
    %add3A = arith.addf %dot_general3A_5, %get3A_8 : vector<200x256xf32>
    %get3A_9 = arith.constant 0 : index
    %get3A_10 = arith.constant 0 : index
    %get3A_11 = vector.load %arg3[%get3A_9, %get3A_10] : memref<1x256xf32, #tpu.memory_space<vmem>>, vector<1x256xf32>
    %get3A_12 = arith.constant 0 : index
    %get3A_13 = arith.constant 0 : index
    %get3A_14 = vector.load %arg4[%get3A_12, %get3A_13] : memref<1x256xf32, #tpu.memory_space<vmem>>, vector<1x256xf32>
    %reduce_sum3A = arith.constant dense<0.000000e+00> : vector<200xf32>
    %reduce_sum3A_15 = vector.multi_reduction <add>, %add3A, %reduce_sum3A [1] : vector<200x256xf32> to vector<200xf32>
    %broadcast_in_dim3A = vector.shape_cast %reduce_sum3A_15 : vector<200xf32> to vector<200x1xf32>
    %div3A = arith.constant 2.560000e+02 : f32
    %div3A_16 = vector.broadcast %div3A : f32 to vector<200x1xf32>
    %div3A_17 = arith.divf %broadcast_in_dim3A, %div3A_16 : vector<200x1xf32>
    %sub3A = vector.broadcast %div3A_17 : vector<200x1xf32> to vector<200x256xf32>
    %sub3A_18 = arith.subf %add3A, %sub3A : vector<200x256xf32>
    %integer_pow3A = arith.mulf %sub3A_18, %sub3A_18 : vector<200x256xf32>
    %reduce_sum3A_19 = arith.constant dense<0.000000e+00> : vector<200xf32>
    %reduce_sum3A_20 = vector.multi_reduction <add>, %integer_pow3A, %reduce_sum3A_19 [1] : vector<200x256xf32> to vector<200xf32>
    %broadcast_in_dim3A_21 = vector.shape_cast %reduce_sum3A_20 : vector<200xf32> to vector<200x1xf32>
    %div3A_22 = arith.constant 2.560000e+02 : f32
    %div3A_23 = vector.broadcast %div3A_22 : f32 to vector<200x1xf32>
    %div3A_24 = arith.divf %broadcast_in_dim3A_21, %div3A_23 : vector<200x1xf32>
    %sub3A_25 = vector.broadcast %div3A_17 : vector<200x1xf32> to vector<200x256xf32>
    %sub3A_26 = arith.subf %add3A, %sub3A_25 : vector<200x256xf32>
    %add3A_27 = arith.constant 9.99999974E-6 : f32
    %add3A_28 = vector.broadcast %add3A_27 : f32 to vector<200x1xf32>
    %add3A_29 = arith.addf %div3A_24, %add3A_28 : vector<200x1xf32>
    %rsqrt3A = math.rsqrt %add3A_29 : vector<200x1xf32>
    %mul3A = vector.broadcast %rsqrt3A : vector<200x1xf32> to vector<200x256xf32>
    %mul3A_30 = arith.mulf %sub3A_26, %mul3A : vector<200x256xf32>
    %mul3A_31 = vector.broadcast %get3A_11 : vector<1x256xf32> to vector<200x256xf32>
    %mul3A_32 = arith.mulf %mul3A_30, %mul3A_31 : vector<200x256xf32>
    %add3A_33 = vector.broadcast %get3A_14 : vector<1x256xf32> to vector<200x256xf32>
    %add3A_34 = arith.addf %mul3A_32, %add3A_33 : vector<200x256xf32>
    %get3A_35 = arith.constant 0 : index
    %get3A_36 = arith.constant 0 : index
    %get3A_37 = vector.load %arg5[%get3A_35, %get3A_36] : memref<256x256xf32, #tpu.memory_space<vmem>>, vector<256x256xf32>
    %dot_general3A_38 = arith.constant dense<0.000000e+00> : vector<200x256xf32>
    %dot_general3A_39 = tpu.matmul %add3A_34, %get3A_37, %dot_general3A_38 {dimension_numbers = #tpu.dot_dimension_numbers<[1], [1], [0], [0], [0, 0, 1, 0], [], []>, transpose_lhs_hint = false} : vector<200x256xf32>, vector<256x256xf32>, vector<200x256xf32> -> vector<200x256xf32>
    %get3A_40 = arith.constant 0 : index
    %get3A_41 = arith.constant 0 : index
    %get3A_42 = vector.load %arg6[%get3A_40, %get3A_41] : memref<1x256xf32, #tpu.memory_space<vmem>>, vector<1x256xf32>
    %add3A_43 = vector.broadcast %get3A_42 : vector<1x256xf32> to vector<200x256xf32>
    %add3A_44 = arith.addf %dot_general3A_39, %add3A_43 : vector<200x256xf32>
    %max3A = arith.constant 0.000000e+00 : f32
    %max3A_45 = vector.broadcast %max3A : f32 to vector<200x256xf32>
    %max3A_46 = arith.maximumf %add3A_44, %max3A_45 : vector<200x256xf32>
    %get3A_47 = arith.constant 0 : index
    %get3A_48 = arith.constant 0 : index
    %get3A_49 = vector.load %arg7[%get3A_47, %get3A_48] : memref<256x256xf32, #tpu.memory_space<vmem>>, vector<256x256xf32>
    %dot_general3A_50 = arith.constant dense<0.000000e+00> : vector<200x256xf32>
    %dot_general3A_51 = tpu.matmul %max3A_46, %get3A_49, %dot_general3A_50 {dimension_numbers = #tpu.dot_dimension_numbers<[1], [1], [0], [0], [0, 0, 1, 0], [], []>, transpose_lhs_hint = false} : vector<200x256xf32>, vector<256x256xf32>, vector<200x256xf32> -> vector<200x256xf32>
    %get3A_52 = arith.constant 0 : index
    %get3A_53 = arith.constant 0 : index
    %get3A_54 = vector.load %arg8[%get3A_52, %get3A_53] : memref<1x256xf32, #tpu.memory_space<vmem>>, vector<1x256xf32>
    %add3A_55 = vector.broadcast %get3A_54 : vector<1x256xf32> to vector<200x256xf32>
    %add3A_56 = arith.addf %dot_general3A_51, %add3A_55 : vector<200x256xf32>
    %add3A_57 = arith.addf %add3A, %add3A_56 : vector<200x256xf32>
    %swap3A = arith.constant 0 : index
    %swap3A_58 = arith.constant 0 : index
    %swap3A_59 = vector.load %arg9[%swap3A, %swap3A_58] : memref<200x256xf32, #tpu.memory_space<vmem>>, vector<200x256xf32>
    tpu.vector_store %arg9[%swap3A, %swap3A_58], %add3A_57 {strides = array<i32>} : memref<200x256xf32, #tpu.memory_space<vmem>>, vector<200x256xf32>,
    return
  }
}

</mosaic_0001>

<sc_bundles>
// kernel: kernel.8.cloned.1.call-start
scs
__scs_entry_jumppad:
0x0: {  	(pc) =	sbr.rel $0x88, $3  }
0x1: {  	(tag) =	ssettag $0x0;
	lr =	simm.s32 $0x1  }
0x2: {  	[smem:$0x3F8E] =	sst lr;
	_ =	strace $0xD0000000  }
0x3: {  	_ = 	snop  }
0x4: {  	_ = 	snop  }
0x5: {  	_ = 	snop  }
0x6: {  	_ = 	snop  }
0x7: {  	_ = 	snop  }
__scs_overlays_trampoline_lowered:
0x8: {  	[smem:$0x3F9D] =	sst s0  }
0x9: {  	[smem:$0x3F9E] =	sst s1  }
0xa: {  	[smem:$0x3F9F] =	sst s2  }
0xb: {  	[smem:$0x3FA0] =	sst s3  }
0xc: {  	[smem:$0x3FA1] =	sst s4  }
0xd: {  	[smem:$0x3FA2] =	sst s5  }
0xe: {  	[smem:$0x3FA3] =	sst s6  }
0xf: {  	[smem:$0x3FA4] =	sst s7  }
0x10: {  	[smem:$0x3FA5] =	sst s8  }
0x11: {  	[smem:$0x3FA6] =	sst s9;
	s0 =	simm.s32 @!p0 $0x0  }
0x12: {  	s1 =	sld [smem:$0x3F8C];
	s0 =	simm.s32 @p0 $0x1  }
0x13: {  	[smem:$0x3FA7] =	sst s0;
	s0 =	simm.s32 @!p1 $0x0  }
0x14: {  	s2 =	sld [smem:$0x3F8B];
	s0 =	simm.s32 @p1 $0x1  }
0x15: {  	[smem:$0x3FA8] =	sst s0;
	s0 =	simm.s32 @!p2 $0x0  }
0x16: {  	s3 =	sld [smem:$0x3FDB];
	s0 =	simm.s32 @p2 $0x1  }
0x17: {  	s4 =	simm.s32 $0x1BF5;
	[smem:$0x3FAA] =	sst s0  }
0x18: {  	s0 =	sld [smem:$0x3F8D];
	_ =	swait.ge [sflag:s4], $0x0  }
0x19: {  	s7 =	sld [smem:$0x3F8E]  }
0x1a: {  	s8 =	sadd.s32 $0xFFFFE003, lr  }
0x1b: {  	s9 =	sadd.s32 $0xFFFFFEF7, lr;
	s5 =	simm.s32 $0xFFFFFFFF;
	p2 =	slt.u32 s8, $0xFFFFF086  }
0x1c: {  	p1 =	slt.u32 s9, $0xF7A;
	s5 =	simm.s32 @!p2 $0x0  }
0x1d: {  	s5 =	simm.s32 @p1 $0x1;
	p0 =	seq.s32 s7, s2  }
0x1e: {  	s7 =	smul.u32 @!p0 $0xF7A, s2;
	p2 =	seq.s32 @!p0 s5, $0x0  }
0x1f: {  	s9 =	smul.u32 $0xF7A, s1;
	s8 =	simm.s32 @!p0 $0x1BF5;
	p2 =	por !p2, p0  }
0x20: {  	[sflag:s8] =	ssyncset.s32 @!p0 $0xFFFFF086;
	s6 =	sadd.s32 @!p0 s3, s7;
	s7 =	simm.s32 @!p0 $0x108  }
0x21: {  	s3 =	sadd.s32 s3, s9;
	s6 =	sadd.s32 @!p0 $0x88, s6;
	s7 =	simm.s32 @p2 $0x1082  }
0x22: {  	[simem:s7], [sflag:s8] =	dma.local @!p0 [hbm:s6], $0xF7A  }
0x23: {  	s9 =	sor.u32 $0xD0000000, s2;
	s6 =	simm.s32 $0x108;
	_ =	swait.ge @!p0 [sflag:s8], $0x0  }
0x24: {  	s3 =	sadd.s32 $0x88, s3;
	s6 =	simm.s32 @!p1 $0x1082;
	[sflag:s4] =	ssyncset.s32 $0xFFFFF086  }
0x25: {  	[simem:s6], [sflag:s4] =	dma.local [hbm:s3], $0xF7A  }
0x26: {  	[smem:$0x3F8E] =	sst s1;
	(tag) =	ssettag s2;
	_ =	strace s9  }
0x27: {  	s1 =	sld [smem:$0x3F9E]  }
0x28: {  	s2 =	sld [smem:$0x3F9F]  }
0x29: {  	s4 =	sld [smem:$0x3FA1]  }
0x2a: {  	p0 =	seq.s32 s5, $0x0;
	s5 =	sld [smem:$0x3FA2]  }
0x2b: {  	s6 =	sld [smem:$0x3FA3]  }
0x2c: {  	s7 =	sld [smem:$0x3FA4]  }
0x2d: {  	s3 =	simm.s32 $0x108;
	s8 =	sld [smem:$0x3FA5]  }
0x2e: {  	s3 =	simm.s32 @!p0 $0x1082;
	s9 =	sld [smem:$0x3FA6]  }
0x2f: {  	lr =	sadd.s32 s0, s3;
	s0 =	sld [smem:$0x3F9D]  }
0x30: {  	s3 =	sld [smem:$0x3FA0]  }
0x31: {  	[smem:$0x3FA9] =	sst s10  }
0x32: {  	s10 =	sld [smem:$0x3FA7];
	_ =	sdelay $0x3  }
0x33: {  	p0 =	seq.s32 s10, $0x1;
	s10 =	sld [smem:$0x3FA9];
	_ =	sdelay $0x3  }
0x34: {  	[smem:$0x3FA9] =	sst s10  }
0x35: {  	s10 =	sld [smem:$0x3FA8];
	_ =	sdelay $0x3  }
0x36: {  	p1 =	seq.s32 s10, $0x1;
	s10 =	sld [smem:$0x3FA9];
	_ =	sdelay $0x3  }
0x37: {  	[smem:$0x3FA9] =	sst s10  }
0x38: {  	s10 =	sld [smem:$0x3FAA]  }
0x39: {  	_ = 	snop;
	(pc) =	sbr.ind lr, $3  }
0x3a: {  	_ = 	snop  }
0x3b: {  	_ = 	snop  }
0x3c: {  	p2 =	seq.s32 s10, $0x1;
	s10 =	sld [smem:$0x3FA9]  }
0x3d: {  	_ =	shalt  }
0x3e: {  	_ =	shalt  }
0x3f: {  	_ =	shalt  }
0x40: {  	_ =	shalt  }
0x41: {  	_ =	shalt  }
0x42: {  	_ =	shalt  }
0x43: {  	_ =	shalt  }
0x44: {  	_ =	shalt  }
0x45: {  	_ =	shalt  }
0x46: {  	_ =	shalt  }
0x47: {  	_ =	shalt  }
0x48: {  	_ =	shalt  }
0x49: {  	_ =	shalt  }
0x4a: {  	_ =	shalt  }
0x4b: {  	_ =	shalt  }
0x4c: {  	_ =	shalt  }
0x4d: {  	_ =	shalt  }
0x4e: {  	_ =	shalt  }
0x4f: {  	_ =	shalt  }
0x50: {  	_ =	shalt  }
0x51: {  	_ =	shalt  }
0x52: {  	_ =	shalt  }
0x53: {  	_ =	shalt  }
0x54: {  	_ =	shalt  }
0x55: {  	_ =	shalt  }
0x56: {  	_ =	shalt  }
0x57: {  	_ =	shalt  }
0x58: {  	_ =	shalt  }
0x59: {  	_ =	shalt  }
0x5a: {  	_ =	shalt  }
0x5b: {  	_ =	shalt  }
0x5c: {  	_ =	shalt  }
0x5d: {  	_ =	shalt  }
0x5e: {  	_ =	shalt  }
0x5f: {  	_ =	shalt  }
0x60: {  	_ =	shalt  }
0x61: {  	_ =	shalt  }
0x62: {  	_ =	shalt  }
0x63: {  	_ =	shalt  }
0x64: {  	_ =	shalt  }
0x65: {  	_ =	shalt  }
0x66: {  	_ =	shalt  }
0x67: {  	_ =	shalt  }
0x68: {  	_ =	shalt  }
0x69: {  	_ =	shalt  }
0x6a: {  	_ =	shalt  }
0x6b: {  	_ =	shalt  }
0x6c: {  	_ =	shalt  }
0x6d: {  	_ =	shalt  }
0x6e: {  	_ =	shalt  }
0x6f: {  	_ =	shalt  }
0x70: {  	_ =	shalt  }
0x71: {  	_ =	shalt  }
0x72: {  	_ =	shalt  }
0x73: {  	_ =	shalt  }
0x74: {  	_ =	shalt  }
0x75: {  	_ =	shalt  }
0x76: {  	_ =	shalt  }
0x77: {  	_ =	shalt  }
0x78: {  	_ =	shalt  }
0x79: {  	_ =	shalt  }
0x7a: {  	_ =	shalt  }
0x7b: {  	_ =	shalt  }
0x7c: {  	_ =	shalt  }
0x7d: {  	_ =	shalt  }
0x7e: {  	_ =	shalt  }
0x7f: {  	_ =	shalt  }
0x80: {  	_ =	shalt  }
0x81: {  	_ =	shalt  }
0x82: {  	_ =	shalt  }
0x83: {  	_ =	shalt  }
0x84: {  	_ =	shalt  }
0x85: {  	_ =	shalt  }
0x86: {  	_ =	shalt  }
0x87: {  	_ =	shalt  }
.Lfunc_end0:
.L_simem_size_0:
called_computation_lowered:
.L_overlay_start_0:
0x88: {  	s2 =	sld [smem:$0x3FD9]  }
0x89: {  	s3 =	sld [smem:$0x3FFE];
	_ =	sdelay $0x1  }
0x8a: {  	s1 =	srdreg.scid  }
0x8b: {  	s0 =	sand.u32 $0x1, s1  }
0x8c: {  	s17 =	sshll.u32 s0, $0xA;
	s2 =	sadd.s32 s3, s2  }
0x8d: {  	s2 =	sadd.s32 s2, s17  }
0x8e: {  	[smem:$0x3FB5] =	sst s2  }
0x8f: {  	_ = 	snop  }
0x90: {  	s2 =	sld [smem:$0x3FD0];
	(tm) =	ssettm $0x1  }
0x91: {  	s18 =	sld [smem:$0x3FFB];
	_ =	sdelay $0x3  }
0x92: {  	_ =	strace s18  }
0x93: {  	s3 =	sld [smem:$0x3FFC];
	_ =	sdelay $0x3  }
0x94: {  	_ =	strace s3  }
0x95: {  	s3 =	sld [smem:$0x3FFD];
	_ =	sdelay $0x3  }
0x96: {  	_ =	strace s3  }
0x97: {  	_ =	strace $0x8FFFFFFF  }
0x98: {  	s19 =	sld [smem:$0x3FDB];
	_ =	sdelay $0x1  }
0x99: {  	s4 =	simm.s32 $_scs_section_size  }
0x9a: {  	s5 =	simm.s32 $_size__tile_overlayer_lowered;
	s6 =	simm.s32 $_tile_overlayer_lowered  }
0x9b: {  	s22 =	simm.s32 $0x1BFF;
	s21 =	sshll.u32 s6, $0x1;
	s3 =	sadd.s32 s4, s19  }
0x9c: {  	s7 =	simm.s32 $0x0;
	s20 =	sshll.u32 s5, $0x1;
	s5 =	sadd.s32 s21, s3  }
0x9d: {  	[timem:s7], [sflag:s22] =	dma.local [hbm:s5], s20  }
0x9e: {  	_ =	swait.ge [sflag:s22], s20  }
0x9f: {  	s4 =	ssub.s32 $0x0, s20;
	[sflag:s22] =	ssyncset.done $0x0  }
0xa0: {  	[sflag:s22] =	ssyncadd.s32 s4;
	_ =	sdelay $0x1  }
0xa1: {  	s23 =	simm.s32 $0x1B8B  }
0xa2: {  	_ =	swait.ge [sflag:s23], $0x1  }
0xa3: {  	[sflag:s23] =	ssyncset.done $0x0  }
0xa4: {  	s25 =	simm.s32 $0x1B8E;
	s24 =	sld [smem:$0x3FFE];
	[sflag:s23] =	ssyncadd.s32 $0xFFFFFFFF  }
0xa5: {  	s26 =	simm.s32 $execute0_lowered;
	[smem:$0x3FD2] =	sst s25  }
0xa6: {  	s5 =	sshll.u32 s26, $0x1;
	_ =	strace $0x80000046;
	[dreg:$0x1] =	wrdreg $0xFFFFFFFF  }
0xa7: {  	s28 =	simm.s32 $_size_execute0_lowered;
	s3 =	sadd.s32 s3, s5;
	[dreg:$0x0] =	wrdreg $0x0  }
0xa8: {  	s5 =	sshll.u32 s28, $0x1;
	[dreg:$0x2] =	wrdreg s3  }
0xa9: {  	[dreg:$0x3] =	wrdreg s5  }
0xaa: {  	[dreg:$0x4] =	wrdreg $0xC0  }
0xab: {  	_ =	task [dreg:s7], $0x5FFFF  }
0xac: {  	[dreg:$0x1] =	wrdreg $0xFFFFFFFF  }
0xad: {  	[dreg:$0x0] =	wrdreg $0x60  }
0xae: {  	[dreg:$0x2] =	wrdreg s24  }
0xaf: {  	[dreg:$0x3] =	wrdreg s2  }
0xb0: {  	[dreg:$0x4] =	wrdreg $0x9  }
0xb1: {  	_ =	task.clear_ibuf [dreg:s7], $0x5FFFF;
	_ =	strace $0x90000046  }
0xb2: {  	s29 =	simm.s32 $0x9;
	_ =	strace $0x80000048  }
0xb3: {  	_ =	swait.ge [sflag:s29], $0x1  }
0xb4: {  	[sflag:s29] =	ssyncadd.s32 $0xFFFFFFFF  }
0xb5: {  	_ =	strace $0x90000048  }
0xb6: {  	_ =	sfence  }
0xb7: {  	s30 =	sld [smem:$0x0];
	_ =	sdelay $0x2  }
0xb8: {  	s31 =	sshll.u32 s1, $0xD;
	s1 =	sshrl.u32 s1, $0x2  }
0xb9: {  	s3 =	sand.u32 $0x4000, s31;
	s1 =	sadd.s32 s1, s30  }
0xba: {  	s0 =	sor.u32 s3, s0;
	s1 =	sshll.u32 s1, $0x11  }
0xbb: {  	s0 =	sor.u32 s1, s0  }
0xbc: {  	s0 =	sadd.s32 $0x8F2B, s0  }
0xbd: {  	[sflag:s0] =	ssyncadd.remote.s32 $0x1  }
0xbe: {  	_ =	sfence.sel $0xFFFF  }
0xbf: {  	[dreg:$0x0] =	wrdreg $0xFFFFFFFF;
	(pc) =	sbr.abs _section_cstart, $3  }
0xc0: {  	[dreg:$0x1] =	wrdreg $0xFFFFFFFF  }
0xc1: {  	_ =	task.clear_ibuf [dreg:s7], $0x2FFFF;
	_ =	strace $0x9FFFFFFF  }
0xc2: {  	(tm) =	ssettm $0x7FFFFFFF  }
0xc3: {  	_ =	shalt  }
tec
execute0_lowered:
.L_overlay_start_1:
0x0: {  	(tag) =	ssettag $0x1  }
0x1: {  	s0 =	rddreg [dreg:$0x0]  }
0x2: {  	s1 =	rddreg [dreg:$0x1];
	s2 =	simm.s32 $0x0  }
0x3: {  	s3 =	srdreg.scid;
	s5 =	stileid.u32;
	s28 =	simm.s32 $0x3  }
0x4: {  	s29 =	simm.s32 $0x2;
	s30 =	simm.s32 $0x4;
	[smem:$0x7FF] =	sst s2  }
0x5: {  	s4 =	sand.u32 $0x1, s3;
	s5 =	sshll.u32 s5, $0x1;
	s3 =	sadd.s32 $0xC6C00, s0  }
0x6: {  	s7 =	sadd.s32 $0x18AC00, s0;
	s9 =	sadd.s32 $0xC7200, s0;
	s10 =	sadd.s32 $0xC7300, s0  }
0x7: {  	_ =	strace $0x80000047;
	s5 =	sor.u32 s4, s5;
	s4 =	ssub.s32 $0x2, s4  }
0x8: {  	s6 =	sshll.u32 s5, $0x4;
	s8 =	sshrl.u32 s4, $0x1;
	s11 =	smul.u32 $0x68000, s5  }
0x9: {  	s12 =	smul.u32 $0xD000, s5;
	s5 =	sadd.s32 $0xC6E00, s0;
	s1 =	sadd.s32 s1, s6  }
0xa: {  	s19 =	ssub.s32 s4, s8;
	s4 =	sadd.s32 $0xC6D00, s0;
	s13 =	sshrl.u32 s11, $0x3  }
0xb: {  	[dreg:$0x3] =	wrdreg s1;
	s1 =	sadd.s32 s7, s12;
	s20 =	sadd.s32 s7, s13  }
0xc: {  	s6 =	sadd.s32 $0xC6F00, s0;
	[dreg:$0x4] =	wrdreg s1;
	s14 =	sadd.s32 $0x1000, s20  }
0xd: {  	s8 =	sadd.s32 $0xC7100, s0;
	s15 =	sadd.s32 $0x2000, s20;
	[dreg:$0x5] =	wrdreg s14  }
0xe: {  	s11 =	sadd.s32 $0xC7400, s0;
	s16 =	sadd.s32 $0x3000, s20;
	[dreg:$0x6] =	wrdreg s15  }
0xf: {  	s12 =	sadd.s32 $0xC7500, s0;
	s17 =	sadd.s32 $0x4000, s20;
	[dreg:$0x7] =	wrdreg s16  }
0x10: {  	s7 =	sadd.s32 $0xC7000, s0;
	s18 =	sadd.s32 $0x5000, s20;
	[dreg:$0x8] =	wrdreg s17  }
0x11: {  	s13 =	sadd.s32 $0xC7600, s0;
	s21 =	sadd.s32 $0x6000, s20;
	[dreg:$0x9] =	wrdreg s18  }
0x12: {  	s1 =	simm.s32 $0x80;
	s22 =	sadd.s32 $0x7000, s20;
	[dreg:$0xa] =	wrdreg s21  }
0x13: {  	s23 =	sadd.s32 $0x8000, s20;
	s24 =	sadd.s32 $0x9000, s20;
	[dreg:$0xb] =	wrdreg s22  }
0x14: {  	s25 =	sadd.s32 $0xA000, s20;
	s26 =	sadd.s32 $0xB000, s20;
	[dreg:$0xc] =	wrdreg s23  }
0x15: {  	s31 =	sadd.s32 $0xC000, s20;
	s14 =	sadd.s32 $0xC7700, s0;
	[dreg:$0xd] =	wrdreg s24  }
0x16: {  	v0 =	vlaneseq.u32;
	s15 =	sadd.s32 $0xC7800, s0;
	s16 =	sadd.s32 $0xC7900, s0;
	[dreg:$0xe] =	wrdreg s25  }
0x17: {  	v1 =	vshrl.u32 v0, $0x3;
	s17 =	sadd.s32 $0xC7A00, s0;
	s18 =	sadd.s32 $0xC7B00, s0;
	[dreg:$0xf] =	wrdreg s26  }
0x18: {  	vm0 =	vmmov $0xffff;
	v0 =	vand.u32 $0x7, v0;
	v1 =	vmul.u32 $0x8, v1;
	[dreg:$0x10] =	wrdreg s31;
	s0 =	smax.u32 s19, $0x1;
	s26 =	simm.s32 $0x1  }
.LBB2_1:
0x19: {  	[dreg:$0x11] =	wrdreg s0  }
0x1a: {  	s31 =	rddreg [dreg:$0x3];
	s24 =	simm.s32 $0x5  }
0x1b: {  	[tilespmem:s2], [sflag:$0x5] =	stream.linear.gather [hbm4b:s31+s2], $0x80, $0x38;
	[tilespmem:$0x10080] =	vst v63  }
0x1c: {  	_ =	swait.ge [sflag:s24], $0x80  }
0x1d: {  	[sflag:s24] =	ssyncset.done $0x0  }
0x1e: {  	[sflag:s24] =	ssyncadd.s32 $0xFFFFFF80  }
0x1f: {  	v2 =	vld.msk [tilespmem:$0x0], $0xff;
	_ =	sdelay $0x4  }
0x20: {  	v3 =	vshll.u32 v2, $0x5  }
0x21: {  	v2 =	vand.u32 $0x7, v2;
	v3 =	vand.u32 $0xFFFFFF00, v3  }
0x22: {  	v2 =	vor.u32 v2, v3  }
0x23: {  	v2 =	vperm.xlane v2, v0;
	_ =	sdelay $0x1  }
0x24: {  	v2 =	vadd.s32 v1, v2;
	_ =	sdelay $0x4  }
0x25: {  	[tilespmem:s1], [sflag:$0x1] =	stream.indirect_vreg.gather [hbm4b:s3+s2], $0x80, v2, vm0, $0xb8;
	[tilespmem:$0x10080] =	vst v63  }
0x26: {  	s25 =	simm.s32 $0x880  }
0x27: {  	[tilespmem:s25], [sflag:$0x1] =	stream.indirect_vreg.gather [hbm4b:s4+s2], $0x80, v2, vm0, $0xb8;
	[tilespmem:$0x10080] =	vst v63  }
0x28: {  	s31 =	simm.s32 $0x1080  }
0x29: {  	[tilespmem:s31], [sflag:$0x1] =	stream.indirect_vreg.gather [hbm4b:s5+s2], $0x80, v2, vm0, $0xb8;
	[tilespmem:$0x10080] =	vst v63  }
0x2a: {  	s19 =	simm.s32 $0x1880  }
0x2b: {  	[tilespmem:s19], [sflag:$0x1] =	stream.indirect_vreg.gather [hbm4b:s6+s2], $0x80, v2, vm0, $0xb8;
	[tilespmem:$0x10080] =	vst v63  }
0x2c: {  	s20 =	simm.s32 $0x2080  }
0x2d: {  	[tilespmem:s20], [sflag:$0x1] =	stream.indirect_vreg.gather [hbm4b:s7+s2], $0x80, v2, vm0, $0xb8;
	[tilespmem:$0x10080] =	vst v63  }
0x2e: {  	s21 =	simm.s32 $0x2880  }
0x2f: {  	[tilespmem:s21], [sflag:$0x1] =	stream.indirect_vreg.gather [hbm4b:s8+s2], $0x80, v2, vm0, $0xb8;
	[tilespmem:$0x10080] =	vst v63  }
0x30: {  	s22 =	simm.s32 $0x3080  }
0x31: {  	[tilespmem:s22], [sflag:$0x1] =	stream.indirect_vreg.gather [hbm4b:s9+s2], $0x80, v2, vm0, $0xb8;
	[tilespmem:$0x10080] =	vst v63  }
0x32: {  	s23 =	simm.s32 $0x3880  }
0x33: {  	[tilespmem:s23], [sflag:$0x1] =	stream.indirect_vreg.gather [hbm4b:s10+s2], $0x80, v2, vm0, $0xb8;
	[tilespmem:$0x10080] =	vst v63  }
0x34: {  	s24 =	simm.s32 $0x4080  }
0x35: {  	[tilespmem:s24], [sflag:$0x1] =	stream.indirect_vreg.gather [hbm4b:s11+s2], $0x80, v2, vm0, $0xb8;
	[tilespmem:$0x10080] =	vst v63  }
0x36: {  	s25 =	simm.s32 $0x4880  }
0x37: {  	[tilespmem:s25], [sflag:$0x1] =	stream.indirect_vreg.gather [hbm4b:s12+s2], $0x80, v2, vm0, $0xb8;
	[tilespmem:$0x10080] =	vst v63  }
0x38: {  	s31 =	simm.s32 $0x5080  }
0x39: {  	[tilespmem:s31], [sflag:$0x1] =	stream.indirect_vreg.gather [hbm4b:s13+s2], $0x80, v2, vm0, $0xb8;
	[tilespmem:$0x10080] =	vst v63  }
0x3a: {  	s19 =	simm.s32 $0x5880  }
0x3b: {  	[tilespmem:s19], [sflag:$0x1] =	stream.indirect_vreg.gather [hbm4b:s14+s2], $0x80, v2, vm0, $0xb8;
	[tilespmem:$0x10080] =	vst v63  }
0x3c: {  	s20 =	simm.s32 $0x6080  }
0x3d: {  	[tilespmem:s20], [sflag:$0x1] =	stream.indirect_vreg.gather [hbm4b:s15+s2], $0x80, v2, vm0, $0xb8;
	[tilespmem:$0x10080] =	vst v63  }
0x3e: {  	s21 =	simm.s32 $0x6880  }
0x3f: {  	[tilespmem:s21], [sflag:$0x1] =	stream.indirect_vreg.gather [hbm4b:s16+s2], $0x80, v2, vm0, $0xb8;
	[tilespmem:$0x10080] =	vst v63  }
0x40: {  	s22 =	simm.s32 $0x7080  }
0x41: {  	[tilespmem:s22], [sflag:$0x1] =	stream.indirect_vreg.gather [hbm4b:s17+s2], $0x80, v2, vm0, $0xb8;
	[tilespmem:$0x10080] =	vst v63  }
0x42: {  	s23 =	simm.s32 $0x7880  }
0x43: {  	[tilespmem:s23], [sflag:$0x1] =	stream.indirect_vreg.gather [hbm4b:s18+s2], $0x80, v2, vm0, $0xb8;
	[tilespmem:$0x10080] =	vst v63  }
0x44: {  	v2 =	vld.msk [tilespmem:$0x8], $0xff;
	_ =	sdelay $0x4  }
0x45: {  	v3 =	vshll.u32 v2, $0x5  }
0x46: {  	v2 =	vand.u32 $0x7, v2;
	v3 =	vand.u32 $0xFFFFFF00, v3  }
0x47: {  	v2 =	vor.u32 v2, v3  }
0x48: {  	v2 =	vperm.xlane v2, v0;
	_ =	sdelay $0x1  }
0x49: {  	v2 =	vadd.s32 v1, v2;
	_ =	sdelay $0x3  }
0x4a: {  	s24 =	simm.s32 $0x8080  }
0x4b: {  	[tilespmem:s24], [sflag:$0x2] =	stream.indirect_vreg.gather [hbm4b:s3+s2], $0x80, v2, vm0, $0xb8;
	[tilespmem:$0x10080] =	vst v63  }
0x4c: {  	s25 =	simm.s32 $0x8880  }
0x4d: {  	[tilespmem:s25], [sflag:$0x2] =	stream.indirect_vreg.gather [hbm4b:s4+s2], $0x80, v2, vm0, $0xb8;
	[tilespmem:$0x10080] =	vst v63  }
0x4e: {  	s31 =	simm.s32 $0x9080  }
0x4f: {  	[tilespmem:s31], [sflag:$0x2] =	stream.indirect_vreg.gather [hbm4b:s5+s2], $0x80, v2, vm0, $0xb8;
	[tilespmem:$0x10080] =	vst v63  }
0x50: {  	s19 =	simm.s32 $0x9880  }
0x51: {  	[tilespmem:s19], [sflag:$0x2] =	stream.indirect_vreg.gather [hbm4b:s6+s2], $0x80, v2, vm0, $0xb8;
	[tilespmem:$0x10080] =	vst v63  }
0x52: {  	s20 =	simm.s32 $0xA080  }
0x53: {  	[tilespmem:s20], [sflag:$0x2] =	stream.indirect_vreg.gather [hbm4b:s7+s2], $0x80, v2, vm0, $0xb8;
	[tilespmem:$0x10080] =	vst v63  }
0x54: {  	s21 =	simm.s32 $0xA880  }
0x55: {  	[tilespmem:s21], [sflag:$0x2] =	stream.indirect_vreg.gather [hbm4b:s8+s2], $0x80, v2, vm0, $0xb8;
	[tilespmem:$0x10080] =	vst v63  }
0x56: {  	s22 =	simm.s32 $0xB080  }
0x57: {  	[tilespmem:s22], [sflag:$0x2] =	stream.indirect_vreg.gather [hbm4b:s9+s2], $0x80, v2, vm0, $0xb8;
	[tilespmem:$0x10080] =	vst v63  }
0x58: {  	s23 =	simm.s32 $0xB880  }
0x59: {  	[tilespmem:s23], [sflag:$0x2] =	stream.indirect_vreg.gather [hbm4b:s10+s2], $0x80, v2, vm0, $0xb8;
	[tilespmem:$0x10080] =	vst v63  }
0x5a: {  	s24 =	simm.s32 $0xC080  }
0x5b: {  	[tilespmem:s24], [sflag:$0x2] =	stream.indirect_vreg.gather [hbm4b:s11+s2], $0x80, v2, vm0, $0xb8;
	[tilespmem:$0x10080] =	vst v63  }
0x5c: {  	s25 =	simm.s32 $0xC880  }
0x5d: {  	[tilespmem:s25], [sflag:$0x2] =	stream.indirect_vreg.gather [hbm4b:s12+s2], $0x80, v2, vm0, $0xb8;
	[tilespmem:$0x10080] =	vst v63  }
0x5e: {  	s31 =	simm.s32 $0xD080  }
0x5f: {  	[tilespmem:s31], [sflag:$0x2] =	stream.indirect_vreg.gather [hbm4b:s13+s2], $0x80, v2, vm0, $0xb8;
	[tilespmem:$0x10080] =	vst v63  }
0x60: {  	s19 =	simm.s32 $0xD880  }
0x61: {  	[tilespmem:s19], [sflag:$0x2] =	stream.indirect_vreg.gather [hbm4b:s14+s2], $0x80, v2, vm0, $0xb8;
	[tilespmem:$0x10080] =	vst v63  }
0x62: {  	s20 =	simm.s32 $0xE080  }
0x63: {  	[tilespmem:s20], [sflag:$0x2] =	stream.indirect_vreg.gather [hbm4b:s15+s2], $0x80, v2, vm0, $0xb8;
	[tilespmem:$0x10080] =	vst v63  }
0x64: {  	s21 =	simm.s32 $0xE880  }
0x65: {  	[tilespmem:s21], [sflag:$0x2] =	stream.indirect_vreg.gather [hbm4b:s16+s2], $0x80, v2, vm0, $0xb8;
	[tilespmem:$0x10080] =	vst v63  }
0x66: {  	s22 =	simm.s32 $0xF080  }
0x67: {  	[tilespmem:s22], [sflag:$0x2] =	stream.indirect_vreg.gather [hbm4b:s17+s2], $0x80, v2, vm0, $0xb8;
	[tilespmem:$0x10080] =	vst v63  }
0x68: {  	s23 =	simm.s32 $0xF880  }
0x69: {  	[tilespmem:s23], [sflag:$0x2] =	stream.indirect_vreg.gather [hbm4b:s18+s2], $0x80, v2, vm0, $0xb8;
	[tilespmem:$0x10080] =	vst v63  }
0x6a: {  	_ =	swait.ge [sflag:s26], $0x8000  }
0x6b: {  	[sflag:s26] =	ssyncset.done $0x0  }
0x6c: {  	s24 =	rddreg [dreg:$0x4];
	[sflag:s26] =	ssyncadd.s32 $0xFFFF8000  }
0x6d: {  	[hbm4b:s24+s2] =	stream.linear.scatter [tilespmem:s1], [sflag:$0x3], $0x8000, $0x38;
	[tilespmem:$0x10080] =	vst v63  }
0x6e: {  	_ =	swait.ge [sflag:s28], $0x8000  }
0x6f: {  	[sflag:s28] =	ssyncset.done $0x0  }
0x70: {  	[sflag:s28] =	ssyncadd.s32 $0xFFFF8000  }
0x71: {  	v2 =	vld.msk [tilespmem:$0x10], $0xff;
	_ =	sdelay $0x4  }
0x72: {  	v3 =	vshll.u32 v2, $0x5  }
0x73: {  	v2 =	vand.u32 $0x7, v2;
	v3 =	vand.u32 $0xFFFFFF00, v3  }
0x74: {  	v2 =	vor.u32 v2, v3  }
0x75: {  	v2 =	vperm.xlane v2, v0;
	_ =	sdelay $0x1  }
0x76: {  	v2 =	vadd.s32 v1, v2;
	_ =	sdelay $0x4  }
0x77: {  	[tilespmem:s1], [sflag:$0x1] =	stream.indirect_vreg.gather [hbm4b:s3+s2], $0x80, v2, vm0, $0xb8;
	[tilespmem:$0x10080] =	vst v63  }
0x78: {  	s25 =	simm.s32 $0x880  }
0x79: {  	[tilespmem:s25], [sflag:$0x1] =	stream.indirect_vreg.gather [hbm4b:s4+s2], $0x80, v2, vm0, $0xb8;
	[tilespmem:$0x10080] =	vst v63  }
0x7a: {  	s19 =	simm.s32 $0x1080  }
0x7b: {  	[tilespmem:s19], [sflag:$0x1] =	stream.indirect_vreg.gather [hbm4b:s5+s2], $0x80, v2, vm0, $0xb8;
	[tilespmem:$0x10080] =	vst v63  }
0x7c: {  	s25 =	simm.s32 $0x1880  }
0x7d: {  	[tilespmem:s25], [sflag:$0x1] =	stream.indirect_vreg.gather [hbm4b:s6+s2], $0x80, v2, vm0, $0xb8;
	[tilespmem:$0x10080] =	vst v63  }
0x7e: {  	s20 =	simm.s32 $0x2080  }
0x7f: {  	[tilespmem:s20], [sflag:$0x1] =	stream.indirect_vreg.gather [hbm4b:s7+s2], $0x80, v2, vm0, $0xb8;
	[tilespmem:$0x10080] =	vst v63  }
0x80: {  	s22 =	simm.s32 $0x2880  }
0x81: {  	[tilespmem:s22], [sflag:$0x1] =	stream.indirect_vreg.gather [hbm4b:s8+s2], $0x80, v2, vm0, $0xb8;
	[tilespmem:$0x10080] =	vst v63  }
0x82: {  	s23 =	simm.s32 $0x3080  }
0x83: {  	[tilespmem:s23], [sflag:$0x1] =	stream.indirect_vreg.gather [hbm4b:s9+s2], $0x80, v2, vm0, $0xb8;
	[tilespmem:$0x10080] =	vst v63  }
0x84: {  	s24 =	simm.s32 $0x3880  }
0x85: {  	[tilespmem:s24], [sflag:$0x1] =	stream.indirect_vreg.gather [hbm4b:s10+s2], $0x80, v2, vm0, $0xb8;
	[tilespmem:$0x10080] =	vst v63  }
0x86: {  	s21 =	simm.s32 $0x4080  }
0x87: {  	[tilespmem:s21], [sflag:$0x1] =	stream.indirect_vreg.gather [hbm4b:s11+s2], $0x80, v2, vm0, $0xb8;
	[tilespmem:$0x10080] =	vst v63  }
0x88: {  	s31 =	simm.s32 $0x4880  }
0x89: {  	[tilespmem:s31], [sflag:$0x1] =	stream.indirect_vreg.gather [hbm4b:s12+s2], $0x80, v2, vm0, $0xb8;
	[tilespmem:$0x10080] =	vst v63  }
0x8a: {  	s31 =	simm.s32 $0x5080  }
0x8b: {  	[tilespmem:s31], [sflag:$0x1] =	stream.indirect_vreg.gather [hbm4b:s13+s2], $0x80, v2, vm0, $0xb8;
	[tilespmem:$0x10080] =	vst v63  }
0x8c: {  	s31 =	simm.s32 $0x5880  }
0x8d: {  	[tilespmem:s31], [sflag:$0x1] =	stream.indirect_vreg.gather [hbm4b:s14+s2], $0x80, v2, vm0, $0xb8;
	[tilespmem:$0x10080] =	vst v63  }
0x8e: {  	s31 =	simm.s32 $0x6080  }
0x8f: {  	[tilespmem:s31], [sflag:$0x1] =	stream.indirect_vreg.gather [hbm4b:s15+s2], $0x80, v2, vm0, $0xb8;
	[tilespmem:$0x10080] =	vst v63  }
0x90: {  	s31 =	simm.s32 $0x6880  }
0x91: {  	[tilespmem:s31], [sflag:$0x1] =	stream.indirect_vreg.gather [hbm4b:s16+s2], $0x80, v2, vm0, $0xb8;
	[tilespmem:$0x10080] =	vst v63  }
0x92: {  	s31 =	simm.s32 $0x7080  }
0x93: {  	[tilespmem:s31], [sflag:$0x1] =	stream.indirect_vreg.gather [hbm4b:s17+s2], $0x80, v2, vm0, $0xb8;
	[tilespmem:$0x10080] =	vst v63  }
0x94: {  	s31 =	simm.s32 $0x7880  }
0x95: {  	[tilespmem:s31], [sflag:$0x1] =	stream.indirect_vreg.gather [hbm4b:s18+s2], $0x80, v2, vm0, $0xb8;
	[tilespmem:$0x10080] =	vst v63  }
0x96: {  	_ =	swait.ge [sflag:s29], $0x8000  }
0x97: {  	[sflag:s29] =	ssyncset.done $0x0  }
0x98: {  	s0 =	simm.s32 $0x8080;
	s31 =	rddreg [dreg:$0x5];
	[sflag:s29] =	ssyncadd.s32 $0xFFFF8000  }
0x99: {  	[hbm4b:s31+s2] =	stream.linear.scatter [tilespmem:s0], [sflag:$0x4], $0x8000, $0x38;
	[tilespmem:$0x10080] =	vst v63  }
0x9a: {  	_ =	swait.ge [sflag:s30], $0x8000  }
0x9b: {  	[sflag:s30] =	ssyncset.done $0x0  }
0x9c: {  	[sflag:s30] =	ssyncadd.s32 $0xFFFF8000  }
0x9d: {  	v2 =	vld.msk [tilespmem:$0x18], $0xff;
	_ =	sdelay $0x4  }
0x9e: {  	v3 =	vshll.u32 v2, $0x5  }
0x9f: {  	v2 =	vand.u32 $0x7, v2;
	v3 =	vand.u32 $0xFFFFFF00, v3  }
0xa0: {  	v2 =	vor.u32 v2, v3  }
0xa1: {  	v2 =	vperm.xlane v2, v0;
	_ =	sdelay $0x1  }
0xa2: {  	v2 =	vadd.s32 v1, v2;
	_ =	sdelay $0x4  }
0xa3: {  	[tilespmem:s0], [sflag:$0x2] =	stream.indirect_vreg.gather [hbm4b:s3+s2], $0x80, v2, vm0, $0xb8;
	[tilespmem:$0x10080] =	vst v63  }
0xa4: {  	s31 =	simm.s32 $0x8880  }
0xa5: {  	[tilespmem:s31], [sflag:$0x2] =	stream.indirect_vreg.gather [hbm4b:s4+s2], $0x80, v2, vm0, $0xb8;
	[tilespmem:$0x10080] =	vst v63  }
0xa6: {  	s31 =	simm.s32 $0x9080  }
0xa7: {  	[tilespmem:s31], [sflag:$0x2] =	stream.indirect_vreg.gather [hbm4b:s5+s2], $0x80, v2, vm0, $0xb8;
	[tilespmem:$0x10080] =	vst v63  }
0xa8: {  	s31 =	simm.s32 $0x9880  }
0xa9: {  	[tilespmem:s31], [sflag:$0x2] =	stream.indirect_vreg.gather [hbm4b:s6+s2], $0x80, v2, vm0, $0xb8;
	[tilespmem:$0x10080] =	vst v63  }
0xaa: {  	s31 =	simm.s32 $0xA080  }
0xab: {  	[tilespmem:s31], [sflag:$0x2] =	stream.indirect_vreg.gather [hbm4b:s7+s2], $0x80, v2, vm0, $0xb8;
	[tilespmem:$0x10080] =	vst v63  }
0xac: {  	s31 =	simm.s32 $0xA880  }
0xad: {  	[tilespmem:s31], [sflag:$0x2] =	stream.indirect_vreg.gather [hbm4b:s8+s2], $0x80, v2, vm0, $0xb8;
	[tilespmem:$0x10080] =	vst v63  }
0xae: {  	s31 =	simm.s32 $0xB080  }
0xaf: {  	[tilespmem:s31], [sflag:$0x2] =	stream.indirect_vreg.gather [hbm4b:s9+s2], $0x80, v2, vm0, $0xb8;
	[tilespmem:$0x10080] =	vst v63  }
0xb0: {  	s31 =	simm.s32 $0xB880  }
0xb1: {  	[tilespmem:s31], [sflag:$0x2] =	stream.indirect_vreg.gather [hbm4b:s10+s2], $0x80, v2, vm0, $0xb8;
	[tilespmem:$0x10080] =	vst v63  }
0xb2: {  	s31 =	simm.s32 $0xC080  }
0xb3: {  	[tilespmem:s31], [sflag:$0x2] =	stream.indirect_vreg.gather [hbm4b:s11+s2], $0x80, v2, vm0, $0xb8;
	[tilespmem:$0x10080] =	vst v63  }
0xb4: {  	s31 =	simm.s32 $0xC880  }
0xb5: {  	[tilespmem:s31], [sflag:$0x2] =	stream.indirect_vreg.gather [hbm4b:s12+s2], $0x80, v2, vm0, $0xb8;
	[tilespmem:$0x10080] =	vst v63  }
0xb6: {  	s31 =	simm.s32 $0xD080  }
0xb7: {  	[tilespmem:s31], [sflag:$0x2] =	stream.indirect_vreg.gather [hbm4b:s13+s2], $0x80, v2, vm0, $0xb8;
	[tilespmem:$0x10080] =	vst v63  }
0xb8: {  	s31 =	simm.s32 $0xD880  }
0xb9: {  	[tilespmem:s31], [sflag:$0x2] =	stream.indirect_vreg.gather [hbm4b:s14+s2], $0x80, v2, vm0, $0xb8;
	[tilespmem:$0x10080] =	vst v63  }
0xba: {  	s31 =	simm.s32 $0xE080  }
0xbb: {  	[tilespmem:s31], [sflag:$0x2] =	stream.indirect_vreg.gather [hbm4b:s15+s2], $0x80, v2, vm0, $0xb8;
	[tilespmem:$0x10080] =	vst v63  }
0xbc: {  	s31 =	simm.s32 $0xE880  }
0xbd: {  	[tilespmem:s31], [sflag:$0x2] =	stream.indirect_vreg.gather [hbm4b:s16+s2], $0x80, v2, vm0, $0xb8;
	[tilespmem:$0x10080] =	vst v63  }
0xbe: {  	s31 =	simm.s32 $0xF080  }
0xbf: {  	[tilespmem:s31], [sflag:$0x2] =	stream.indirect_vreg.gather [hbm4b:s17+s2], $0x80, v2, vm0, $0xb8;
	[tilespmem:$0x10080] =	vst v63  }
0xc0: {  	s31 =	simm.s32 $0xF880  }
0xc1: {  	[tilespmem:s31], [sflag:$0x2] =	stream.indirect_vreg.gather [hbm4b:s18+s2], $0x80, v2, vm0, $0xb8;
	[tilespmem:$0x10080] =	vst v63  }
0xc2: {  	_ =	swait.ge [sflag:s26], $0x8000  }
0xc3: {  	[sflag:s26] =	ssyncset.done $0x0  }
0xc4: {  	s31 =	rddreg [dreg:$0x6];
	[sflag:s26] =	ssyncadd.s32 $0xFFFF8000  }
0xc5: {  	[hbm4b:s31+s2] =	stream.linear.scatter [tilespmem:s1], [sflag:$0x3], $0x8000, $0x38;
	[tilespmem:$0x10080] =	vst v63  }
0xc6: {  	_ =	swait.ge [sflag:s28], $0x8000  }
0xc7: {  	[sflag:s28] =	ssyncset.done $0x0  }
0xc8: {  	[sflag:s28] =	ssyncadd.s32 $0xFFFF8000  }
0xc9: {  	v2 =	vld.msk [tilespmem:$0x20], $0xff;
	_ =	sdelay $0x4  }
0xca: {  	v3 =	vshll.u32 v2, $0x5  }
0xcb: {  	v2 =	vand.u32 $0x7, v2;
	v3 =	vand.u32 $0xFFFFFF00, v3  }
0xcc: {  	v2 =	vor.u32 v2, v3  }
0xcd: {  	v2 =	vperm.xlane v2, v0;
	_ =	sdelay $0x1  }
0xce: {  	v2 =	vadd.s32 v1, v2;
	_ =	sdelay $0x4  }
0xcf: {  	[tilespmem:s1], [sflag:$0x1] =	stream.indirect_vreg.gather [hbm4b:s3+s2], $0x80, v2, vm0, $0xb8;
	[tilespmem:$0x10080] =	vst v63  }
0xd0: {  	s31 =	simm.s32 $0x880  }
0xd1: {  	[tilespmem:s31], [sflag:$0x1] =	stream.indirect_vreg.gather [hbm4b:s4+s2], $0x80, v2, vm0, $0xb8;
	[tilespmem:$0x10080] =	vst v63  }
0xd2: {  	_ = 	snop  }
0xd3: {  	[tilespmem:s19], [sflag:$0x1] =	stream.indirect_vreg.gather [hbm4b:s5+s2], $0x80, v2, vm0, $0xb8;
	[tilespmem:$0x10080] =	vst v63  }
0xd4: {  	_ = 	snop  }
0xd5: {  	[tilespmem:s25], [sflag:$0x1] =	stream.indirect_vreg.gather [hbm4b:s6+s2], $0x80, v2, vm0, $0xb8;
	[tilespmem:$0x10080] =	vst v63  }
0xd6: {  	_ = 	snop  }
0xd7: {  	[tilespmem:s20], [sflag:$0x1] =	stream.indirect_vreg.gather [hbm4b:s7+s2], $0x80, v2, vm0, $0xb8;
	[tilespmem:$0x10080] =	vst v63  }
0xd8: {  	_ = 	snop  }
0xd9: {  	[tilespmem:s22], [sflag:$0x1] =	stream.indirect_vreg.gather [hbm4b:s8+s2], $0x80, v2, vm0, $0xb8;
	[tilespmem:$0x10080] =	vst v63  }
0xda: {  	_ = 	snop  }
0xdb: {  	[tilespmem:s23], [sflag:$0x1] =	stream.indirect_vreg.gather [hbm4b:s9+s2], $0x80, v2, vm0, $0xb8;
	[tilespmem:$0x10080] =	vst v63  }
0xdc: {  	_ = 	snop  }
0xdd: {  	[tilespmem:s24], [sflag:$0x1] =	stream.indirect_vreg.gather [hbm4b:s10+s2], $0x80, v2, vm0, $0xb8;
	[tilespmem:$0x10080] =	vst v63  }
0xde: {  	_ = 	snop  }
0xdf: {  	[tilespmem:s21], [sflag:$0x1] =	stream.indirect_vreg.gather [hbm4b:s11+s2], $0x80, v2, vm0, $0xb8;
	[tilespmem:$0x10080] =	vst v63  }
0xe0: {  	s20 =	simm.s32 $0x4880  }
0xe1: {  	[tilespmem:s20], [sflag:$0x1] =	stream.indirect_vreg.gather [hbm4b:s12+s2], $0x80, v2, vm0, $0xb8;
	[tilespmem:$0x10080] =	vst v63  }
0xe2: {  	s21 =	simm.s32 $0x5080  }
0xe3: {  	[tilespmem:s21], [sflag:$0x1] =	stream.indirect_vreg.gather [hbm4b:s13+s2], $0x80, v2, vm0, $0xb8;
	[tilespmem:$0x10080] =	vst v63  }
0xe4: {  	s31 =	simm.s32 $0x5880  }
0xe5: {  	[tilespmem:s31], [sflag:$0x1] =	stream.indirect_vreg.gather [hbm4b:s14+s2], $0x80, v2, vm0, $0xb8;
	[tilespmem:$0x10080] =	vst v63  }
0xe6: {  	s20 =	simm.s32 $0x6080  }
0xe7: {  	[tilespmem:s20], [sflag:$0x1] =	stream.indirect_vreg.gather [hbm4b:s15+s2], $0x80, v2, vm0, $0xb8;
	[tilespmem:$0x10080] =	vst v63  }
0xe8: {  	s21 =	simm.s32 $0x6880  }
0xe9: {  	[tilespmem:s21], [sflag:$0x1] =	stream.indirect_vreg.gather [hbm4b:s16+s2], $0x80, v2, vm0, $0xb8;
	[tilespmem:$0x10080] =	vst v63  }
0xea: {  	s31 =	simm.s32 $0x7080  }
0xeb: {  	[tilespmem:s31], [sflag:$0x1] =	stream.indirect_vreg.gather [hbm4b:s17+s2], $0x80, v2, vm0, $0xb8;
	[tilespmem:$0x10080] =	vst v63  }
0xec: {  	s19 =	simm.s32 $0x7880  }
0xed: {  	[tilespmem:s19], [sflag:$0x1] =	stream.indirect_vreg.gather [hbm4b:s18+s2], $0x80, v2, vm0, $0xb8;
	[tilespmem:$0x10080] =	vst v63  }
0xee: {  	_ =	swait.ge [sflag:s29], $0x8000  }
0xef: {  	[sflag:s29] =	ssyncset.done $0x0  }
0xf0: {  	s0 =	simm.s32 $0x8080;
	s20 =	rddreg [dreg:$0x7];
	[sflag:s29] =	ssyncadd.s32 $0xFFFF8000  }
0xf1: {  	[hbm4b:s20+s2] =	stream.linear.scatter [tilespmem:s0], [sflag:$0x4], $0x8000, $0x38;
	[tilespmem:$0x10080] =	vst v63  }
0xf2: {  	_ =	swait.ge [sflag:s30], $0x8000  }
0xf3: {  	[sflag:s30] =	ssyncset.done $0x0  }
0xf4: {  	[sflag:s30] =	ssyncadd.s32 $0xFFFF8000  }
0xf5: {  	v2 =	vld.msk [tilespmem:$0x28], $0xff;
	_ =	sdelay $0x4  }
0xf6: {  	v3 =	vshll.u32 v2, $0x5  }
0xf7: {  	v2 =	vand.u32 $0x7, v2;
	v3 =	vand.u32 $0xFFFFFF00, v3  }
0xf8: {  	v2 =	vor.u32 v2, v3  }
0xf9: {  	v2 =	vperm.xlane v2, v0;
	_ =	sdelay $0x1  }
0xfa: {  	v2 =	vadd.s32 v1, v2;
	_ =	sdelay $0x4  }
0xfb: {  	[tilespmem:s0], [sflag:$0x2] =	stream.indirect_vreg.gather [hbm4b:s3+s2], $0x80, v2, vm0, $0xb8;
	[tilespmem:$0x10080] =	vst v63  }
0xfc: {  	s21 =	simm.s32 $0x8880  }
0xfd: {  	[tilespmem:s21], [sflag:$0x2] =	stream.indirect_vreg.gather [hbm4b:s4+s2], $0x80, v2, vm0, $0xb8;
	[tilespmem:$0x10080] =	vst v63  }
0xfe: {  	s31 =	simm.s32 $0x9080  }
0xff: {  	[tilespmem:s31], [sflag:$0x2] =	stream.indirect_vreg.gather [hbm4b:s5+s2], $0x80, v2, vm0, $0xb8;
	[tilespmem:$0x10080] =	vst v63  }
0x100: {  	s20 =	simm.s32 $0x9880  }
0x101: {  	[tilespmem:s20], [sflag:$0x2] =	stream.indirect_vreg.gather [hbm4b:s6+s2], $0x80, v2, vm0, $0xb8;
	[tilespmem:$0x10080] =	vst v63  }
0x102: {  	s21 =	simm.s32 $0xA080  }
0x103: {  	[tilespmem:s21], [sflag:$0x2] =	stream.indirect_vreg.gather [hbm4b:s7+s2], $0x80, v2, vm0, $0xb8;
	[tilespmem:$0x10080] =	vst v63  }
0x104: {  	s31 =	simm.s32 $0xA880  }
0x105: {  	[tilespmem:s31], [sflag:$0x2] =	stream.indirect_vreg.gather [hbm4b:s8+s2], $0x80, v2, vm0, $0xb8;
	[tilespmem:$0x10080] =	vst v63  }
0x106: {  	s20 =	simm.s32 $0xB080  }
0x107: {  	[tilespmem:s20], [sflag:$0x2] =	stream.indirect_vreg.gather [hbm4b:s9+s2], $0x80, v2, vm0, $0xb8;
	[tilespmem:$0x10080] =	vst v63  }
0x108: {  	s21 =	simm.s32 $0xB880  }
0x109: {  	[tilespmem:s21], [sflag:$0x2] =	stream.indirect_vreg.gather [hbm4b:s10+s2], $0x80, v2, vm0, $0xb8;
	[tilespmem:$0x10080] =	vst v63  }
0x10a: {  	s31 =	simm.s32 $0xC080  }
0x10b: {  	[tilespmem:s31], [sflag:$0x2] =	stream.indirect_vreg.gather [hbm4b:s11+s2], $0x80, v2, vm0, $0xb8;
	[tilespmem:$0x10080] =	vst v63  }
0x10c: {  	s20 =	simm.s32 $0xC880  }
0x10d: {  	[tilespmem:s20], [sflag:$0x2] =	stream.indirect_vreg.gather [hbm4b:s12+s2], $0x80, v2, vm0, $0xb8;
	[tilespmem:$0x10080] =	vst v63  }
0x10e: {  	s21 =	simm.s32 $0xD080  }
0x10f: {  	[tilespmem:s21], [sflag:$0x2] =	stream.indirect_vreg.gather [hbm4b:s13+s2], $0x80, v2, vm0, $0xb8;
	[tilespmem:$0x10080] =	vst v63  }
0x110: {  	s31 =	simm.s32 $0xD880  }
0x111: {  	[tilespmem:s31], [sflag:$0x2] =	stream.indirect_vreg.gather [hbm4b:s14+s2], $0x80, v2, vm0, $0xb8;
	[tilespmem:$0x10080] =	vst v63  }
0x112: {  	s20 =	simm.s32 $0xE080  }
0x113: {  	[tilespmem:s20], [sflag:$0x2] =	stream.indirect_vreg.gather [hbm4b:s15+s2], $0x80, v2, vm0, $0xb8;
	[tilespmem:$0x10080] =	vst v63  }
0x114: {  	s21 =	simm.s32 $0xE880  }
0x115: {  	[tilespmem:s21], [sflag:$0x2] =	stream.indirect_vreg.gather [hbm4b:s16+s2], $0x80, v2, vm0, $0xb8;
	[tilespmem:$0x10080] =	vst v63  }
0x116: {  	s31 =	simm.s32 $0xF080  }
0x117: {  	[tilespmem:s31], [sflag:$0x2] =	stream.indirect_vreg.gather [hbm4b:s17+s2], $0x80, v2, vm0, $0xb8;
	[tilespmem:$0x10080] =	vst v63  }
0x118: {  	s20 =	simm.s32 $0xF880  }
0x119: {  	[tilespmem:s20], [sflag:$0x2] =	stream.indirect_vreg.gather [hbm4b:s18+s2], $0x80, v2, vm0, $0xb8;
	[tilespmem:$0x10080] =	vst v63  }
0x11a: {  	_ =	swait.ge [sflag:s26], $0x8000  }
0x11b: {  	[sflag:s26] =	ssyncset.done $0x0  }
0x11c: {  	s21 =	rddreg [dreg:$0x8];
	[sflag:s26] =	ssyncadd.s32 $0xFFFF8000  }
0x11d: {  	[hbm4b:s21+s2] =	stream.linear.scatter [tilespmem:s1], [sflag:$0x3], $0x8000, $0x38;
	[tilespmem:$0x10080] =	vst v63  }
0x11e: {  	_ =	swait.ge [sflag:s28], $0x8000  }
0x11f: {  	[sflag:s28] =	ssyncset.done $0x0  }
0x120: {  	[sflag:s28] =	ssyncadd.s32 $0xFFFF8000  }
0x121: {  	v2 =	vld.msk [tilespmem:$0x30], $0xff;
	_ =	sdelay $0x4  }
0x122: {  	v3 =	vshll.u32 v2, $0x5  }
0x123: {  	v2 =	vand.u32 $0x7, v2;
	v3 =	vand.u32 $0xFFFFFF00, v3  }
0x124: {  	v2 =	vor.u32 v2, v3  }
0x125: {  	v2 =	vperm.xlane v2, v0;
	_ =	sdelay $0x1  }
0x126: {  	v2 =	vadd.s32 v1, v2;
	_ =	sdelay $0x4  }
0x127: {  	[tilespmem:s1], [sflag:$0x1] =	stream.indirect_vreg.gather [hbm4b:s3+s2], $0x80, v2, vm0, $0xb8;
	[tilespmem:$0x10080] =	vst v63  }
0x128: {  	s21 =	simm.s32 $0x880  }
0x129: {  	[tilespmem:s21], [sflag:$0x1] =	stream.indirect_vreg.gather [hbm4b:s4+s2], $0x80, v2, vm0, $0xb8;
	[tilespmem:$0x10080] =	vst v63  }
0x12a: {  	s20 =	simm.s32 $0x1080  }
0x12b: {  	[tilespmem:s20], [sflag:$0x1] =	stream.indirect_vreg.gather [hbm4b:s5+s2], $0x80, v2, vm0, $0xb8;
	[tilespmem:$0x10080] =	vst v63  }
0x12c: {  	s25 =	simm.s32 $0x1880  }
0x12d: {  	[tilespmem:s25], [sflag:$0x1] =	stream.indirect_vreg.gather [hbm4b:s6+s2], $0x80, v2, vm0, $0xb8;
	[tilespmem:$0x10080] =	vst v63  }
0x12e: {  	s31 =	simm.s32 $0x2080  }
0x12f: {  	[tilespmem:s31], [sflag:$0x1] =	stream.indirect_vreg.gather [hbm4b:s7+s2], $0x80, v2, vm0, $0xb8;
	[tilespmem:$0x10080] =	vst v63  }
0x130: {  	s22 =	simm.s32 $0x2880  }
0x131: {  	[tilespmem:s22], [sflag:$0x1] =	stream.indirect_vreg.gather [hbm4b:s8+s2], $0x80, v2, vm0, $0xb8;
	[tilespmem:$0x10080] =	vst v63  }
0x132: {  	s23 =	simm.s32 $0x3080  }
0x133: {  	[tilespmem:s23], [sflag:$0x1] =	stream.indirect_vreg.gather [hbm4b:s9+s2], $0x80, v2, vm0, $0xb8;
	[tilespmem:$0x10080] =	vst v63  }
0x134: {  	s24 =	simm.s32 $0x3880  }
0x135: {  	[tilespmem:s24], [sflag:$0x1] =	stream.indirect_vreg.gather [hbm4b:s10+s2], $0x80, v2, vm0, $0xb8;
	[tilespmem:$0x10080] =	vst v63  }
0x136: {  	s22 =	simm.s32 $0x4080  }
0x137: {  	[tilespmem:s22], [sflag:$0x1] =	stream.indirect_vreg.gather [hbm4b:s11+s2], $0x80, v2, vm0, $0xb8;
	[tilespmem:$0x10080] =	vst v63  }
0x138: {  	s23 =	simm.s32 $0x4880  }
0x139: {  	[tilespmem:s23], [sflag:$0x1] =	stream.indirect_vreg.gather [hbm4b:s12+s2], $0x80, v2, vm0, $0xb8;
	[tilespmem:$0x10080] =	vst v63  }
0x13a: {  	s24 =	simm.s32 $0x5080  }
0x13b: {  	[tilespmem:s24], [sflag:$0x1] =	stream.indirect_vreg.gather [hbm4b:s13+s2], $0x80, v2, vm0, $0xb8;
	[tilespmem:$0x10080] =	vst v63  }
0x13c: {  	s25 =	simm.s32 $0x5880  }
0x13d: {  	[tilespmem:s25], [sflag:$0x1] =	stream.indirect_vreg.gather [hbm4b:s14+s2], $0x80, v2, vm0, $0xb8;
	[tilespmem:$0x10080] =	vst v63  }
0x13e: {  	s31 =	simm.s32 $0x6080  }
0x13f: {  	[tilespmem:s31], [sflag:$0x1] =	stream.indirect_vreg.gather [hbm4b:s15+s2], $0x80, v2, vm0, $0xb8;
	[tilespmem:$0x10080] =	vst v63  }
0x140: {  	s22 =	simm.s32 $0x6880  }
0x141: {  	[tilespmem:s22], [sflag:$0x1] =	stream.indirect_vreg.gather [hbm4b:s16+s2], $0x80, v2, vm0, $0xb8;
	[tilespmem:$0x10080] =	vst v63  }
0x142: {  	s23 =	simm.s32 $0x7080  }
0x143: {  	[tilespmem:s23], [sflag:$0x1] =	stream.indirect_vreg.gather [hbm4b:s17+s2], $0x80, v2, vm0, $0xb8;
	[tilespmem:$0x10080] =	vst v63  }
0x144: {  	_ = 	snop  }
0x145: {  	[tilespmem:s19], [sflag:$0x1] =	stream.indirect_vreg.gather [hbm4b:s18+s2], $0x80, v2, vm0, $0xb8;
	[tilespmem:$0x10080] =	vst v63  }
0x146: {  	_ =	swait.ge [sflag:s29], $0x8000  }
0x147: {  	[sflag:s29] =	ssyncset.done $0x0  }
0x148: {  	s25 =	simm.s32 $0x8080;
	s24 =	rddreg [dreg:$0x9];
	[sflag:s29] =	ssyncadd.s32 $0xFFFF8000  }
0x149: {  	[hbm4b:s24+s2] =	stream.linear.scatter [tilespmem:s25], [sflag:$0x4], $0x8000, $0x38;
	[tilespmem:$0x10080] =	vst v63  }
0x14a: {  	_ =	swait.ge [sflag:s30], $0x8000  }
0x14b: {  	[sflag:s30] =	ssyncset.done $0x0  }
0x14c: {  	[sflag:s30] =	ssyncadd.s32 $0xFFFF8000  }
0x14d: {  	v2 =	vld.msk [tilespmem:$0x38], $0xff;
	_ =	sdelay $0x4  }
0x14e: {  	v3 =	vshll.u32 v2, $0x5  }
0x14f: {  	v2 =	vand.u32 $0x7, v2;
	v3 =	vand.u32 $0xFFFFFF00, v3  }
0x150: {  	v2 =	vor.u32 v2, v3  }
0x151: {  	v2 =	vperm.xlane v2, v0;
	_ =	sdelay $0x1  }
0x152: {  	v2 =	vadd.s32 v1, v2;
	_ =	sdelay $0x4  }
0x153: {  	[tilespmem:s25], [sflag:$0x2] =	stream.indirect_vreg.gather [hbm4b:s3+s2], $0x80, v2, vm0, $0xb8;
	[tilespmem:$0x10080] =	vst v63  }
0x154: {  	s19 =	simm.s32 $0x8880  }
0x155: {  	[tilespmem:s19], [sflag:$0x2] =	stream.indirect_vreg.gather [hbm4b:s4+s2], $0x80, v2, vm0, $0xb8;
	[tilespmem:$0x10080] =	vst v63  }
0x156: {  	s22 =	simm.s32 $0x9080  }
0x157: {  	[tilespmem:s22], [sflag:$0x2] =	stream.indirect_vreg.gather [hbm4b:s5+s2], $0x80, v2, vm0, $0xb8;
	[tilespmem:$0x10080] =	vst v63  }
0x158: {  	s23 =	simm.s32 $0x9880  }
0x159: {  	[tilespmem:s23], [sflag:$0x2] =	stream.indirect_vreg.gather [hbm4b:s6+s2], $0x80, v2, vm0, $0xb8;
	[tilespmem:$0x10080] =	vst v63  }
0x15a: {  	s24 =	simm.s32 $0xA080  }
0x15b: {  	[tilespmem:s24], [sflag:$0x2] =	stream.indirect_vreg.gather [hbm4b:s7+s2], $0x80, v2, vm0, $0xb8;
	[tilespmem:$0x10080] =	vst v63  }
0x15c: {  	s25 =	simm.s32 $0xA880  }
0x15d: {  	[tilespmem:s25], [sflag:$0x2] =	stream.indirect_vreg.gather [hbm4b:s8+s2], $0x80, v2, vm0, $0xb8;
	[tilespmem:$0x10080] =	vst v63  }
0x15e: {  	s31 =	simm.s32 $0xB080  }
0x15f: {  	[tilespmem:s31], [sflag:$0x2] =	stream.indirect_vreg.gather [hbm4b:s9+s2], $0x80, v2, vm0, $0xb8;
	[tilespmem:$0x10080] =	vst v63  }
0x160: {  	s31 =	simm.s32 $0xB880  }
0x161: {  	[tilespmem:s31], [sflag:$0x2] =	stream.indirect_vreg.gather [hbm4b:s10+s2], $0x80, v2, vm0, $0xb8;
	[tilespmem:$0x10080] =	vst v63  }
0x162: {  	s31 =	simm.s32 $0xC080  }
0x163: {  	[tilespmem:s31], [sflag:$0x2] =	stream.indirect_vreg.gather [hbm4b:s11+s2], $0x80, v2, vm0, $0xb8;
	[tilespmem:$0x10080] =	vst v63  }
0x164: {  	s31 =	simm.s32 $0xC880  }
0x165: {  	[tilespmem:s31], [sflag:$0x2] =	stream.indirect_vreg.gather [hbm4b:s12+s2], $0x80, v2, vm0, $0xb8;
	[tilespmem:$0x10080] =	vst v63  }
0x166: {  	s31 =	simm.s32 $0xD080  }
0x167: {  	[tilespmem:s31], [sflag:$0x2] =	stream.indirect_vreg.gather [hbm4b:s13+s2], $0x80, v2, vm0, $0xb8;
	[tilespmem:$0x10080] =	vst v63  }
0x168: {  	s31 =	simm.s32 $0xD880  }
0x169: {  	[tilespmem:s31], [sflag:$0x2] =	stream.indirect_vreg.gather [hbm4b:s14+s2], $0x80, v2, vm0, $0xb8;
	[tilespmem:$0x10080] =	vst v63  }
0x16a: {  	s31 =	simm.s32 $0xE080  }
0x16b: {  	[tilespmem:s31], [sflag:$0x2] =	stream.indirect_vreg.gather [hbm4b:s15+s2], $0x80, v2, vm0, $0xb8;
	[tilespmem:$0x10080] =	vst v63  }
0x16c: {  	s31 =	simm.s32 $0xE880  }
0x16d: {  	[tilespmem:s31], [sflag:$0x2] =	stream.indirect_vreg.gather [hbm4b:s16+s2], $0x80, v2, vm0, $0xb8;
	[tilespmem:$0x10080] =	vst v63  }
0x16e: {  	s31 =	simm.s32 $0xF080  }
0x16f: {  	[tilespmem:s31], [sflag:$0x2] =	stream.indirect_vreg.gather [hbm4b:s17+s2], $0x80, v2, vm0, $0xb8;
	[tilespmem:$0x10080] =	vst v63  }
0x170: {  	s31 =	simm.s32 $0xF880  }
0x171: {  	[tilespmem:s31], [sflag:$0x2] =	stream.indirect_vreg.gather [hbm4b:s18+s2], $0x80, v2, vm0, $0xb8;
	[tilespmem:$0x10080] =	vst v63  }
0x172: {  	_ =	swait.ge [sflag:s26], $0x8000  }
0x173: {  	[sflag:s26] =	ssyncset.done $0x0  }
0x174: {  	s31 =	rddreg [dreg:$0xa];
	[sflag:s26] =	ssyncadd.s32 $0xFFFF8000  }
0x175: {  	[hbm4b:s31+s2] =	stream.linear.scatter [tilespmem:s1], [sflag:$0x3], $0x8000, $0x38;
	[tilespmem:$0x10080] =	vst v63  }
0x176: {  	_ =	swait.ge [sflag:s28], $0x8000  }
0x177: {  	[sflag:s28] =	ssyncset.done $0x0  }
0x178: {  	[sflag:s28] =	ssyncadd.s32 $0xFFFF8000  }
0x179: {  	v2 =	vld.msk [tilespmem:$0x40], $0xff;
	_ =	sdelay $0x4  }
0x17a: {  	v3 =	vshll.u32 v2, $0x5  }
0x17b: {  	v2 =	vand.u32 $0x7, v2;
	v3 =	vand.u32 $0xFFFFFF00, v3  }
0x17c: {  	v2 =	vor.u32 v2, v3  }
0x17d: {  	v2 =	vperm.xlane v2, v0;
	_ =	sdelay $0x1  }
0x17e: {  	v2 =	vadd.s32 v1, v2;
	_ =	sdelay $0x4  }
0x17f: {  	[tilespmem:s1], [sflag:$0x1] =	stream.indirect_vreg.gather [hbm4b:s3+s2], $0x80, v2, vm0, $0xb8;
	[tilespmem:$0x10080] =	vst v63  }
0x180: {  	_ = 	snop  }
0x181: {  	[tilespmem:s21], [sflag:$0x1] =	stream.indirect_vreg.gather [hbm4b:s4+s2], $0x80, v2, vm0, $0xb8;
	[tilespmem:$0x10080] =	vst v63  }
0x182: {  	_ = 	snop  }
0x183: {  	[tilespmem:s20], [sflag:$0x1] =	stream.indirect_vreg.gather [hbm4b:s5+s2], $0x80, v2, vm0, $0xb8;
	[tilespmem:$0x10080] =	vst v63  }
0x184: {  	s20 =	simm.s32 $0x1880  }
0x185: {  	[tilespmem:s20], [sflag:$0x1] =	stream.indirect_vreg.gather [hbm4b:s6+s2], $0x80, v2, vm0, $0xb8;
	[tilespmem:$0x10080] =	vst v63  }
0x186: {  	s31 =	simm.s32 $0x2080  }
0x187: {  	[tilespmem:s31], [sflag:$0x1] =	stream.indirect_vreg.gather [hbm4b:s7+s2], $0x80, v2, vm0, $0xb8;
	[tilespmem:$0x10080] =	vst v63  }
0x188: {  	s31 =	simm.s32 $0x2880  }
0x189: {  	[tilespmem:s31], [sflag:$0x1] =	stream.indirect_vreg.gather [hbm4b:s8+s2], $0x80, v2, vm0, $0xb8;
	[tilespmem:$0x10080] =	vst v63  }
0x18a: {  	s31 =	simm.s32 $0x3080  }
0x18b: {  	[tilespmem:s31], [sflag:$0x1] =	stream.indirect_vreg.gather [hbm4b:s9+s2], $0x80, v2, vm0, $0xb8;
	[tilespmem:$0x10080] =	vst v63  }
0x18c: {  	s31 =	simm.s32 $0x3880  }
0x18d: {  	[tilespmem:s31], [sflag:$0x1] =	stream.indirect_vreg.gather [hbm4b:s10+s2], $0x80, v2, vm0, $0xb8;
	[tilespmem:$0x10080] =	vst v63  }
0x18e: {  	s31 =	simm.s32 $0x4080  }
0x18f: {  	[tilespmem:s31], [sflag:$0x1] =	stream.indirect_vreg.gather [hbm4b:s11+s2], $0x80, v2, vm0, $0xb8;
	[tilespmem:$0x10080] =	vst v63  }
0x190: {  	s31 =	simm.s32 $0x4880  }
0x191: {  	[tilespmem:s31], [sflag:$0x1] =	stream.indirect_vreg.gather [hbm4b:s12+s2], $0x80, v2, vm0, $0xb8;
	[tilespmem:$0x10080] =	vst v63  }
0x192: {  	s31 =	simm.s32 $0x5080  }
0x193: {  	[tilespmem:s31], [sflag:$0x1] =	stream.indirect_vreg.gather [hbm4b:s13+s2], $0x80, v2, vm0, $0xb8;
	[tilespmem:$0x10080] =	vst v63  }
0x194: {  	s31 =	simm.s32 $0x5880  }
0x195: {  	[tilespmem:s31], [sflag:$0x1] =	stream.indirect_vreg.gather [hbm4b:s14+s2], $0x80, v2, vm0, $0xb8;
	[tilespmem:$0x10080] =	vst v63  }
0x196: {  	s31 =	simm.s32 $0x6080  }
0x197: {  	[tilespmem:s31], [sflag:$0x1] =	stream.indirect_vreg.gather [hbm4b:s15+s2], $0x80, v2, vm0, $0xb8;
	[tilespmem:$0x10080] =	vst v63  }
0x198: {  	s31 =	simm.s32 $0x6880  }
0x199: {  	[tilespmem:s31], [sflag:$0x1] =	stream.indirect_vreg.gather [hbm4b:s16+s2], $0x80, v2, vm0, $0xb8;
	[tilespmem:$0x10080] =	vst v63  }
0x19a: {  	s31 =	simm.s32 $0x7080  }
0x19b: {  	[tilespmem:s31], [sflag:$0x1] =	stream.indirect_vreg.gather [hbm4b:s17+s2], $0x80, v2, vm0, $0xb8;
	[tilespmem:$0x10080] =	vst v63  }
0x19c: {  	s21 =	simm.s32 $0x7880  }
0x19d: {  	[tilespmem:s21], [sflag:$0x1] =	stream.indirect_vreg.gather [hbm4b:s18+s2], $0x80, v2, vm0, $0xb8;
	[tilespmem:$0x10080] =	vst v63  }
0x19e: {  	_ =	swait.ge [sflag:s29], $0x8000  }
0x19f: {  	[sflag:s29] =	ssyncset.done $0x0  }
0x1a0: {  	s0 =	simm.s32 $0x8080;
	s31 =	rddreg [dreg:$0xb];
	[sflag:s29] =	ssyncadd.s32 $0xFFFF8000  }
0x1a1: {  	[hbm4b:s31+s2] =	stream.linear.scatter [tilespmem:s0], [sflag:$0x4], $0x8000, $0x38;
	[tilespmem:$0x10080] =	vst v63  }
0x1a2: {  	_ =	swait.ge [sflag:s30], $0x8000  }
0x1a3: {  	[sflag:s30] =	ssyncset.done $0x0  }
0x1a4: {  	[sflag:s30] =	ssyncadd.s32 $0xFFFF8000  }
0x1a5: {  	v2 =	vld.msk [tilespmem:$0x48], $0xff;
	_ =	sdelay $0x4  }
0x1a6: {  	v3 =	vshll.u32 v2, $0x5  }
0x1a7: {  	v2 =	vand.u32 $0x7, v2;
	v3 =	vand.u32 $0xFFFFFF00, v3  }
0x1a8: {  	v2 =	vor.u32 v2, v3  }
0x1a9: {  	v2 =	vperm.xlane v2, v0;
	_ =	sdelay $0x1  }
0x1aa: {  	v2 =	vadd.s32 v1, v2;
	_ =	sdelay $0x4  }
0x1ab: {  	[tilespmem:s0], [sflag:$0x2] =	stream.indirect_vreg.gather [hbm4b:s3+s2], $0x80, v2, vm0, $0xb8;
	[tilespmem:$0x10080] =	vst v63  }
0x1ac: {  	_ = 	snop  }
0x1ad: {  	[tilespmem:s19], [sflag:$0x2] =	stream.indirect_vreg.gather [hbm4b:s4+s2], $0x80, v2, vm0, $0xb8;
	[tilespmem:$0x10080] =	vst v63  }
0x1ae: {  	_ = 	snop  }
0x1af: {  	[tilespmem:s22], [sflag:$0x2] =	stream.indirect_vreg.gather [hbm4b:s5+s2], $0x80, v2, vm0, $0xb8;
	[tilespmem:$0x10080] =	vst v63  }
0x1b0: {  	_ = 	snop  }
0x1b1: {  	[tilespmem:s23], [sflag:$0x2] =	stream.indirect_vreg.gather [hbm4b:s6+s2], $0x80, v2, vm0, $0xb8;
	[tilespmem:$0x10080] =	vst v63  }
0x1b2: {  	_ = 	snop  }
0x1b3: {  	[tilespmem:s24], [sflag:$0x2] =	stream.indirect_vreg.gather [hbm4b:s7+s2], $0x80, v2, vm0, $0xb8;
	[tilespmem:$0x10080] =	vst v63  }
0x1b4: {  	_ = 	snop  }
0x1b5: {  	[tilespmem:s25], [sflag:$0x2] =	stream.indirect_vreg.gather [hbm4b:s8+s2], $0x80, v2, vm0, $0xb8;
	[tilespmem:$0x10080] =	vst v63  }
0x1b6: {  	s31 =	simm.s32 $0xB080  }
0x1b7: {  	[tilespmem:s31], [sflag:$0x2] =	stream.indirect_vreg.gather [hbm4b:s9+s2], $0x80, v2, vm0, $0xb8;
	[tilespmem:$0x10080] =	vst v63  }
0x1b8: {  	s31 =	simm.s32 $0xB880  }
0x1b9: {  	[tilespmem:s31], [sflag:$0x2] =	stream.indirect_vreg.gather [hbm4b:s10+s2], $0x80, v2, vm0, $0xb8;
	[tilespmem:$0x10080] =	vst v63  }
0x1ba: {  	s31 =	simm.s32 $0xC080  }
0x1bb: {  	[tilespmem:s31], [sflag:$0x2] =	stream.indirect_vreg.gather [hbm4b:s11+s2], $0x80, v2, vm0, $0xb8;
	[tilespmem:$0x10080] =	vst v63  }
0x1bc: {  	s31 =	simm.s32 $0xC880  }
0x1bd: {  	[tilespmem:s31], [sflag:$0x2] =	stream.indirect_vreg.gather [hbm4b:s12+s2], $0x80, v2, vm0, $0xb8;
	[tilespmem:$0x10080] =	vst v63  }
0x1be: {  	s31 =	simm.s32 $0xD080  }
0x1bf: {  	[tilespmem:s31], [sflag:$0x2] =	stream.indirect_vreg.gather [hbm4b:s13+s2], $0x80, v2, vm0, $0xb8;
	[tilespmem:$0x10080] =	vst v63  }
0x1c0: {  	s31 =	simm.s32 $0xD880  }
0x1c1: {  	[tilespmem:s31], [sflag:$0x2] =	stream.indirect_vreg.gather [hbm4b:s14+s2], $0x80, v2, vm0, $0xb8;
	[tilespmem:$0x10080] =	vst v63  }
0x1c2: {  	s31 =	simm.s32 $0xE080  }
0x1c3: {  	[tilespmem:s31], [sflag:$0x2] =	stream.indirect_vreg.gather [hbm4b:s15+s2], $0x80, v2, vm0, $0xb8;
	[tilespmem:$0x10080] =	vst v63  }
0x1c4: {  	s31 =	simm.s32 $0xE880  }
0x1c5: {  	[tilespmem:s31], [sflag:$0x2] =	stream.indirect_vreg.gather [hbm4b:s16+s2], $0x80, v2, vm0, $0xb8;
	[tilespmem:$0x10080] =	vst v63  }
0x1c6: {  	s31 =	simm.s32 $0xF080  }
0x1c7: {  	[tilespmem:s31], [sflag:$0x2] =	stream.indirect_vreg.gather [hbm4b:s17+s2], $0x80, v2, vm0, $0xb8;
	[tilespmem:$0x10080] =	vst v63  }
0x1c8: {  	s31 =	simm.s32 $0xF880  }
0x1c9: {  	[tilespmem:s31], [sflag:$0x2] =	stream.indirect_vreg.gather [hbm4b:s18+s2], $0x80, v2, vm0, $0xb8;
	[tilespmem:$0x10080] =	vst v63  }
0x1ca: {  	_ =	swait.ge [sflag:s26], $0x8000  }
0x1cb: {  	[sflag:s26] =	ssyncset.done $0x0  }
0x1cc: {  	s0 =	rddreg [dreg:$0xc];
	[sflag:s26] =	ssyncadd.s32 $0xFFFF8000  }
0x1cd: {  	[hbm4b:s0+s2] =	stream.linear.scatter [tilespmem:s1], [sflag:$0x3], $0x8000, $0x38;
	[tilespmem:$0x10080] =	vst v63  }
0x1ce: {  	_ =	swait.ge [sflag:s28], $0x8000  }
0x1cf: {  	[sflag:s28] =	ssyncset.done $0x0  }
0x1d0: {  	[sflag:s28] =	ssyncadd.s32 $0xFFFF8000  }
0x1d1: {  	v2 =	vld.msk [tilespmem:$0x50], $0xff;
	_ =	sdelay $0x4  }
0x1d2: {  	v3 =	vshll.u32 v2, $0x5  }
0x1d3: {  	v2 =	vand.u32 $0x7, v2;
	v3 =	vand.u32 $0xFFFFFF00, v3  }
0x1d4: {  	v2 =	vor.u32 v2, v3  }
0x1d5: {  	v2 =	vperm.xlane v2, v0;
	_ =	sdelay $0x1  }
0x1d6: {  	v2 =	vadd.s32 v1, v2;
	_ =	sdelay $0x4  }
0x1d7: {  	[tilespmem:s1], [sflag:$0x1] =	stream.indirect_vreg.gather [hbm4b:s3+s2], $0x80, v2, vm0, $0xb8;
	[tilespmem:$0x10080] =	vst v63  }
0x1d8: {  	s31 =	simm.s32 $0x880  }
0x1d9: {  	[tilespmem:s31], [sflag:$0x1] =	stream.indirect_vreg.gather [hbm4b:s4+s2], $0x80, v2, vm0, $0xb8;
	[tilespmem:$0x10080] =	vst v63  }
0x1da: {  	s31 =	simm.s32 $0x1080  }
0x1db: {  	[tilespmem:s31], [sflag:$0x1] =	stream.indirect_vreg.gather [hbm4b:s5+s2], $0x80, v2, vm0, $0xb8;
	[tilespmem:$0x10080] =	vst v63  }
0x1dc: {  	_ = 	snop  }
0x1dd: {  	[tilespmem:s20], [sflag:$0x1] =	stream.indirect_vreg.gather [hbm4b:s6+s2], $0x80, v2, vm0, $0xb8;
	[tilespmem:$0x10080] =	vst v63  }
0x1de: {  	s31 =	simm.s32 $0x2080  }
0x1df: {  	[tilespmem:s31], [sflag:$0x1] =	stream.indirect_vreg.gather [hbm4b:s7+s2], $0x80, v2, vm0, $0xb8;
	[tilespmem:$0x10080] =	vst v63  }
0x1e0: {  	s20 =	simm.s32 $0x2880  }
0x1e1: {  	[tilespmem:s20], [sflag:$0x1] =	stream.indirect_vreg.gather [hbm4b:s8+s2], $0x80, v2, vm0, $0xb8;
	[tilespmem:$0x10080] =	vst v63  }
0x1e2: {  	s31 =	simm.s32 $0x3080  }
0x1e3: {  	[tilespmem:s31], [sflag:$0x1] =	stream.indirect_vreg.gather [hbm4b:s9+s2], $0x80, v2, vm0, $0xb8;
	[tilespmem:$0x10080] =	vst v63  }
0x1e4: {  	s20 =	simm.s32 $0x3880  }
0x1e5: {  	[tilespmem:s20], [sflag:$0x1] =	stream.indirect_vreg.gather [hbm4b:s10+s2], $0x80, v2, vm0, $0xb8;
	[tilespmem:$0x10080] =	vst v63  }
0x1e6: {  	s31 =	simm.s32 $0x4080  }
0x1e7: {  	[tilespmem:s31], [sflag:$0x1] =	stream.indirect_vreg.gather [hbm4b:s11+s2], $0x80, v2, vm0, $0xb8;
	[tilespmem:$0x10080] =	vst v63  }
0x1e8: {  	s20 =	simm.s32 $0x4880  }
0x1e9: {  	[tilespmem:s20], [sflag:$0x1] =	stream.indirect_vreg.gather [hbm4b:s12+s2], $0x80, v2, vm0, $0xb8;
	[tilespmem:$0x10080] =	vst v63  }
0x1ea: {  	s31 =	simm.s32 $0x5080  }
0x1eb: {  	[tilespmem:s31], [sflag:$0x1] =	stream.indirect_vreg.gather [hbm4b:s13+s2], $0x80, v2, vm0, $0xb8;
	[tilespmem:$0x10080] =	vst v63  }
0x1ec: {  	s20 =	simm.s32 $0x5880  }
0x1ed: {  	[tilespmem:s20], [sflag:$0x1] =	stream.indirect_vreg.gather [hbm4b:s14+s2], $0x80, v2, vm0, $0xb8;
	[tilespmem:$0x10080] =	vst v63  }
0x1ee: {  	s31 =	simm.s32 $0x6080  }
0x1ef: {  	[tilespmem:s31], [sflag:$0x1] =	stream.indirect_vreg.gather [hbm4b:s15+s2], $0x80, v2, vm0, $0xb8;
	[tilespmem:$0x10080] =	vst v63  }
0x1f0: {  	s20 =	simm.s32 $0x6880  }
0x1f1: {  	[tilespmem:s20], [sflag:$0x1] =	stream.indirect_vreg.gather [hbm4b:s16+s2], $0x80, v2, vm0, $0xb8;
	[tilespmem:$0x10080] =	vst v63  }
0x1f2: {  	s31 =	simm.s32 $0x7080  }
0x1f3: {  	[tilespmem:s31], [sflag:$0x1] =	stream.indirect_vreg.gather [hbm4b:s17+s2], $0x80, v2, vm0, $0xb8;
	[tilespmem:$0x10080] =	vst v63  }
0x1f4: {  	_ = 	snop  }
0x1f5: {  	[tilespmem:s21], [sflag:$0x1] =	stream.indirect_vreg.gather [hbm4b:s18+s2], $0x80, v2, vm0, $0xb8;
	[tilespmem:$0x10080] =	vst v63  }
0x1f6: {  	_ =	swait.ge [sflag:s29], $0x8000  }
0x1f7: {  	[sflag:s29] =	ssyncset.done $0x0  }
0x1f8: {  	s21 =	simm.s32 $0x8080;
	s0 =	rddreg [dreg:$0xd];
	[sflag:s29] =	ssyncadd.s32 $0xFFFF8000  }
0x1f9: {  	[hbm4b:s0+s2] =	stream.linear.scatter [tilespmem:s21], [sflag:$0x4], $0x8000, $0x38;
	[tilespmem:$0x10080] =	vst v63  }
0x1fa: {  	_ =	swait.ge [sflag:s30], $0x8000  }
0x1fb: {  	[sflag:s30] =	ssyncset.done $0x0  }
0x1fc: {  	[sflag:s30] =	ssyncadd.s32 $0xFFFF8000  }
0x1fd: {  	v2 =	vld.msk [tilespmem:$0x58], $0xff;
	_ =	sdelay $0x4  }
0x1fe: {  	v3 =	vshll.u32 v2, $0x5  }
0x1ff: {  	v2 =	vand.u32 $0x7, v2;
	v3 =	vand.u32 $0xFFFFFF00, v3  }
0x200: {  	v2 =	vor.u32 v2, v3  }
0x201: {  	v2 =	vperm.xlane v2, v0;
	_ =	sdelay $0x1  }
0x202: {  	v2 =	vadd.s32 v1, v2;
	_ =	sdelay $0x4  }
0x203: {  	[tilespmem:s21], [sflag:$0x2] =	stream.indirect_vreg.gather [hbm4b:s3+s2], $0x80, v2, vm0, $0xb8;
	[tilespmem:$0x10080] =	vst v63  }
0x204: {  	s19 =	simm.s32 $0x8880  }
0x205: {  	[tilespmem:s19], [sflag:$0x2] =	stream.indirect_vreg.gather [hbm4b:s4+s2], $0x80, v2, vm0, $0xb8;
	[tilespmem:$0x10080] =	vst v63  }
0x206: {  	s22 =	simm.s32 $0x9080  }
0x207: {  	[tilespmem:s22], [sflag:$0x2] =	stream.indirect_vreg.gather [hbm4b:s5+s2], $0x80, v2, vm0, $0xb8;
	[tilespmem:$0x10080] =	vst v63  }
0x208: {  	s23 =	simm.s32 $0x9880  }
0x209: {  	[tilespmem:s23], [sflag:$0x2] =	stream.indirect_vreg.gather [hbm4b:s6+s2], $0x80, v2, vm0, $0xb8;
	[tilespmem:$0x10080] =	vst v63  }
0x20a: {  	s24 =	simm.s32 $0xA080  }
0x20b: {  	[tilespmem:s24], [sflag:$0x2] =	stream.indirect_vreg.gather [hbm4b:s7+s2], $0x80, v2, vm0, $0xb8;
	[tilespmem:$0x10080] =	vst v63  }
0x20c: {  	s25 =	simm.s32 $0xA880  }
0x20d: {  	[tilespmem:s25], [sflag:$0x2] =	stream.indirect_vreg.gather [hbm4b:s8+s2], $0x80, v2, vm0, $0xb8;
	[tilespmem:$0x10080] =	vst v63  }
0x20e: {  	s23 =	simm.s32 $0xB080  }
0x20f: {  	[tilespmem:s23], [sflag:$0x2] =	stream.indirect_vreg.gather [hbm4b:s9+s2], $0x80, v2, vm0, $0xb8;
	[tilespmem:$0x10080] =	vst v63  }
0x210: {  	s24 =	simm.s32 $0xB880  }
0x211: {  	[tilespmem:s24], [sflag:$0x2] =	stream.indirect_vreg.gather [hbm4b:s10+s2], $0x80, v2, vm0, $0xb8;
	[tilespmem:$0x10080] =	vst v63  }
0x212: {  	s25 =	simm.s32 $0xC080  }
0x213: {  	[tilespmem:s25], [sflag:$0x2] =	stream.indirect_vreg.gather [hbm4b:s11+s2], $0x80, v2, vm0, $0xb8;
	[tilespmem:$0x10080] =	vst v63  }
0x214: {  	s31 =	simm.s32 $0xC880  }
0x215: {  	[tilespmem:s31], [sflag:$0x2] =	stream.indirect_vreg.gather [hbm4b:s12+s2], $0x80, v2, vm0, $0xb8;
	[tilespmem:$0x10080] =	vst v63  }
0x216: {  	s21 =	simm.s32 $0xD080  }
0x217: {  	[tilespmem:s21], [sflag:$0x2] =	stream.indirect_vreg.gather [hbm4b:s13+s2], $0x80, v2, vm0, $0xb8;
	[tilespmem:$0x10080] =	vst v63  }
0x218: {  	s22 =	simm.s32 $0xD880  }
0x219: {  	[tilespmem:s22], [sflag:$0x2] =	stream.indirect_vreg.gather [hbm4b:s14+s2], $0x80, v2, vm0, $0xb8;
	[tilespmem:$0x10080] =	vst v63  }
0x21a: {  	s23 =	simm.s32 $0xE080  }
0x21b: {  	[tilespmem:s23], [sflag:$0x2] =	stream.indirect_vreg.gather [hbm4b:s15+s2], $0x80, v2, vm0, $0xb8;
	[tilespmem:$0x10080] =	vst v63  }
0x21c: {  	s24 =	simm.s32 $0xE880  }
0x21d: {  	[tilespmem:s24], [sflag:$0x2] =	stream.indirect_vreg.gather [hbm4b:s16+s2], $0x80, v2, vm0, $0xb8;
	[tilespmem:$0x10080] =	vst v63  }
0x21e: {  	s25 =	simm.s32 $0xF080  }
0x21f: {  	[tilespmem:s25], [sflag:$0x2] =	stream.indirect_vreg.gather [hbm4b:s17+s2], $0x80, v2, vm0, $0xb8;
	[tilespmem:$0x10080] =	vst v63  }
0x220: {  	s31 =	simm.s32 $0xF880  }
0x221: {  	[tilespmem:s31], [sflag:$0x2] =	stream.indirect_vreg.gather [hbm4b:s18+s2], $0x80, v2, vm0, $0xb8;
	[tilespmem:$0x10080] =	vst v63  }
0x222: {  	_ =	swait.ge [sflag:s26], $0x8000  }
0x223: {  	[sflag:s26] =	ssyncset.done $0x0  }
0x224: {  	s19 =	rddreg [dreg:$0xe];
	[sflag:s26] =	ssyncadd.s32 $0xFFFF8000  }
0x225: {  	[hbm4b:s19+s2] =	stream.linear.scatter [tilespmem:s1], [sflag:$0x3], $0x8000, $0x38;
	[tilespmem:$0x10080] =	vst v63  }
0x226: {  	_ =	swait.ge [sflag:s28], $0x8000  }
0x227: {  	[sflag:s28] =	ssyncset.done $0x0  }
0x228: {  	[sflag:s28] =	ssyncadd.s32 $0xFFFF8000  }
0x229: {  	v2 =	vld.msk [tilespmem:$0x60], $0xff;
	_ =	sdelay $0x4  }
0x22a: {  	v3 =	vshll.u32 v2, $0x5  }
0x22b: {  	v2 =	vand.u32 $0x7, v2;
	v3 =	vand.u32 $0xFFFFFF00, v3  }
0x22c: {  	v2 =	vor.u32 v2, v3  }
0x22d: {  	v2 =	vperm.xlane v2, v0;
	_ =	sdelay $0x1  }
0x22e: {  	v2 =	vadd.s32 v1, v2;
	_ =	sdelay $0x4  }
0x22f: {  	[tilespmem:s1], [sflag:$0x1] =	stream.indirect_vreg.gather [hbm4b:s3+s2], $0x80, v2, vm0, $0xb8;
	[tilespmem:$0x10080] =	vst v63  }
0x230: {  	s21 =	simm.s32 $0x880  }
0x231: {  	[tilespmem:s21], [sflag:$0x1] =	stream.indirect_vreg.gather [hbm4b:s4+s2], $0x80, v2, vm0, $0xb8;
	[tilespmem:$0x10080] =	vst v63  }
0x232: {  	s22 =	simm.s32 $0x1080  }
0x233: {  	[tilespmem:s22], [sflag:$0x1] =	stream.indirect_vreg.gather [hbm4b:s5+s2], $0x80, v2, vm0, $0xb8;
	[tilespmem:$0x10080] =	vst v63  }
0x234: {  	s23 =	simm.s32 $0x1880  }
0x235: {  	[tilespmem:s23], [sflag:$0x1] =	stream.indirect_vreg.gather [hbm4b:s6+s2], $0x80, v2, vm0, $0xb8;
	[tilespmem:$0x10080] =	vst v63  }
0x236: {  	s24 =	simm.s32 $0x2080  }
0x237: {  	[tilespmem:s24], [sflag:$0x1] =	stream.indirect_vreg.gather [hbm4b:s7+s2], $0x80, v2, vm0, $0xb8;
	[tilespmem:$0x10080] =	vst v63  }
0x238: {  	s25 =	simm.s32 $0x2880  }
0x239: {  	[tilespmem:s25], [sflag:$0x1] =	stream.indirect_vreg.gather [hbm4b:s8+s2], $0x80, v2, vm0, $0xb8;
	[tilespmem:$0x10080] =	vst v63  }
0x23a: {  	s31 =	simm.s32 $0x3080  }
0x23b: {  	[tilespmem:s31], [sflag:$0x1] =	stream.indirect_vreg.gather [hbm4b:s9+s2], $0x80, v2, vm0, $0xb8;
	[tilespmem:$0x10080] =	vst v63  }
0x23c: {  	s21 =	simm.s32 $0x3880  }
0x23d: {  	[tilespmem:s21], [sflag:$0x1] =	stream.indirect_vreg.gather [hbm4b:s10+s2], $0x80, v2, vm0, $0xb8;
	[tilespmem:$0x10080] =	vst v63  }
0x23e: {  	s22 =	simm.s32 $0x4080  }
0x23f: {  	[tilespmem:s22], [sflag:$0x1] =	stream.indirect_vreg.gather [hbm4b:s11+s2], $0x80, v2, vm0, $0xb8;
	[tilespmem:$0x10080] =	vst v63  }
0x240: {  	s23 =	simm.s32 $0x4880  }
0x241: {  	[tilespmem:s23], [sflag:$0x1] =	stream.indirect_vreg.gather [hbm4b:s12+s2], $0x80, v2, vm0, $0xb8;
	[tilespmem:$0x10080] =	vst v63  }
0x242: {  	s24 =	simm.s32 $0x5080  }
0x243: {  	[tilespmem:s24], [sflag:$0x1] =	stream.indirect_vreg.gather [hbm4b:s13+s2], $0x80, v2, vm0, $0xb8;
	[tilespmem:$0x10080] =	vst v63  }
0x244: {  	s25 =	simm.s32 $0x5880  }
0x245: {  	[tilespmem:s25], [sflag:$0x1] =	stream.indirect_vreg.gather [hbm4b:s14+s2], $0x80, v2, vm0, $0xb8;
	[tilespmem:$0x10080] =	vst v63  }
0x246: {  	s31 =	simm.s32 $0x6080  }
0x247: {  	[tilespmem:s31], [sflag:$0x1] =	stream.indirect_vreg.gather [hbm4b:s15+s2], $0x80, v2, vm0, $0xb8;
	[tilespmem:$0x10080] =	vst v63  }
0x248: {  	s21 =	simm.s32 $0x6880  }
0x249: {  	[tilespmem:s21], [sflag:$0x1] =	stream.indirect_vreg.gather [hbm4b:s16+s2], $0x80, v2, vm0, $0xb8;
	[tilespmem:$0x10080] =	vst v63  }
0x24a: {  	s22 =	simm.s32 $0x7080  }
0x24b: {  	[tilespmem:s22], [sflag:$0x1] =	stream.indirect_vreg.gather [hbm4b:s17+s2], $0x80, v2, vm0, $0xb8;
	[tilespmem:$0x10080] =	vst v63  }
0x24c: {  	s20 =	simm.s32 $0x7880  }
0x24d: {  	[tilespmem:s20], [sflag:$0x1] =	stream.indirect_vreg.gather [hbm4b:s18+s2], $0x80, v2, vm0, $0xb8;
	[tilespmem:$0x10080] =	vst v63  }
0x24e: {  	_ =	swait.ge [sflag:s29], $0x8000  }
0x24f: {  	[sflag:s29] =	ssyncset.done $0x0  }
0x250: {  	s0 =	simm.s32 $0x8080;
	s23 =	rddreg [dreg:$0xf];
	[sflag:s29] =	ssyncadd.s32 $0xFFFF8000  }
0x251: {  	[hbm4b:s23+s2] =	stream.linear.scatter [tilespmem:s0], [sflag:$0x4], $0x8000, $0x38;
	[tilespmem:$0x10080] =	vst v63  }
0x252: {  	_ =	swait.ge [sflag:s26], $0x8000  }
0x253: {  	[sflag:s26] =	ssyncset.done $0x0  }
0x254: {  	s25 =	simm.s32 $0x5;
	s24 =	rddreg [dreg:$0x10];
	[sflag:s26] =	ssyncadd.s32 $0xFFFF8000  }
0x255: {  	[hbm4b:s24+s2] =	stream.linear.scatter [tilespmem:s1], [sflag:$0x5], $0x8000, $0x38;
	[tilespmem:$0x10080] =	vst v63  }
0x256: {  	_ =	swait.ge [sflag:s25], $0x8000  }
0x257: {  	s31 =	rddreg [dreg:$0x11]  }
0x258: {  	p0 =	sne.s32 s31, $0x1  }
.Ltmp0:
0x259: {  	[sflag:s25] =	ssyncset.done $0x0;
	(pc) =	sbr.rel @p0 .LBB2_1-.Ltmp0, $4  }
0x25a: {  	[sflag:s25] =	ssyncadd.s32 $0xFFFF8000  }
0x25b: {  	_ =	swait.ge [sflag:s30], $0x8000  }
0x25c: {  	[sflag:s30] =	ssyncset.done $0x0  }
0x25d: {  	s0 =	sadd.s32 $0xFFFFFFFF, s31;
	[sflag:s30] =	ssyncadd.s32 $0xFFFF8000  }
0x25e: {  	_ =	sfence.sel $0x180000  }
0x25f: {  	[bflag:$0x0] =	sbarrier.arrive $0xFFFF  }
0x260: {  	_ =	strace $0x90000047  }
0x261: {  	s0 =	stileid.u32;
	[bflag:$0x2] =	sbarrier.arrive $0xFFFF  }
0x262: {  	p0 =	sne.s32 s0, $0x0;
	s0 =	rddreg [dreg:$0x2]  }
0x263: {  	s0 =	sadd.s32 @!p0 $0x100000, s0  }
0x264: {  	[sflag:s0] =	ssyncadd.tile.s32 @!p0 $0x1;
	_ =	shalt  }
.Lfunc_end2:
_tile_overlayer_lowered:
.L_overlay_start_2:
0x265: {  	(tag) =	ssettag $0x2  }
0x266: {  	s0 =	rddreg [dreg:$0x0];
	s2 =	stileid.u32  }
0x267: {  	s1 =	rddreg [dreg:$0x1];
	p0 =	sne.s32 s2, $0x0  }
0x268: {  	s3 =	rddreg [dreg:$0x2];
	[bflag:$0x3] =	sbarrier.arrive $0xFFFF;
	s2 =	simm.s32 @!p0 $0x1C05  }
0x269: {  	[timem:s3], [sflag:s2] =	dma.local @!p0 [hbm:s0], s1  }
0x26a: {  	s0 =	simm.s32 @!p0 $0x5  }
0x26b: {  	_ =	swait.ge @!p0 [sflag:s0], s1  }
0x26c: {  	s1 =	ssub.s32 @!p0 $0x0, s1;
	[sflag:s0] =	ssyncset.done @!p0 $0x0  }
0x26d: {  	[sflag:s0] =	ssyncadd.s32 @!p0 s1  }
0x26e: {  	[bflag:$0x3] =	sbarrier.arrive $0xFFFF  }
0x26f: {  	_ =	shalt  }

</sc_bundles>
